<compile_context>
chip_gen: v7x
topology: tpu7x:2x2x1
jax: 0.10.2.dev20260603
libtpu: 0.0.44.dev20260713+nightly
codegen_flags: <defaults>
</compile_context>

<pallas_src>
import math

import jax
import jax.numpy as jnp
from jax import lax
from jax.experimental import pallas as pl
from jax.experimental.pallas import tpu as pltpu
from jax.experimental.pallas import tpu_sc as plsc

VOCAB = 100000
EMB = 128
B = 1024
S = 200
SCALE = math.sqrt(EMB)

NC, NS = 2, 16
NW = NC * NS
ROWS = B * S
ROWS_PER_W = ROWS // NW
CHUNK = 128
NCHUNK = ROWS_PER_W // CHUNK
NBUF = 5
LANES = 16
SUB = EMB // LANES


def _sc_body(table_hbm, idx_hbm, pe_hbm, out_hbm, idx_v, pe_v, bufs, *sems):
    sem_in, sem_out, sem_pe = sems[:NBUF], sems[NBUF:2 * NBUF], sems[2 * NBUF]
    wid = lax.axis_index("s") * NC + lax.axis_index("c")
    base = wid * ROWS_PER_W

    pltpu.sync_copy(idx_hbm.at[wid], idx_v)
    pe_copy = pltpu.async_copy(pe_hbm, pe_v, sem_pe)

    def gather_start(c, b):
        pltpu.async_copy(table_hbm.at[idx_v.at[c]], bufs.at[b], sem_in[b])

    def gather_wait(b):
        pltpu.make_async_copy(
            out_hbm.at[pl.ds(0, CHUNK)], bufs.at[b], sem_in[b]
        ).wait()

    def out_start(c, b):
        pltpu.async_copy(
            bufs.at[b], out_hbm.at[pl.ds(base + c * CHUNK, CHUNK)], sem_out[b]
        )

    def out_wait(b):
        pltpu.make_async_copy(
            bufs.at[b], out_hbm.at[pl.ds(0, CHUNK)], sem_out[b]
        ).wait()

    def compute(c, b):
        buf = bufs.at[b]

        @plsc.parallel_loop(0, CHUNK, 1, unroll=2)
        def _(i):
            s = lax.rem(c * CHUNK + i, S)
            for h in range(SUB):
                sl = pl.ds(h * LANES, LANES)
                buf[i, sl] = buf[i, sl] * SCALE + pe_v[s, sl]

    for c in range(NBUF - 1):
        gather_start(c, c)
    pe_copy.wait()

    @pl.loop(0, NCHUNK // NBUF)
    def _(g):
        c0 = g * NBUF
        for j in range(NBUF):
            c = c0 + j
            gather_wait(j)
            compute(c, j)
            out_start(c, j)
            d = c + NBUF - 1
            bd = (j + NBUF - 1) % NBUF
            if j == 0:
                @pl.when(g > 0)
                def _():
                    out_wait(bd)
                    gather_start(d, bd)

                @pl.when(g == 0)
                def _():
                    gather_start(d, bd)
            else:
                @pl.when(d < NCHUNK)
                def _():
                    out_wait(bd)
                    gather_start(d, bd)

    for b in range(NBUF):
        out_wait(b)


@jax.jit
def _embed(table, idx, pe):
    mesh = plsc.VectorSubcoreMesh(
        core_axis_name="c", subcore_axis_name="s", num_cores=NC, num_subcores=NS
    )
    return pl.kernel(
        _sc_body,
        out_type=jax.ShapeDtypeStruct((ROWS, EMB), jnp.float32),
        mesh=mesh,
        scratch_types=[
            pltpu.VMEM((NCHUNK, CHUNK), jnp.int32),
            pltpu.VMEM((S, EMB), jnp.float32),
            pltpu.VMEM((NBUF, CHUNK, EMB), jnp.float32),
        ] + [pltpu.SemaphoreType.DMA] * (2 * NBUF + 1),
    )(table, idx, pe)


def kernel(token_sequences, embedding_weight, positional_embedding):
    idx = token_sequences.astype(jnp.int32).reshape(NW, NCHUNK, CHUNK)
    pe = positional_embedding[0, :S, :]
    out = _embed(embedding_weight, idx, pe)
    return out.reshape(B, S, EMB)

# --- scband reference (transcript-rebuilt; emitter-appended) ---
"""Pipeline reference for scband-token-embedding-47373489275300 (READ-ONLY COPY).

The authoritative reference and input builder live on the scoring server;
editing this copy changes nothing except your own understanding.
"""

import jax, jax.numpy as jnp
import numpy as np
import math

VOCAB = 100000
EMB = 128
MAX_LEN = 200
B = 1024
S = 200


def setup_inputs(seed: int = 0) -> dict:
    key = jax.random.key(seed)
    k1, k2, k3 = jax.random.split(key, 3)
    token_sequences = jax.random.randint(k1, (B, S), 0, VOCAB)
    embedding_weight = jax.random.normal(k2, (VOCAB, EMB), dtype=jnp.float32)
    positional_embedding = jax.random.normal(k3, (1, MAX_LEN + 2, EMB), dtype=jnp.float32)
    return {
        "token_sequences": token_sequences,
        "embedding_weight": embedding_weight,
        "positional_embedding": positional_embedding,
    }


def reference(token_sequences, embedding_weight, positional_embedding):
    # x = self.embedding(token_sequences) * sqrt(emb_size)
    x = jnp.take(embedding_weight, token_sequences, axis=0) * math.sqrt(EMB)
    # learn_pos == True branch
    x_batch_size = x.shape[0]
    x_seq_len = x.shape[1]
    pe = positional_embedding[:, :x_seq_len]
    pe_stack = jnp.tile(pe, (x_batch_size, 1, 1))
    return x + pe_stack

if __name__ == "__main__":
    import jax
    _d = setup_inputs()
    print(jax.jit(kernel)(*tuple(_d.values())))

</pallas_src>

<mosaic_0001>
#map = affine_map<(d0, d1) -> (0, 0)>
#map1 = affine_map<(d0, d1) -> (0, 0, 0)>
module attributes {stable_mosaic.version = 14 : i64} {
  func.func @_sc_body(%arg0: i32, %arg1: i32, %arg2: memref<100000x128xf32, #tpu.memory_space<hbm>>, %arg3: memref<32x50x128xi32, #tpu.memory_space<hbm>>, %arg4: memref<200x128xf32, #tpu.memory_space<hbm>>, %arg5: memref<204800x128xf32, #tpu.memory_space<hbm>>, %arg6: memref<50x128xi32, #tpu.memory_space<vmem>>, %arg7: memref<200x128xf32, #tpu.memory_space<vmem>>, %arg8: memref<5x128x128xf32, #tpu.memory_space<vmem>>, %arg9: memref<!tpu.dma_semaphore, #tpu.memory_space<semaphore_mem>>, %arg10: memref<!tpu.dma_semaphore, #tpu.memory_space<semaphore_mem>>, %arg11: memref<!tpu.dma_semaphore, #tpu.memory_space<semaphore_mem>>, %arg12: memref<!tpu.dma_semaphore, #tpu.memory_space<semaphore_mem>>, %arg13: memref<!tpu.dma_semaphore, #tpu.memory_space<semaphore_mem>>, %arg14: memref<!tpu.dma_semaphore, #tpu.memory_space<semaphore_mem>>, %arg15: memref<!tpu.dma_semaphore, #tpu.memory_space<semaphore_mem>>, %arg16: memref<!tpu.dma_semaphore, #tpu.memory_space<semaphore_mem>>, %arg17: memref<!tpu.dma_semaphore, #tpu.memory_space<semaphore_mem>>, %arg18: memref<!tpu.dma_semaphore, #tpu.memory_space<semaphore_mem>>, %arg19: memref<!tpu.dma_semaphore, #tpu.memory_space<semaphore_mem>>) attributes {dimension_semantics = [#tpu.dimension_semantics<core_parallel>, #tpu.dimension_semantics<subcore_parallel>], iteration_bounds = array<i64: 2, 16>, scalar_prefetch = 0 : i64, scratch_operands = 14 : i64, tpu.core_type = #tpu.core_type<sc_vector_subcore>, window_params = [{transform_indices = #map}, {transform_indices = #map1}, {transform_indices = #map}, {transform_indices = #map}]} {
    %mul3A = arith.constant 2 : i32
    %mul3A_0 = arith.muli %arg1, %mul3A : i32
    %add3A = arith.addi %mul3A_0, %arg0 : i32
    %mul3A_1 = arith.constant 6400 : i32
    %mul3A_2 = arith.muli %add3A, %mul3A_1 : i32
    "tpu.region"() ({
      %run_scoped3A = tpu.sem_alloc : memref<!tpu.dma_semaphore, #tpu.memory_space<semaphore_mem>>
      %dma_start3A_128 = arith.constant 0 : i32
      %dma_start3A_129 = arith.constant 0 : i32
      %dma_start3A_130 = tpu.memref_slice %arg3[%add3A, %dma_start3A_128, %dma_start3A_129] : memref<32x50x128xi32, #tpu.memory_space<hbm>> -> memref<1x50x128xi32, #tpu.memory_space<hbm>>
      %dma_start3A_131 = tpu.memref_squeeze %dma_start3A_130 : memref<1x50x128xi32, #tpu.memory_space<hbm>> -> memref<50x128xi32, #tpu.memory_space<hbm>>
      %dma_start3A_132 = arith.constant 0 : i32
      %dma_start3A_133 = arith.constant 0 : i32
      %dma_start3A_134 = tpu.memref_slice %arg3[%add3A, %dma_start3A_132, %dma_start3A_133] : memref<32x50x128xi32, #tpu.memory_space<hbm>> -> memref<1x50x128xi32, #tpu.memory_space<hbm>>
      %dma_start3A_135 = tpu.memref_squeeze %dma_start3A_134 : memref<1x50x128xi32, #tpu.memory_space<hbm>> -> memref<50x128xi32, #tpu.memory_space<hbm>>
      tpu.enqueue_dma source(%dma_start3A_135 : memref<50x128xi32, #tpu.memory_space<hbm>>) target(%arg6 : memref<50x128xi32, #tpu.memory_space<vmem>>) target_semaphore(%run_scoped3A : memref<!tpu.dma_semaphore, #tpu.memory_space<semaphore_mem>>)
      %dma_wait3A_136 = arith.constant 0 : i32
      %dma_wait3A_137 = arith.constant 0 : i32
      %dma_wait3A_138 = tpu.memref_slice %arg3[%add3A, %dma_wait3A_136, %dma_wait3A_137] : memref<32x50x128xi32, #tpu.memory_space<hbm>> -> memref<1x50x128xi32, #tpu.memory_space<hbm>>
      %dma_wait3A_139 = tpu.memref_squeeze %dma_wait3A_138 : memref<1x50x128xi32, #tpu.memory_space<hbm>> -> memref<50x128xi32, #tpu.memory_space<hbm>>
      %dma_wait3A_140 = arith.constant 0 : i32
      %dma_wait3A_141 = arith.constant 0 : i32
      %dma_wait3A_142 = tpu.memref_slice %arg3[%add3A, %dma_wait3A_140, %dma_wait3A_141] : memref<32x50x128xi32, #tpu.memory_space<hbm>> -> memref<1x50x128xi32, #tpu.memory_space<hbm>>
      %dma_wait3A_143 = tpu.memref_squeeze %dma_wait3A_142 : memref<1x50x128xi32, #tpu.memory_space<hbm>> -> memref<50x128xi32, #tpu.memory_space<hbm>>
      tpu.wait_dma2 semaphore(%run_scoped3A : memref<!tpu.dma_semaphore, #tpu.memory_space<semaphore_mem>>) src(%dma_wait3A_143 : memref<50x128xi32, #tpu.memory_space<hbm>>) dst(%arg6 : memref<50x128xi32, #tpu.memory_space<vmem>>)
      tpu.yield
    }) : () -> ()
    tpu.enqueue_dma source(%arg4 : memref<200x128xf32, #tpu.memory_space<hbm>>) target(%arg7 : memref<200x128xf32, #tpu.memory_space<vmem>>) target_semaphore(%arg19 : memref<!tpu.dma_semaphore, #tpu.memory_space<semaphore_mem>>)
    %dma_start3A = arith.constant 0 : i32
    %dma_start3A_3 = arith.constant 0 : i32
    %dma_start3A_4 = arith.constant 0 : i32
    %dma_start3A_5 = arith.constant 0 : i32
    %dma_start3A_6 = tpu.memref_slice %arg8[%dma_start3A_3, %dma_start3A_4, %dma_start3A_5] : memref<5x128x128xf32, #tpu.memory_space<vmem>> -> memref<1x128x128xf32, #tpu.memory_space<vmem>>
    %dma_start3A_7 = tpu.memref_squeeze %dma_start3A_6 : memref<1x128x128xf32, #tpu.memory_space<vmem>> -> memref<128x128xf32, #tpu.memory_space<vmem>>
    %dma_start3A_8 = arith.constant 0 : i32
    %dma_start3A_9 = tpu.memref_slice %arg6[%dma_start3A, %dma_start3A_8] : memref<50x128xi32, #tpu.memory_space<vmem>> -> memref<1x128xi32, #tpu.memory_space<vmem>>
    %dma_start3A_10 = tpu.memref_squeeze %dma_start3A_9 : memref<1x128xi32, #tpu.memory_space<vmem>> -> memref<128xi32, #tpu.memory_space<vmem>>
    %dma_start3A_11 = arith.constant 0 : i32
    %dma_start3A_12 = arith.constant 0 : i32
    %dma_start3A_13 = tpu.memref_slice %arg2[%dma_start3A_11, %dma_start3A_12] : memref<100000x128xf32, #tpu.memory_space<hbm>> -> memref<100000x128xf32, #tpu.memory_space<hbm>>
    tpu.enqueue_indirect_dma source(%dma_start3A_13 : memref<100000x128xf32, #tpu.memory_space<hbm>>) target(%dma_start3A_7 : memref<128x128xf32, #tpu.memory_space<vmem>>) offsets(%dma_start3A_10 : memref<128xi32, #tpu.memory_space<vmem>>) semaphore(%arg9 : memref<!tpu.dma_semaphore, #tpu.memory_space<semaphore_mem>>)
    %dma_start3A_14 = arith.constant 1 : i32
    %dma_start3A_15 = arith.constant 1 : i32
    %dma_start3A_16 = arith.constant 0 : i32
    %dma_start3A_17 = arith.constant 0 : i32
    %dma_start3A_18 = tpu.memref_slice %arg8[%dma_start3A_15, %dma_start3A_16, %dma_start3A_17] : memref<5x128x128xf32, #tpu.memory_space<vmem>> -> memref<1x128x128xf32, #tpu.memory_space<vmem>>
    %dma_start3A_19 = tpu.memref_squeeze %dma_start3A_18 : memref<1x128x128xf32, #tpu.memory_space<vmem>> -> memref<128x128xf32, #tpu.memory_space<vmem>>
    %dma_start3A_20 = arith.constant 0 : i32
    %dma_start3A_21 = tpu.memref_slice %arg6[%dma_start3A_14, %dma_start3A_20] : memref<50x128xi32, #tpu.memory_space<vmem>> -> memref<1x128xi32, #tpu.memory_space<vmem>>
    %dma_start3A_22 = tpu.memref_squeeze %dma_start3A_21 : memref<1x128xi32, #tpu.memory_space<vmem>> -> memref<128xi32, #tpu.memory_space<vmem>>
    %dma_start3A_23 = arith.constant 0 : i32
    %dma_start3A_24 = arith.constant 0 : i32
    %dma_start3A_25 = tpu.memref_slice %arg2[%dma_start3A_23, %dma_start3A_24] : memref<100000x128xf32, #tpu.memory_space<hbm>> -> memref<100000x128xf32, #tpu.memory_space<hbm>>
    tpu.enqueue_indirect_dma source(%dma_start3A_25 : memref<100000x128xf32, #tpu.memory_space<hbm>>) target(%dma_start3A_19 : memref<128x128xf32, #tpu.memory_space<vmem>>) offsets(%dma_start3A_22 : memref<128xi32, #tpu.memory_space<vmem>>) semaphore(%arg10 : memref<!tpu.dma_semaphore, #tpu.memory_space<semaphore_mem>>)
    %dma_start3A_26 = arith.constant 2 : i32
    %dma_start3A_27 = arith.constant 2 : i32
    %dma_start3A_28 = arith.constant 0 : i32
    %dma_start3A_29 = arith.constant 0 : i32
    %dma_start3A_30 = tpu.memref_slice %arg8[%dma_start3A_27, %dma_start3A_28, %dma_start3A_29] : memref<5x128x128xf32, #tpu.memory_space<vmem>> -> memref<1x128x128xf32, #tpu.memory_space<vmem>>
    %dma_start3A_31 = tpu.memref_squeeze %dma_start3A_30 : memref<1x128x128xf32, #tpu.memory_space<vmem>> -> memref<128x128xf32, #tpu.memory_space<vmem>>
    %dma_start3A_32 = arith.constant 0 : i32
    %dma_start3A_33 = tpu.memref_slice %arg6[%dma_start3A_26, %dma_start3A_32] : memref<50x128xi32, #tpu.memory_space<vmem>> -> memref<1x128xi32, #tpu.memory_space<vmem>>
    %dma_start3A_34 = tpu.memref_squeeze %dma_start3A_33 : memref<1x128xi32, #tpu.memory_space<vmem>> -> memref<128xi32, #tpu.memory_space<vmem>>
    %dma_start3A_35 = arith.constant 0 : i32
    %dma_start3A_36 = arith.constant 0 : i32
    %dma_start3A_37 = tpu.memref_slice %arg2[%dma_start3A_35, %dma_start3A_36] : memref<100000x128xf32, #tpu.memory_space<hbm>> -> memref<100000x128xf32, #tpu.memory_space<hbm>>
    tpu.enqueue_indirect_dma source(%dma_start3A_37 : memref<100000x128xf32, #tpu.memory_space<hbm>>) target(%dma_start3A_31 : memref<128x128xf32, #tpu.memory_space<vmem>>) offsets(%dma_start3A_34 : memref<128xi32, #tpu.memory_space<vmem>>) semaphore(%arg11 : memref<!tpu.dma_semaphore, #tpu.memory_space<semaphore_mem>>)
    %dma_start3A_38 = arith.constant 3 : i32
    %dma_start3A_39 = arith.constant 3 : i32
    %dma_start3A_40 = arith.constant 0 : i32
    %dma_start3A_41 = arith.constant 0 : i32
    %dma_start3A_42 = tpu.memref_slice %arg8[%dma_start3A_39, %dma_start3A_40, %dma_start3A_41] : memref<5x128x128xf32, #tpu.memory_space<vmem>> -> memref<1x128x128xf32, #tpu.memory_space<vmem>>
    %dma_start3A_43 = tpu.memref_squeeze %dma_start3A_42 : memref<1x128x128xf32, #tpu.memory_space<vmem>> -> memref<128x128xf32, #tpu.memory_space<vmem>>
    %dma_start3A_44 = arith.constant 0 : i32
    %dma_start3A_45 = tpu.memref_slice %arg6[%dma_start3A_38, %dma_start3A_44] : memref<50x128xi32, #tpu.memory_space<vmem>> -> memref<1x128xi32, #tpu.memory_space<vmem>>
    %dma_start3A_46 = tpu.memref_squeeze %dma_start3A_45 : memref<1x128xi32, #tpu.memory_space<vmem>> -> memref<128xi32, #tpu.memory_space<vmem>>
    %dma_start3A_47 = arith.constant 0 : i32
    %dma_start3A_48 = arith.constant 0 : i32
    %dma_start3A_49 = tpu.memref_slice %arg2[%dma_start3A_47, %dma_start3A_48] : memref<100000x128xf32, #tpu.memory_space<hbm>> -> memref<100000x128xf32, #tpu.memory_space<hbm>>
    tpu.enqueue_indirect_dma source(%dma_start3A_49 : memref<100000x128xf32, #tpu.memory_space<hbm>>) target(%dma_start3A_43 : memref<128x128xf32, #tpu.memory_space<vmem>>) offsets(%dma_start3A_46 : memref<128xi32, #tpu.memory_space<vmem>>) semaphore(%arg12 : memref<!tpu.dma_semaphore, #tpu.memory_space<semaphore_mem>>)
    tpu.wait_dma2 semaphore(%arg19 : memref<!tpu.dma_semaphore, #tpu.memory_space<semaphore_mem>>) src(%arg4 : memref<200x128xf32, #tpu.memory_space<hbm>>) dst(%arg7 : memref<200x128xf32, #tpu.memory_space<vmem>>)
    %scan3A = arith.constant 0 : i32
    %scan3A_50 = arith.constant 10 : i32
    %scan3A_51 = arith.addi %scan3A, %scan3A_50 : i32
    %scan3A_52 = arith.constant 1 : i32
    scf.for %scan3A_128 = %scan3A to %scan3A_51 step %scan3A_52  : i32 {
      %mul3A_129 = arith.constant 1 : i32
      %mul3A_130 = arith.muli %scan3A_128, %mul3A_129 : i32
      %add3A_131 = arith.constant 0 : i32
      %add3A_132 = arith.addi %add3A_131, %mul3A_130 : i32
      %mul3A_133 = arith.constant 5 : i32
      %mul3A_134 = arith.muli %add3A_132, %mul3A_133 : i32
      %add3A_135 = arith.constant 0 : i32
      %add3A_136 = arith.addi %mul3A_134, %add3A_135 : i32
      %dma_wait3A_137 = arith.constant 0 : i32
      %dma_wait3A_138 = arith.constant 0 : i32
      %dma_wait3A_139 = arith.constant 0 : i32
      %dma_wait3A_140 = tpu.memref_slice %arg8[%dma_wait3A_137, %dma_wait3A_138, %dma_wait3A_139] : memref<5x128x128xf32, #tpu.memory_space<vmem>> -> memref<1x128x128xf32, #tpu.memory_space<vmem>>
      %dma_wait3A_141 = tpu.memref_squeeze %dma_wait3A_140 : memref<1x128x128xf32, #tpu.memory_space<vmem>> -> memref<128x128xf32, #tpu.memory_space<vmem>>
      %dma_wait3A_142 = arith.constant 0 : i32
      %dma_wait3A_143 = arith.constant 0 : i32
      %dma_wait3A_144 = tpu.memref_slice %arg5[%dma_wait3A_142, %dma_wait3A_143] : memref<204800x128xf32, #tpu.memory_space<hbm>> -> memref<128x128xf32, #tpu.memory_space<hbm>>
      %dma_wait3A_145 = arith.constant 0 : i32
      %dma_wait3A_146 = arith.constant 0 : i32
      %dma_wait3A_147 = tpu.memref_slice %arg8[%dma_wait3A_137, %dma_wait3A_145, %dma_wait3A_146] : memref<5x128x128xf32, #tpu.memory_space<vmem>> -> memref<1x128x128xf32, #tpu.memory_space<vmem>>
      %dma_wait3A_148 = tpu.memref_squeeze %dma_wait3A_147 : memref<1x128x128xf32, #tpu.memory_space<vmem>> -> memref<128x128xf32, #tpu.memory_space<vmem>>
      %dma_wait3A_149 = arith.constant 0 : i32
      %dma_wait3A_150 = arith.constant 0 : i32
      %dma_wait3A_151 = tpu.memref_slice %arg5[%dma_wait3A_149, %dma_wait3A_150] : memref<204800x128xf32, #tpu.memory_space<hbm>> -> memref<128x128xf32, #tpu.memory_space<hbm>>
      tpu.wait_dma2 semaphore(%arg9 : memref<!tpu.dma_semaphore, #tpu.memory_space<semaphore_mem>>) src(%dma_wait3A_151 : memref<128x128xf32, #tpu.memory_space<hbm>>) dst(%dma_wait3A_148 : memref<128x128xf32, #tpu.memory_space<vmem>>)
      %parallel_loop3A = arith.constant 0 : i32
      %parallel_loop3A_152 = arith.constant 128 : i32
      %parallel_loop3A_153 = arith.constant 1 : i32
      %parallel_loop3A_154 = arith.constant 0 : i32
      scf.for %parallel_loop3A_363 = %parallel_loop3A to %parallel_loop3A_152 step %parallel_loop3A_153  : i32 {
        %parallel_loop3A_364 = arith.constant 128 : i32
        %parallel_loop3A_365 = arith.muli %add3A_136, %parallel_loop3A_364 : i32
        %parallel_loop3A_366 = arith.addi %parallel_loop3A_365, %parallel_loop3A_363 : i32
        %parallel_loop3A_367 = arith.constant 200 : i32
        %parallel_loop3A_368 = arith.remsi %parallel_loop3A_366, %parallel_loop3A_367 : i32
        %parallel_loop3A_369 = arith.constant 0 : i32
        %parallel_loop3A_370 = arith.constant 0 : i32
        %parallel_loop3A_371 = tpu.memref_slice %arg8[%parallel_loop3A_154, %parallel_loop3A_369, %parallel_loop3A_370] : memref<5x128x128xf32, #tpu.memory_space<vmem>> -> memref<1x128x128xf32, #tpu.memory_space<vmem>>
        %parallel_loop3A_372 = tpu.memref_squeeze %parallel_loop3A_371 : memref<1x128x128xf32, #tpu.memory_space<vmem>> -> memref<128x128xf32, #tpu.memory_space<vmem>>
        %parallel_loop3A_373 = arith.index_cast %parallel_loop3A_363 : i32 to index
        %parallel_loop3A_374 = arith.constant 0 : index
        %parallel_loop3A_375 = tpu.vector_load %parallel_loop3A_372[%parallel_loop3A_373, %parallel_loop3A_374] {strides = array<i32>} : memref<128x128xf32, #tpu.memory_space<vmem>>, vector<1x16xf32>,
        %parallel_loop3A_376 = vector.shape_cast %parallel_loop3A_375 : vector<1x16xf32> to vector<16xf32>
        %parallel_loop3A_377 = arith.constant 11.3137083 : f32
        %parallel_loop3A_378 = vector.broadcast %parallel_loop3A_377 : f32 to vector<16xf32>
        %parallel_loop3A_379 = arith.mulf %parallel_loop3A_376, %parallel_loop3A_378 : vector<16xf32>
        %parallel_loop3A_380 = arith.index_cast %parallel_loop3A_368 : i32 to index
        %parallel_loop3A_381 = arith.constant 0 : index
        %parallel_loop3A_382 = tpu.vector_load %arg7[%parallel_loop3A_380, %parallel_loop3A_381] {strides = array<i32>} : memref<200x128xf32, #tpu.memory_space<vmem>>, vector<1x16xf32>,
        %parallel_loop3A_383 = vector.shape_cast %parallel_loop3A_382 : vector<1x16xf32> to vector<16xf32>
        %parallel_loop3A_384 = arith.addf %parallel_loop3A_379, %parallel_loop3A_383 : vector<16xf32>
        %parallel_loop3A_385 = arith.constant 0 : i32
        %parallel_loop3A_386 = arith.constant 0 : i32
        %parallel_loop3A_387 = tpu.memref_slice %arg8[%parallel_loop3A_154, %parallel_loop3A_385, %parallel_loop3A_386] : memref<5x128x128xf32, #tpu.memory_space<vmem>> -> memref<1x128x128xf32, #tpu.memory_space<vmem>>
        %parallel_loop3A_388 = tpu.memref_squeeze %parallel_loop3A_387 : memref<1x128x128xf32, #tpu.memory_space<vmem>> -> memref<128x128xf32, #tpu.memory_space<vmem>>
        %parallel_loop3A_389 = arith.index_cast %parallel_loop3A_363 : i32 to index
        %parallel_loop3A_390 = arith.constant 0 : index
        %parallel_loop3A_391 = tpu.vector_load %parallel_loop3A_388[%parallel_loop3A_389, %parallel_loop3A_390] {strides = array<i32>} : memref<128x128xf32, #tpu.memory_space<vmem>>, vector<1x16xf32>,
        %parallel_loop3A_392 = vector.shape_cast %parallel_loop3A_391 : vector<1x16xf32> to vector<16xf32>
        %parallel_loop3A_393 = vector.shape_cast %parallel_loop3A_384 : vector<16xf32> to vector<1x16xf32>
        tpu.vector_store %parallel_loop3A_388[%parallel_loop3A_389, %parallel_loop3A_390], %parallel_loop3A_393 {strides = array<i32>} : memref<128x128xf32, #tpu.memory_space<vmem>>, vector<1x16xf32>,
        %parallel_loop3A_394 = arith.constant 0 : i32
        %parallel_loop3A_395 = arith.constant 0 : i32
        %parallel_loop3A_396 = tpu.memref_slice %arg8[%parallel_loop3A_154, %parallel_loop3A_394, %parallel_loop3A_395] : memref<5x128x128xf32, #tpu.memory_space<vmem>> -> memref<1x128x128xf32, #tpu.memory_space<vmem>>
        %parallel_loop3A_397 = tpu.memref_squeeze %parallel_loop3A_396 : memref<1x128x128xf32, #tpu.memory_space<vmem>> -> memref<128x128xf32, #tpu.memory_space<vmem>>
        %parallel_loop3A_398 = arith.index_cast %parallel_loop3A_363 : i32 to index
        %parallel_loop3A_399 = arith.constant 16 : index
        %parallel_loop3A_400 = tpu.vector_load %parallel_loop3A_397[%parallel_loop3A_398, %parallel_loop3A_399] {strides = array<i32>} : memref<128x128xf32, #tpu.memory_space<vmem>>, vector<1x16xf32>,
        %parallel_loop3A_401 = vector.shape_cast %parallel_loop3A_400 : vector<1x16xf32> to vector<16xf32>
        %parallel_loop3A_402 = arith.constant 11.3137083 : f32
        %parallel_loop3A_403 = vector.broadcast %parallel_loop3A_402 : f32 to vector<16xf32>
        %parallel_loop3A_404 = arith.mulf %parallel_loop3A_401, %parallel_loop3A_403 : vector<16xf32>
        %parallel_loop3A_405 = arith.index_cast %parallel_loop3A_368 : i32 to index
        %parallel_loop3A_406 = arith.constant 16 : index
        %parallel_loop3A_407 = tpu.vector_load %arg7[%parallel_loop3A_405, %parallel_loop3A_406] {strides = array<i32>} : memref<200x128xf32, #tpu.memory_space<vmem>>, vector<1x16xf32>,
        %parallel_loop3A_408 = vector.shape_cast %parallel_loop3A_407 : vector<1x16xf32> to vector<16xf32>
        %parallel_loop3A_409 = arith.addf %parallel_loop3A_404, %parallel_loop3A_408 : vector<16xf32>
        %parallel_loop3A_410 = arith.constant 0 : i32
        %parallel_loop3A_411 = arith.constant 0 : i32
        %parallel_loop3A_412 = tpu.memref_slice %arg8[%parallel_loop3A_154, %parallel_loop3A_410, %parallel_loop3A_411] : memref<5x128x128xf32, #tpu.memory_space<vmem>> -> memref<1x128x128xf32, #tpu.memory_space<vmem>>
        %parallel_loop3A_413 = tpu.memref_squeeze %parallel_loop3A_412 : memref<1x128x128xf32, #tpu.memory_space<vmem>> -> memref<128x128xf32, #tpu.memory_space<vmem>>
        %parallel_loop3A_414 = arith.index_cast %parallel_loop3A_363 : i32 to index
        %parallel_loop3A_415 = arith.constant 16 : index
        %parallel_loop3A_416 = tpu.vector_load %parallel_loop3A_413[%parallel_loop3A_414, %parallel_loop3A_415] {strides = array<i32>} : memref<128x128xf32, #tpu.memory_space<vmem>>, vector<1x16xf32>,
        %parallel_loop3A_417 = vector.shape_cast %parallel_loop3A_416 : vector<1x16xf32> to vector<16xf32>
        %parallel_loop3A_418 = vector.shape_cast %parallel_loop3A_409 : vector<16xf32> to vector<1x16xf32>
        tpu.vector_store %parallel_loop3A_413[%parallel_loop3A_414, %parallel_loop3A_415], %parallel_loop3A_418 {strides = array<i32>} : memref<128x128xf32, #tpu.memory_space<vmem>>, vector<1x16xf32>,
        %parallel_loop3A_419 = arith.constant 0 : i32
        %parallel_loop3A_420 = arith.constant 0 : i32
        %parallel_loop3A_421 = tpu.memref_slice %arg8[%parallel_loop3A_154, %parallel_loop3A_419, %parallel_loop3A_420] : memref<5x128x128xf32, #tpu.memory_space<vmem>> -> memref<1x128x128xf32, #tpu.memory_space<vmem>>
        %parallel_loop3A_422 = tpu.memref_squeeze %parallel_loop3A_421 : memref<1x128x128xf32, #tpu.memory_space<vmem>> -> memref<128x128xf32, #tpu.memory_space<vmem>>
        %parallel_loop3A_423 = arith.index_cast %parallel_loop3A_363 : i32 to index
        %parallel_loop3A_424 = arith.constant 32 : index
        %parallel_loop3A_425 = tpu.vector_load %parallel_loop3A_422[%parallel_loop3A_423, %parallel_loop3A_424] {strides = array<i32>} : memref<128x128xf32, #tpu.memory_space<vmem>>, vector<1x16xf32>,
        %parallel_loop3A_426 = vector.shape_cast %parallel_loop3A_425 : vector<1x16xf32> to vector<16xf32>
        %parallel_loop3A_427 = arith.constant 11.3137083 : f32
        %parallel_loop3A_428 = vector.broadcast %parallel_loop3A_427 : f32 to vector<16xf32>
        %parallel_loop3A_429 = arith.mulf %parallel_loop3A_426, %parallel_loop3A_428 : vector<16xf32>
        %parallel_loop3A_430 = arith.index_cast %parallel_loop3A_368 : i32 to index
        %parallel_loop3A_431 = arith.constant 32 : index
        %parallel_loop3A_432 = tpu.vector_load %arg7[%parallel_loop3A_430, %parallel_loop3A_431] {strides = array<i32>} : memref<200x128xf32, #tpu.memory_space<vmem>>, vector<1x16xf32>,
        %parallel_loop3A_433 = vector.shape_cast %parallel_loop3A_432 : vector<1x16xf32> to vector<16xf32>
        %parallel_loop3A_434 = arith.addf %parallel_loop3A_429, %parallel_loop3A_433 : vector<16xf32>
        %parallel_loop3A_435 = arith.constant 0 : i32
        %parallel_loop3A_436 = arith.constant 0 : i32
        %parallel_loop3A_437 = tpu.memref_slice %arg8[%parallel_loop3A_154, %parallel_loop3A_435, %parallel_loop3A_436] : memref<5x128x128xf32, #tpu.memory_space<vmem>> -> memref<1x128x128xf32, #tpu.memory_space<vmem>>
        %parallel_loop3A_438 = tpu.memref_squeeze %parallel_loop3A_437 : memref<1x128x128xf32, #tpu.memory_space<vmem>> -> memref<128x128xf32, #tpu.memory_space<vmem>>
        %parallel_loop3A_439 = arith.index_cast %parallel_loop3A_363 : i32 to index
        %parallel_loop3A_440 = arith.constant 32 : index
        %parallel_loop3A_441 = tpu.vector_load %parallel_loop3A_438[%parallel_loop3A_439, %parallel_loop3A_440] {strides = array<i32>} : memref<128x128xf32, #tpu.memory_space<vmem>>, vector<1x16xf32>,
        %parallel_loop3A_442 = vector.shape_cast %parallel_loop3A_441 : vector<1x16xf32> to vector<16xf32>
        %parallel_loop3A_443 = vector.shape_cast %parallel_loop3A_434 : vector<16xf32> to vector<1x16xf32>
        tpu.vector_store %parallel_loop3A_438[%parallel_loop3A_439, %parallel_loop3A_440], %parallel_loop3A_443 {strides = array<i32>} : memref<128x128xf32, #tpu.memory_space<vmem>>, vector<1x16xf32>,
        %parallel_loop3A_444 = arith.constant 0 : i32
        %parallel_loop3A_445 = arith.constant 0 : i32
        %parallel_loop3A_446 = tpu.memref_slice %arg8[%parallel_loop3A_154, %parallel_loop3A_444, %parallel_loop3A_445] : memref<5x128x128xf32, #tpu.memory_space<vmem>> -> memref<1x128x128xf32, #tpu.memory_space<vmem>>
        %parallel_loop3A_447 = tpu.memref_squeeze %parallel_loop3A_446 : memref<1x128x128xf32, #tpu.memory_space<vmem>> -> memref<128x128xf32, #tpu.memory_space<vmem>>
        %parallel_loop3A_448 = arith.index_cast %parallel_loop3A_363 : i32 to index
        %parallel_loop3A_449 = arith.constant 48 : index
        %parallel_loop3A_450 = tpu.vector_load %parallel_loop3A_447[%parallel_loop3A_448, %parallel_loop3A_449] {strides = array<i32>} : memref<128x128xf32, #tpu.memory_space<vmem>>, vector<1x16xf32>,
        %parallel_loop3A_451 = vector.shape_cast %parallel_loop3A_450 : vector<1x16xf32> to vector<16xf32>
        %parallel_loop3A_452 = arith.constant 11.3137083 : f32
        %parallel_loop3A_453 = vector.broadcast %parallel_loop3A_452 : f32 to vector<16xf32>
        %parallel_loop3A_454 = arith.mulf %parallel_loop3A_451, %parallel_loop3A_453 : vector<16xf32>
        %parallel_loop3A_455 = arith.index_cast %parallel_loop3A_368 : i32 to index
        %parallel_loop3A_456 = arith.constant 48 : index
        %parallel_loop3A_457 = tpu.vector_load %arg7[%parallel_loop3A_455, %parallel_loop3A_456] {strides = array<i32>} : memref<200x128xf32, #tpu.memory_space<vmem>>, vector<1x16xf32>,
        %parallel_loop3A_458 = vector.shape_cast %parallel_loop3A_457 : vector<1x16xf32> to vector<16xf32>
        %parallel_loop3A_459 = arith.addf %parallel_loop3A_454, %parallel_loop3A_458 : vector<16xf32>
        %parallel_loop3A_460 = arith.constant 0 : i32
        %parallel_loop3A_461 = arith.constant 0 : i32
        %parallel_loop3A_462 = tpu.memref_slice %arg8[%parallel_loop3A_154, %parallel_loop3A_460, %parallel_loop3A_461] : memref<5x128x128xf32, #tpu.memory_space<vmem>> -> memref<1x128x128xf32, #tpu.memory_space<vmem>>
        %parallel_loop3A_463 = tpu.memref_squeeze %parallel_loop3A_462 : memref<1x128x128xf32, #tpu.memory_space<vmem>> -> memref<128x128xf32, #tpu.memory_space<vmem>>
        %parallel_loop3A_464 = arith.index_cast %parallel_loop3A_363 : i32 to index
        %parallel_loop3A_465 = arith.constant 48 : index
        %parallel_loop3A_466 = tpu.vector_load %parallel_loop3A_463[%parallel_loop3A_464, %parallel_loop3A_465] {strides = array<i32>} : memref<128x128xf32, #tpu.memory_space<vmem>>, vector<1x16xf32>,
        %parallel_loop3A_467 = vector.shape_cast %parallel_loop3A_466 : vector<1x16xf32> to vector<16xf32>
        %parallel_loop3A_468 = vector.shape_cast %parallel_loop3A_459 : vector<16xf32> to vector<1x16xf32>
        tpu.vector_store %parallel_loop3A_463[%parallel_loop3A_464, %parallel_loop3A_465], %parallel_loop3A_468 {strides = array<i32>} : memref<128x128xf32, #tpu.memory_space<vmem>>, vector<1x16xf32>,
        %parallel_loop3A_469 = arith.constant 0 : i32
        %parallel_loop3A_470 = arith.constant 0 : i32
        %parallel_loop3A_471 = tpu.memref_slice %arg8[%parallel_loop3A_154, %parallel_loop3A_469, %parallel_loop3A_470] : memref<5x128x128xf32, #tpu.memory_space<vmem>> -> memref<1x128x128xf32, #tpu.memory_space<vmem>>
        %parallel_loop3A_472 = tpu.memref_squeeze %parallel_loop3A_471 : memref<1x128x128xf32, #tpu.memory_space<vmem>> -> memref<128x128xf32, #tpu.memory_space<vmem>>
        %parallel_loop3A_473 = arith.index_cast %parallel_loop3A_363 : i32 to index
        %parallel_loop3A_474 = arith.constant 64 : index
        %parallel_loop3A_475 = tpu.vector_load %parallel_loop3A_472[%parallel_loop3A_473, %parallel_loop3A_474] {strides = array<i32>} : memref<128x128xf32, #tpu.memory_space<vmem>>, vector<1x16xf32>,
        %parallel_loop3A_476 = vector.shape_cast %parallel_loop3A_475 : vector<1x16xf32> to vector<16xf32>
        %parallel_loop3A_477 = arith.constant 11.3137083 : f32
        %parallel_loop3A_478 = vector.broadcast %parallel_loop3A_477 : f32 to vector<16xf32>
        %parallel_loop3A_479 = arith.mulf %parallel_loop3A_476, %parallel_loop3A_478 : vector<16xf32>
        %parallel_loop3A_480 = arith.index_cast %parallel_loop3A_368 : i32 to index
        %parallel_loop3A_481 = arith.constant 64 : index
        %parallel_loop3A_482 = tpu.vector_load %arg7[%parallel_loop3A_480, %parallel_loop3A_481] {strides = array<i32>} : memref<200x128xf32, #tpu.memory_space<vmem>>, vector<1x16xf32>,
        %parallel_loop3A_483 = vector.shape_cast %parallel_loop3A_482 : vector<1x16xf32> to vector<16xf32>
        %parallel_loop3A_484 = arith.addf %parallel_loop3A_479, %parallel_loop3A_483 : vector<16xf32>
        %parallel_loop3A_485 = arith.constant 0 : i32
        %parallel_loop3A_486 = arith.constant 0 : i32
        %parallel_loop3A_487 = tpu.memref_slice %arg8[%parallel_loop3A_154, %parallel_loop3A_485, %parallel_loop3A_486] : memref<5x128x128xf32, #tpu.memory_space<vmem>> -> memref<1x128x128xf32, #tpu.memory_space<vmem>>
        %parallel_loop3A_488 = tpu.memref_squeeze %parallel_loop3A_487 : memref<1x128x128xf32, #tpu.memory_space<vmem>> -> memref<128x128xf32, #tpu.memory_space<vmem>>
        %parallel_loop3A_489 = arith.index_cast %parallel_loop3A_363 : i32 to index
        %parallel_loop3A_490 = arith.constant 64 : index
        %parallel_loop3A_491 = tpu.vector_load %parallel_loop3A_488[%parallel_loop3A_489, %parallel_loop3A_490] {strides = array<i32>} : memref<128x128xf32, #tpu.memory_space<vmem>>, vector<1x16xf32>,
        %parallel_loop3A_492 = vector.shape_cast %parallel_loop3A_491 : vector<1x16xf32> to vector<16xf32>
        %parallel_loop3A_493 = vector.shape_cast %parallel_loop3A_484 : vector<16xf32> to vector<1x16xf32>
        tpu.vector_store %parallel_loop3A_488[%parallel_loop3A_489, %parallel_loop3A_490], %parallel_loop3A_493 {strides = array<i32>} : memref<128x128xf32, #tpu.memory_space<vmem>>, vector<1x16xf32>,
        %parallel_loop3A_494 = arith.constant 0 : i32
        %parallel_loop3A_495 = arith.constant 0 : i32
        %parallel_loop3A_496 = tpu.memref_slice %arg8[%parallel_loop3A_154, %parallel_loop3A_494, %parallel_loop3A_495] : memref<5x128x128xf32, #tpu.memory_space<vmem>> -> memref<1x128x128xf32, #tpu.memory_space<vmem>>
        %parallel_loop3A_497 = tpu.memref_squeeze %parallel_loop3A_496 : memref<1x128x128xf32, #tpu.memory_space<vmem>> -> memref<128x128xf32, #tpu.memory_space<vmem>>
        %parallel_loop3A_498 = arith.index_cast %parallel_loop3A_363 : i32 to index
        %parallel_loop3A_499 = arith.constant 80 : index
        %parallel_loop3A_500 = tpu.vector_load %parallel_loop3A_497[%parallel_loop3A_498, %parallel_loop3A_499] {strides = array<i32>} : memref<128x128xf32, #tpu.memory_space<vmem>>, vector<1x16xf32>,
        %parallel_loop3A_501 = vector.shape_cast %parallel_loop3A_500 : vector<1x16xf32> to vector<16xf32>
        %parallel_loop3A_502 = arith.constant 11.3137083 : f32
        %parallel_loop3A_503 = vector.broadcast %parallel_loop3A_502 : f32 to vector<16xf32>
        %parallel_loop3A_504 = arith.mulf %parallel_loop3A_501, %parallel_loop3A_503 : vector<16xf32>
        %parallel_loop3A_505 = arith.index_cast %parallel_loop3A_368 : i32 to index
        %parallel_loop3A_506 = arith.constant 80 : index
        %parallel_loop3A_507 = tpu.vector_load %arg7[%parallel_loop3A_505, %parallel_loop3A_506] {strides = array<i32>} : memref<200x128xf32, #tpu.memory_space<vmem>>, vector<1x16xf32>,
        %parallel_loop3A_508 = vector.shape_cast %parallel_loop3A_507 : vector<1x16xf32> to vector<16xf32>
        %parallel_loop3A_509 = arith.addf %parallel_loop3A_504, %parallel_loop3A_508 : vector<16xf32>
        %parallel_loop3A_510 = arith.constant 0 : i32
        %parallel_loop3A_511 = arith.constant 0 : i32
        %parallel_loop3A_512 = tpu.memref_slice %arg8[%parallel_loop3A_154, %parallel_loop3A_510, %parallel_loop3A_511] : memref<5x128x128xf32, #tpu.memory_space<vmem>> -> memref<1x128x128xf32, #tpu.memory_space<vmem>>
        %parallel_loop3A_513 = tpu.memref_squeeze %parallel_loop3A_512 : memref<1x128x128xf32, #tpu.memory_space<vmem>> -> memref<128x128xf32, #tpu.memory_space<vmem>>
        %parallel_loop3A_514 = arith.index_cast %parallel_loop3A_363 : i32 to index
        %parallel_loop3A_515 = arith.constant 80 : index
        %parallel_loop3A_516 = tpu.vector_load %parallel_loop3A_513[%parallel_loop3A_514, %parallel_loop3A_515] {strides = array<i32>} : memref<128x128xf32, #tpu.memory_space<vmem>>, vector<1x16xf32>,
        %parallel_loop3A_517 = vector.shape_cast %parallel_loop3A_516 : vector<1x16xf32> to vector<16xf32>
        %parallel_loop3A_518 = vector.shape_cast %parallel_loop3A_509 : vector<16xf32> to vector<1x16xf32>
        tpu.vector_store %parallel_loop3A_513[%parallel_loop3A_514, %parallel_loop3A_515], %parallel_loop3A_518 {strides = array<i32>} : memref<128x128xf32, #tpu.memory_space<vmem>>, vector<1x16xf32>,
        %parallel_loop3A_519 = arith.constant 0 : i32
        %parallel_loop3A_520 = arith.constant 0 : i32
        %parallel_loop3A_521 = tpu.memref_slice %arg8[%parallel_loop3A_154, %parallel_loop3A_519, %parallel_loop3A_520] : memref<5x128x128xf32, #tpu.memory_space<vmem>> -> memref<1x128x128xf32, #tpu.memory_space<vmem>>
        %parallel_loop3A_522 = tpu.memref_squeeze %parallel_loop3A_521 : memref<1x128x128xf32, #tpu.memory_space<vmem>> -> memref<128x128xf32, #tpu.memory_space<vmem>>
        %parallel_loop3A_523 = arith.index_cast %parallel_loop3A_363 : i32 to index
        %parallel_loop3A_524 = arith.constant 96 : index
        %parallel_loop3A_525 = tpu.vector_load %parallel_loop3A_522[%parallel_loop3A_523, %parallel_loop3A_524] {strides = array<i32>} : memref<128x128xf32, #tpu.memory_space<vmem>>, vector<1x16xf32>,
        %parallel_loop3A_526 = vector.shape_cast %parallel_loop3A_525 : vector<1x16xf32> to vector<16xf32>
        %parallel_loop3A_527 = arith.constant 11.3137083 : f32
        %parallel_loop3A_528 = vector.broadcast %parallel_loop3A_527 : f32 to vector<16xf32>
        %parallel_loop3A_529 = arith.mulf %parallel_loop3A_526, %parallel_loop3A_528 : vector<16xf32>
        %parallel_loop3A_530 = arith.index_cast %parallel_loop3A_368 : i32 to index
        %parallel_loop3A_531 = arith.constant 96 : index
        %parallel_loop3A_532 = tpu.vector_load %arg7[%parallel_loop3A_530, %parallel_loop3A_531] {strides = array<i32>} : memref<200x128xf32, #tpu.memory_space<vmem>>, vector<1x16xf32>,
        %parallel_loop3A_533 = vector.shape_cast %parallel_loop3A_532 : vector<1x16xf32> to vector<16xf32>
        %parallel_loop3A_534 = arith.addf %parallel_loop3A_529, %parallel_loop3A_533 : vector<16xf32>
        %parallel_loop3A_535 = arith.constant 0 : i32
        %parallel_loop3A_536 = arith.constant 0 : i32
        %parallel_loop3A_537 = tpu.memref_slice %arg8[%parallel_loop3A_154, %parallel_loop3A_535, %parallel_loop3A_536] : memref<5x128x128xf32, #tpu.memory_space<vmem>> -> memref<1x128x128xf32, #tpu.memory_space<vmem>>
        %parallel_loop3A_538 = tpu.memref_squeeze %parallel_loop3A_537 : memref<1x128x128xf32, #tpu.memory_space<vmem>> -> memref<128x128xf32, #tpu.memory_space<vmem>>
        %parallel_loop3A_539 = arith.index_cast %parallel_loop3A_363 : i32 to index
        %parallel_loop3A_540 = arith.constant 96 : index
        %parallel_loop3A_541 = tpu.vector_load %parallel_loop3A_538[%parallel_loop3A_539, %parallel_loop3A_540] {strides = array<i32>} : memref<128x128xf32, #tpu.memory_space<vmem>>, vector<1x16xf32>,
        %parallel_loop3A_542 = vector.shape_cast %parallel_loop3A_541 : vector<1x16xf32> to vector<16xf32>
        %parallel_loop3A_543 = vector.shape_cast %parallel_loop3A_534 : vector<16xf32> to vector<1x16xf32>
        tpu.vector_store %parallel_loop3A_538[%parallel_loop3A_539, %parallel_loop3A_540], %parallel_loop3A_543 {strides = array<i32>} : memref<128x128xf32, #tpu.memory_space<vmem>>, vector<1x16xf32>,
        %parallel_loop3A_544 = arith.constant 0 : i32
        %parallel_loop3A_545 = arith.constant 0 : i32
        %parallel_loop3A_546 = tpu.memref_slice %arg8[%parallel_loop3A_154, %parallel_loop3A_544, %parallel_loop3A_545] : memref<5x128x128xf32, #tpu.memory_space<vmem>> -> memref<1x128x128xf32, #tpu.memory_space<vmem>>
        %parallel_loop3A_547 = tpu.memref_squeeze %parallel_loop3A_546 : memref<1x128x128xf32, #tpu.memory_space<vmem>> -> memref<128x128xf32, #tpu.memory_space<vmem>>
        %parallel_loop3A_548 = arith.index_cast %parallel_loop3A_363 : i32 to index
        %parallel_loop3A_549 = arith.constant 112 : index
        %parallel_loop3A_550 = tpu.vector_load %parallel_loop3A_547[%parallel_loop3A_548, %parallel_loop3A_549] {strides = array<i32>} : memref<128x128xf32, #tpu.memory_space<vmem>>, vector<1x16xf32>,
        %parallel_loop3A_551 = vector.shape_cast %parallel_loop3A_550 : vector<1x16xf32> to vector<16xf32>
        %parallel_loop3A_552 = arith.constant 11.3137083 : f32
        %parallel_loop3A_553 = vector.broadcast %parallel_loop3A_552 : f32 to vector<16xf32>
        %parallel_loop3A_554 = arith.mulf %parallel_loop3A_551, %parallel_loop3A_553 : vector<16xf32>
        %parallel_loop3A_555 = arith.index_cast %parallel_loop3A_368 : i32 to index
        %parallel_loop3A_556 = arith.constant 112 : index
        %parallel_loop3A_557 = tpu.vector_load %arg7[%parallel_loop3A_555, %parallel_loop3A_556] {strides = array<i32>} : memref<200x128xf32, #tpu.memory_space<vmem>>, vector<1x16xf32>,
        %parallel_loop3A_558 = vector.shape_cast %parallel_loop3A_557 : vector<1x16xf32> to vector<16xf32>
        %parallel_loop3A_559 = arith.addf %parallel_loop3A_554, %parallel_loop3A_558 : vector<16xf32>
        %parallel_loop3A_560 = arith.constant 0 : i32
        %parallel_loop3A_561 = arith.constant 0 : i32
        %parallel_loop3A_562 = tpu.memref_slice %arg8[%parallel_loop3A_154, %parallel_loop3A_560, %parallel_loop3A_561] : memref<5x128x128xf32, #tpu.memory_space<vmem>> -> memref<1x128x128xf32, #tpu.memory_space<vmem>>
        %parallel_loop3A_563 = tpu.memref_squeeze %parallel_loop3A_562 : memref<1x128x128xf32, #tpu.memory_space<vmem>> -> memref<128x128xf32, #tpu.memory_space<vmem>>
        %parallel_loop3A_564 = arith.index_cast %parallel_loop3A_363 : i32 to index
        %parallel_loop3A_565 = arith.constant 112 : index
        %parallel_loop3A_566 = tpu.vector_load %parallel_loop3A_563[%parallel_loop3A_564, %parallel_loop3A_565] {strides = array<i32>} : memref<128x128xf32, #tpu.memory_space<vmem>>, vector<1x16xf32>,
        %parallel_loop3A_567 = vector.shape_cast %parallel_loop3A_566 : vector<1x16xf32> to vector<16xf32>
        %parallel_loop3A_568 = vector.shape_cast %parallel_loop3A_559 : vector<16xf32> to vector<1x16xf32>
        tpu.vector_store %parallel_loop3A_563[%parallel_loop3A_564, %parallel_loop3A_565], %parallel_loop3A_568 {strides = array<i32>} : memref<128x128xf32, #tpu.memory_space<vmem>>, vector<1x16xf32>,
      } {sc.loop_unroll_factor = 2 : i64, sc.parallel_access}
      %mul3A_155 = arith.constant 128 : i32
      %mul3A_156 = arith.muli %add3A_136, %mul3A_155 : i32
      %add3A_157 = arith.addi %mul3A_2, %mul3A_156 : i32
      %dma_start3A_158 = arith.constant 0 : i32
      %dma_start3A_159 = arith.constant 0 : i32
      %dma_start3A_160 = arith.constant 0 : i32
      %dma_start3A_161 = tpu.memref_slice %arg8[%dma_start3A_158, %dma_start3A_159, %dma_start3A_160] : memref<5x128x128xf32, #tpu.memory_space<vmem>> -> memref<1x128x128xf32, #tpu.memory_space<vmem>>
      %dma_start3A_162 = tpu.memref_squeeze %dma_start3A_161 : memref<1x128x128xf32, #tpu.memory_space<vmem>> -> memref<128x128xf32, #tpu.memory_space<vmem>>
      %dma_start3A_163 = arith.constant 0 : i32
      %dma_start3A_164 = tpu.memref_slice %arg5[%add3A_157, %dma_start3A_163] : memref<204800x128xf32, #tpu.memory_space<hbm>> -> memref<128x128xf32, #tpu.memory_space<hbm>>
      %dma_start3A_165 = arith.constant 0 : i32
      %dma_start3A_166 = tpu.memref_slice %arg5[%add3A_157, %dma_start3A_165] : memref<204800x128xf32, #tpu.memory_space<hbm>> -> memref<128x128xf32, #tpu.memory_space<hbm>>
      %dma_start3A_167 = arith.constant 0 : i32
      %dma_start3A_168 = arith.constant 0 : i32
      %dma_start3A_169 = tpu.memref_slice %arg8[%dma_start3A_158, %dma_start3A_167, %dma_start3A_168] : memref<5x128x128xf32, #tpu.memory_space<vmem>> -> memref<1x128x128xf32, #tpu.memory_space<vmem>>
      %dma_start3A_170 = tpu.memref_squeeze %dma_start3A_169 : memref<1x128x128xf32, #tpu.memory_space<vmem>> -> memref<128x128xf32, #tpu.memory_space<vmem>>
      tpu.enqueue_dma source(%dma_start3A_170 : memref<128x128xf32, #tpu.memory_space<vmem>>) target(%dma_start3A_166 : memref<128x128xf32, #tpu.memory_space<hbm>>) target_semaphore(%arg14 : memref<!tpu.dma_semaphore, #tpu.memory_space<semaphore_mem>>)
      %add3A_171 = arith.constant 5 : i32
      %add3A_172 = arith.addi %add3A_136, %add3A_171 : i32
      %sub3A = arith.constant 1 : i32
      %sub3A_173 = arith.subi %add3A_172, %sub3A : i32
      %gt3A = arith.constant 0 : i32
      %gt3A_174 = arith.cmpi sgt, %add3A_132, %gt3A : i32
      %convert_element_type3A = arith.extui %gt3A_174 : i1 to i32
      %cond3A = arith.constant 0 : i32
      %cond3A_175 = arith.cmpi ne, %convert_element_type3A, %cond3A : i32
      scf.if %cond3A_175 {
        %dma_wait3A_363 = arith.constant 4 : i32
        %dma_wait3A_364 = arith.constant 0 : i32
        %dma_wait3A_365 = arith.constant 0 : i32
        %dma_wait3A_366 = tpu.memref_slice %arg8[%dma_wait3A_363, %dma_wait3A_364, %dma_wait3A_365] : memref<5x128x128xf32, #tpu.memory_space<vmem>> -> memref<1x128x128xf32, #tpu.memory_space<vmem>>
        %dma_wait3A_367 = tpu.memref_squeeze %dma_wait3A_366 : memref<1x128x128xf32, #tpu.memory_space<vmem>> -> memref<128x128xf32, #tpu.memory_space<vmem>>
        %dma_wait3A_368 = arith.constant 0 : i32
        %dma_wait3A_369 = arith.constant 0 : i32
        %dma_wait3A_370 = tpu.memref_slice %arg5[%dma_wait3A_368, %dma_wait3A_369] : memref<204800x128xf32, #tpu.memory_space<hbm>> -> memref<128x128xf32, #tpu.memory_space<hbm>>
        %dma_wait3A_371 = arith.constant 0 : i32
        %dma_wait3A_372 = arith.constant 0 : i32
        %dma_wait3A_373 = tpu.memref_slice %arg5[%dma_wait3A_371, %dma_wait3A_372] : memref<204800x128xf32, #tpu.memory_space<hbm>> -> memref<128x128xf32, #tpu.memory_space<hbm>>
        %dma_wait3A_374 = arith.constant 0 : i32
        %dma_wait3A_375 = arith.constant 0 : i32
        %dma_wait3A_376 = tpu.memref_slice %arg8[%dma_wait3A_363, %dma_wait3A_374, %dma_wait3A_375] : memref<5x128x128xf32, #tpu.memory_space<vmem>> -> memref<1x128x128xf32, #tpu.memory_space<vmem>>
        %dma_wait3A_377 = tpu.memref_squeeze %dma_wait3A_376 : memref<1x128x128xf32, #tpu.memory_space<vmem>> -> memref<128x128xf32, #tpu.memory_space<vmem>>
        tpu.wait_dma2 semaphore(%arg18 : memref<!tpu.dma_semaphore, #tpu.memory_space<semaphore_mem>>) src(%dma_wait3A_377 : memref<128x128xf32, #tpu.memory_space<vmem>>) dst(%dma_wait3A_373 : memref<128x128xf32, #tpu.memory_space<hbm>>)
        %dma_start3A_378 = arith.constant 4 : i32
        %dma_start3A_379 = arith.constant 0 : i32
        %dma_start3A_380 = arith.constant 0 : i32
        %dma_start3A_381 = tpu.memref_slice %arg8[%dma_start3A_378, %dma_start3A_379, %dma_start3A_380] : memref<5x128x128xf32, #tpu.memory_space<vmem>> -> memref<1x128x128xf32, #tpu.memory_space<vmem>>
        %dma_start3A_382 = tpu.memref_squeeze %dma_start3A_381 : memref<1x128x128xf32, #tpu.memory_space<vmem>> -> memref<128x128xf32, #tpu.memory_space<vmem>>
        %dma_start3A_383 = arith.constant 0 : i32
        %dma_start3A_384 = tpu.memref_slice %arg6[%sub3A_173, %dma_start3A_383] : memref<50x128xi32, #tpu.memory_space<vmem>> -> memref<1x128xi32, #tpu.memory_space<vmem>>
        %dma_start3A_385 = tpu.memref_squeeze %dma_start3A_384 : memref<1x128xi32, #tpu.memory_space<vmem>> -> memref<128xi32, #tpu.memory_space<vmem>>
        %dma_start3A_386 = arith.constant 0 : i32
        %dma_start3A_387 = arith.constant 0 : i32
        %dma_start3A_388 = tpu.memref_slice %arg2[%dma_start3A_386, %dma_start3A_387] : memref<100000x128xf32, #tpu.memory_space<hbm>> -> memref<100000x128xf32, #tpu.memory_space<hbm>>
        tpu.enqueue_indirect_dma source(%dma_start3A_388 : memref<100000x128xf32, #tpu.memory_space<hbm>>) target(%dma_start3A_382 : memref<128x128xf32, #tpu.memory_space<vmem>>) offsets(%dma_start3A_385 : memref<128xi32, #tpu.memory_space<vmem>>) semaphore(%arg13 : memref<!tpu.dma_semaphore, #tpu.memory_space<semaphore_mem>>)
      } else {
      }
      %eq3A = arith.constant 0 : i32
      %eq3A_176 = arith.cmpi eq, %add3A_132, %eq3A : i32
      %convert_element_type3A_177 = arith.extui %eq3A_176 : i1 to i32
      %cond3A_178 = arith.constant 0 : i32
      %cond3A_179 = arith.cmpi ne, %convert_element_type3A_177, %cond3A_178 : i32
      scf.if %cond3A_179 {
        %dma_start3A_363 = arith.constant 4 : i32
        %dma_start3A_364 = arith.constant 0 : i32
        %dma_start3A_365 = arith.constant 0 : i32
        %dma_start3A_366 = tpu.memref_slice %arg8[%dma_start3A_363, %dma_start3A_364, %dma_start3A_365] : memref<5x128x128xf32, #tpu.memory_space<vmem>> -> memref<1x128x128xf32, #tpu.memory_space<vmem>>
        %dma_start3A_367 = tpu.memref_squeeze %dma_start3A_366 : memref<1x128x128xf32, #tpu.memory_space<vmem>> -> memref<128x128xf32, #tpu.memory_space<vmem>>
        %dma_start3A_368 = arith.constant 0 : i32
        %dma_start3A_369 = tpu.memref_slice %arg6[%sub3A_173, %dma_start3A_368] : memref<50x128xi32, #tpu.memory_space<vmem>> -> memref<1x128xi32, #tpu.memory_space<vmem>>
        %dma_start3A_370 = tpu.memref_squeeze %dma_start3A_369 : memref<1x128xi32, #tpu.memory_space<vmem>> -> memref<128xi32, #tpu.memory_space<vmem>>
        %dma_start3A_371 = arith.constant 0 : i32
        %dma_start3A_372 = arith.constant 0 : i32
        %dma_start3A_373 = tpu.memref_slice %arg2[%dma_start3A_371, %dma_start3A_372] : memref<100000x128xf32, #tpu.memory_space<hbm>> -> memref<100000x128xf32, #tpu.memory_space<hbm>>
        tpu.enqueue_indirect_dma source(%dma_start3A_373 : memref<100000x128xf32, #tpu.memory_space<hbm>>) target(%dma_start3A_367 : memref<128x128xf32, #tpu.memory_space<vmem>>) offsets(%dma_start3A_370 : memref<128xi32, #tpu.memory_space<vmem>>) semaphore(%arg13 : memref<!tpu.dma_semaphore, #tpu.memory_space<semaphore_mem>>)
      } else {
      }
      %add3A_180 = arith.constant 1 : i32
      %add3A_181 = arith.addi %mul3A_134, %add3A_180 : i32
      %dma_wait3A_182 = arith.constant 1 : i32
      %dma_wait3A_183 = arith.constant 0 : i32
      %dma_wait3A_184 = arith.constant 0 : i32
      %dma_wait3A_185 = tpu.memref_slice %arg8[%dma_wait3A_182, %dma_wait3A_183, %dma_wait3A_184] : memref<5x128x128xf32, #tpu.memory_space<vmem>> -> memref<1x128x128xf32, #tpu.memory_space<vmem>>
      %dma_wait3A_186 = tpu.memref_squeeze %dma_wait3A_185 : memref<1x128x128xf32, #tpu.memory_space<vmem>> -> memref<128x128xf32, #tpu.memory_space<vmem>>
      %dma_wait3A_187 = arith.constant 0 : i32
      %dma_wait3A_188 = arith.constant 0 : i32
      %dma_wait3A_189 = tpu.memref_slice %arg5[%dma_wait3A_187, %dma_wait3A_188] : memref<204800x128xf32, #tpu.memory_space<hbm>> -> memref<128x128xf32, #tpu.memory_space<hbm>>
      %dma_wait3A_190 = arith.constant 0 : i32
      %dma_wait3A_191 = arith.constant 0 : i32
      %dma_wait3A_192 = tpu.memref_slice %arg8[%dma_wait3A_182, %dma_wait3A_190, %dma_wait3A_191] : memref<5x128x128xf32, #tpu.memory_space<vmem>> -> memref<1x128x128xf32, #tpu.memory_space<vmem>>
      %dma_wait3A_193 = tpu.memref_squeeze %dma_wait3A_192 : memref<1x128x128xf32, #tpu.memory_space<vmem>> -> memref<128x128xf32, #tpu.memory_space<vmem>>
      %dma_wait3A_194 = arith.constant 0 : i32
      %dma_wait3A_195 = arith.constant 0 : i32
      %dma_wait3A_196 = tpu.memref_slice %arg5[%dma_wait3A_194, %dma_wait3A_195] : memref<204800x128xf32, #tpu.memory_space<hbm>> -> memref<128x128xf32, #tpu.memory_space<hbm>>
      tpu.wait_dma2 semaphore(%arg10 : memref<!tpu.dma_semaphore, #tpu.memory_space<semaphore_mem>>) src(%dma_wait3A_196 : memref<128x128xf32, #tpu.memory_space<hbm>>) dst(%dma_wait3A_193 : memref<128x128xf32, #tpu.memory_space<vmem>>)
      %parallel_loop3A_197 = arith.constant 0 : i32
      %parallel_loop3A_198 = arith.constant 128 : i32
      %parallel_loop3A_199 = arith.constant 1 : i32
      %parallel_loop3A_200 = arith.constant 1 : i32
      scf.for %parallel_loop3A_363 = %parallel_loop3A_197 to %parallel_loop3A_198 step %parallel_loop3A_199  : i32 {
        %parallel_loop3A_364 = arith.constant 128 : i32
        %parallel_loop3A_365 = arith.muli %add3A_181, %parallel_loop3A_364 : i32
        %parallel_loop3A_366 = arith.addi %parallel_loop3A_365, %parallel_loop3A_363 : i32
        %parallel_loop3A_367 = arith.constant 200 : i32
        %parallel_loop3A_368 = arith.remsi %parallel_loop3A_366, %parallel_loop3A_367 : i32
        %parallel_loop3A_369 = arith.constant 0 : i32
        %parallel_loop3A_370 = arith.constant 0 : i32
        %parallel_loop3A_371 = tpu.memref_slice %arg8[%parallel_loop3A_200, %parallel_loop3A_369, %parallel_loop3A_370] : memref<5x128x128xf32, #tpu.memory_space<vmem>> -> memref<1x128x128xf32, #tpu.memory_space<vmem>>
        %parallel_loop3A_372 = tpu.memref_squeeze %parallel_loop3A_371 : memref<1x128x128xf32, #tpu.memory_space<vmem>> -> memref<128x128xf32, #tpu.memory_space<vmem>>
        %parallel_loop3A_373 = arith.index_cast %parallel_loop3A_363 : i32 to index
        %parallel_loop3A_374 = arith.constant 0 : index
        %parallel_loop3A_375 = tpu.vector_load %parallel_loop3A_372[%parallel_loop3A_373, %parallel_loop3A_374] {strides = array<i32>} : memref<128x128xf32, #tpu.memory_space<vmem>>, vector<1x16xf32>,
        %parallel_loop3A_376 = vector.shape_cast %parallel_loop3A_375 : vector<1x16xf32> to vector<16xf32>
        %parallel_loop3A_377 = arith.constant 11.3137083 : f32
        %parallel_loop3A_378 = vector.broadcast %parallel_loop3A_377 : f32 to vector<16xf32>
        %parallel_loop3A_379 = arith.mulf %parallel_loop3A_376, %parallel_loop3A_378 : vector<16xf32>
        %parallel_loop3A_380 = arith.index_cast %parallel_loop3A_368 : i32 to index
        %parallel_loop3A_381 = arith.constant 0 : index
        %parallel_loop3A_382 = tpu.vector_load %arg7[%parallel_loop3A_380, %parallel_loop3A_381] {strides = array<i32>} : memref<200x128xf32, #tpu.memory_space<vmem>>, vector<1x16xf32>,
        %parallel_loop3A_383 = vector.shape_cast %parallel_loop3A_382 : vector<1x16xf32> to vector<16xf32>
        %parallel_loop3A_384 = arith.addf %parallel_loop3A_379, %parallel_loop3A_383 : vector<16xf32>
        %parallel_loop3A_385 = arith.constant 0 : i32
        %parallel_loop3A_386 = arith.constant 0 : i32
        %parallel_loop3A_387 = tpu.memref_slice %arg8[%parallel_loop3A_200, %parallel_loop3A_385, %parallel_loop3A_386] : memref<5x128x128xf32, #tpu.memory_space<vmem>> -> memref<1x128x128xf32, #tpu.memory_space<vmem>>
        %parallel_loop3A_388 = tpu.memref_squeeze %parallel_loop3A_387 : memref<1x128x128xf32, #tpu.memory_space<vmem>> -> memref<128x128xf32, #tpu.memory_space<vmem>>
        %parallel_loop3A_389 = arith.index_cast %parallel_loop3A_363 : i32 to index
        %parallel_loop3A_390 = arith.constant 0 : index
        %parallel_loop3A_391 = tpu.vector_load %parallel_loop3A_388[%parallel_loop3A_389, %parallel_loop3A_390] {strides = array<i32>} : memref<128x128xf32, #tpu.memory_space<vmem>>, vector<1x16xf32>,
        %parallel_loop3A_392 = vector.shape_cast %parallel_loop3A_391 : vector<1x16xf32> to vector<16xf32>
        %parallel_loop3A_393 = vector.shape_cast %parallel_loop3A_384 : vector<16xf32> to vector<1x16xf32>
        tpu.vector_store %parallel_loop3A_388[%parallel_loop3A_389, %parallel_loop3A_390], %parallel_loop3A_393 {strides = array<i32>} : memref<128x128xf32, #tpu.memory_space<vmem>>, vector<1x16xf32>,
        %parallel_loop3A_394 = arith.constant 0 : i32
        %parallel_loop3A_395 = arith.constant 0 : i32
        %parallel_loop3A_396 = tpu.memref_slice %arg8[%parallel_loop3A_200, %parallel_loop3A_394, %parallel_loop3A_395] : memref<5x128x128xf32, #tpu.memory_space<vmem>> -> memref<1x128x128xf32, #tpu.memory_space<vmem>>
        %parallel_loop3A_397 = tpu.memref_squeeze %parallel_loop3A_396 : memref<1x128x128xf32, #tpu.memory_space<vmem>> -> memref<128x128xf32, #tpu.memory_space<vmem>>
        %parallel_loop3A_398 = arith.index_cast %parallel_loop3A_363 : i32 to index
        %parallel_loop3A_399 = arith.constant 16 : index
        %parallel_loop3A_400 = tpu.vector_load %parallel_loop3A_397[%parallel_loop3A_398, %parallel_loop3A_399] {strides = array<i32>} : memref<128x128xf32, #tpu.memory_space<vmem>>, vector<1x16xf32>,
        %parallel_loop3A_401 = vector.shape_cast %parallel_loop3A_400 : vector<1x16xf32> to vector<16xf32>
        %parallel_loop3A_402 = arith.constant 11.3137083 : f32
        %parallel_loop3A_403 = vector.broadcast %parallel_loop3A_402 : f32 to vector<16xf32>
        %parallel_loop3A_404 = arith.mulf %parallel_loop3A_401, %parallel_loop3A_403 : vector<16xf32>
        %parallel_loop3A_405 = arith.index_cast %parallel_loop3A_368 : i32 to index
        %parallel_loop3A_406 = arith.constant 16 : index
        %parallel_loop3A_407 = tpu.vector_load %arg7[%parallel_loop3A_405, %parallel_loop3A_406] {strides = array<i32>} : memref<200x128xf32, #tpu.memory_space<vmem>>, vector<1x16xf32>,
        %parallel_loop3A_408 = vector.shape_cast %parallel_loop3A_407 : vector<1x16xf32> to vector<16xf32>
        %parallel_loop3A_409 = arith.addf %parallel_loop3A_404, %parallel_loop3A_408 : vector<16xf32>
        %parallel_loop3A_410 = arith.constant 0 : i32
        %parallel_loop3A_411 = arith.constant 0 : i32
        %parallel_loop3A_412 = tpu.memref_slice %arg8[%parallel_loop3A_200, %parallel_loop3A_410, %parallel_loop3A_411] : memref<5x128x128xf32, #tpu.memory_space<vmem>> -> memref<1x128x128xf32, #tpu.memory_space<vmem>>
        %parallel_loop3A_413 = tpu.memref_squeeze %parallel_loop3A_412 : memref<1x128x128xf32, #tpu.memory_space<vmem>> -> memref<128x128xf32, #tpu.memory_space<vmem>>
        %parallel_loop3A_414 = arith.index_cast %parallel_loop3A_363 : i32 to index
        %parallel_loop3A_415 = arith.constant 16 : index
        %parallel_loop3A_416 = tpu.vector_load %parallel_loop3A_413[%parallel_loop3A_414, %parallel_loop3A_415] {strides = array<i32>} : memref<128x128xf32, #tpu.memory_space<vmem>>, vector<1x16xf32>,
        %parallel_loop3A_417 = vector.shape_cast %parallel_loop3A_416 : vector<1x16xf32> to vector<16xf32>
        %parallel_loop3A_418 = vector.shape_cast %parallel_loop3A_409 : vector<16xf32> to vector<1x16xf32>
        tpu.vector_store %parallel_loop3A_413[%parallel_loop3A_414, %parallel_loop3A_415], %parallel_loop3A_418 {strides = array<i32>} : memref<128x128xf32, #tpu.memory_space<vmem>>, vector<1x16xf32>,
        %parallel_loop3A_419 = arith.constant 0 : i32
        %parallel_loop3A_420 = arith.constant 0 : i32
        %parallel_loop3A_421 = tpu.memref_slice %arg8[%parallel_loop3A_200, %parallel_loop3A_419, %parallel_loop3A_420] : memref<5x128x128xf32, #tpu.memory_space<vmem>> -> memref<1x128x128xf32, #tpu.memory_space<vmem>>
        %parallel_loop3A_422 = tpu.memref_squeeze %parallel_loop3A_421 : memref<1x128x128xf32, #tpu.memory_space<vmem>> -> memref<128x128xf32, #tpu.memory_space<vmem>>
        %parallel_loop3A_423 = arith.index_cast %parallel_loop3A_363 : i32 to index
        %parallel_loop3A_424 = arith.constant 32 : index
        %parallel_loop3A_425 = tpu.vector_load %parallel_loop3A_422[%parallel_loop3A_423, %parallel_loop3A_424] {strides = array<i32>} : memref<128x128xf32, #tpu.memory_space<vmem>>, vector<1x16xf32>,
        %parallel_loop3A_426 = vector.shape_cast %parallel_loop3A_425 : vector<1x16xf32> to vector<16xf32>
        %parallel_loop3A_427 = arith.constant 11.3137083 : f32
        %parallel_loop3A_428 = vector.broadcast %parallel_loop3A_427 : f32 to vector<16xf32>
        %parallel_loop3A_429 = arith.mulf %parallel_loop3A_426, %parallel_loop3A_428 : vector<16xf32>
        %parallel_loop3A_430 = arith.index_cast %parallel_loop3A_368 : i32 to index
        %parallel_loop3A_431 = arith.constant 32 : index
        %parallel_loop3A_432 = tpu.vector_load %arg7[%parallel_loop3A_430, %parallel_loop3A_431] {strides = array<i32>} : memref<200x128xf32, #tpu.memory_space<vmem>>, vector<1x16xf32>,
        %parallel_loop3A_433 = vector.shape_cast %parallel_loop3A_432 : vector<1x16xf32> to vector<16xf32>
        %parallel_loop3A_434 = arith.addf %parallel_loop3A_429, %parallel_loop3A_433 : vector<16xf32>
        %parallel_loop3A_435 = arith.constant 0 : i32
        %parallel_loop3A_436 = arith.constant 0 : i32
        %parallel_loop3A_437 = tpu.memref_slice %arg8[%parallel_loop3A_200, %parallel_loop3A_435, %parallel_loop3A_436] : memref<5x128x128xf32, #tpu.memory_space<vmem>> -> memref<1x128x128xf32, #tpu.memory_space<vmem>>
        %parallel_loop3A_438 = tpu.memref_squeeze %parallel_loop3A_437 : memref<1x128x128xf32, #tpu.memory_space<vmem>> -> memref<128x128xf32, #tpu.memory_space<vmem>>
        %parallel_loop3A_439 = arith.index_cast %parallel_loop3A_363 : i32 to index
        %parallel_loop3A_440 = arith.constant 32 : index
        %parallel_loop3A_441 = tpu.vector_load %parallel_loop3A_438[%parallel_loop3A_439, %parallel_loop3A_440] {strides = array<i32>} : memref<128x128xf32, #tpu.memory_space<vmem>>, vector<1x16xf32>,
        %parallel_loop3A_442 = vector.shape_cast %parallel_loop3A_441 : vector<1x16xf32> to vector<16xf32>
        %parallel_loop3A_443 = vector.shape_cast %parallel_loop3A_434 : vector<16xf32> to vector<1x16xf32>
        tpu.vector_store %parallel_loop3A_438[%parallel_loop3A_439, %parallel_loop3A_440], %parallel_loop3A_443 {strides = array<i32>} : memref<128x128xf32, #tpu.memory_space<vmem>>, vector<1x16xf32>,
        %parallel_loop3A_444 = arith.constant 0 : i32
        %parallel_loop3A_445 = arith.constant 0 : i32
        %parallel_loop3A_446 = tpu.memref_slice %arg8[%parallel_loop3A_200, %parallel_loop3A_444, %parallel_loop3A_445] : memref<5x128x128xf32, #tpu.memory_space<vmem>> -> memref<1x128x128xf32, #tpu.memory_space<vmem>>
        %parallel_loop3A_447 = tpu.memref_squeeze %parallel_loop3A_446 : memref<1x128x128xf32, #tpu.memory_space<vmem>> -> memref<128x128xf32, #tpu.memory_space<vmem>>
        %parallel_loop3A_448 = arith.index_cast %parallel_loop3A_363 : i32 to index
        %parallel_loop3A_449 = arith.constant 48 : index
        %parallel_loop3A_450 = tpu.vector_load %parallel_loop3A_447[%parallel_loop3A_448, %parallel_loop3A_449] {strides = array<i32>} : memref<128x128xf32, #tpu.memory_space<vmem>>, vector<1x16xf32>,
        %parallel_loop3A_451 = vector.shape_cast %parallel_loop3A_450 : vector<1x16xf32> to vector<16xf32>
        %parallel_loop3A_452 = arith.constant 11.3137083 : f32
        %parallel_loop3A_453 = vector.broadcast %parallel_loop3A_452 : f32 to vector<16xf32>
        %parallel_loop3A_454 = arith.mulf %parallel_loop3A_451, %parallel_loop3A_453 : vector<16xf32>
        %parallel_loop3A_455 = arith.index_cast %parallel_loop3A_368 : i32 to index
        %parallel_loop3A_456 = arith.constant 48 : index
        %parallel_loop3A_457 = tpu.vector_load %arg7[%parallel_loop3A_455, %parallel_loop3A_456] {strides = array<i32>} : memref<200x128xf32, #tpu.memory_space<vmem>>, vector<1x16xf32>,
        %parallel_loop3A_458 = vector.shape_cast %parallel_loop3A_457 : vector<1x16xf32> to vector<16xf32>
        %parallel_loop3A_459 = arith.addf %parallel_loop3A_454, %parallel_loop3A_458 : vector<16xf32>
        %parallel_loop3A_460 = arith.constant 0 : i32
        %parallel_loop3A_461 = arith.constant 0 : i32
        %parallel_loop3A_462 = tpu.memref_slice %arg8[%parallel_loop3A_200, %parallel_loop3A_460, %parallel_loop3A_461] : memref<5x128x128xf32, #tpu.memory_space<vmem>> -> memref<1x128x128xf32, #tpu.memory_space<vmem>>
        %parallel_loop3A_463 = tpu.memref_squeeze %parallel_loop3A_462 : memref<1x128x128xf32, #tpu.memory_space<vmem>> -> memref<128x128xf32, #tpu.memory_space<vmem>>
        %parallel_loop3A_464 = arith.index_cast %parallel_loop3A_363 : i32 to index
        %parallel_loop3A_465 = arith.constant 48 : index
        %parallel_loop3A_466 = tpu.vector_load %parallel_loop3A_463[%parallel_loop3A_464, %parallel_loop3A_465] {strides = array<i32>} : memref<128x128xf32, #tpu.memory_space<vmem>>, vector<1x16xf32>,
        %parallel_loop3A_467 = vector.shape_cast %parallel_loop3A_466 : vector<1x16xf32> to vector<16xf32>
        %parallel_loop3A_468 = vector.shape_cast %parallel_loop3A_459 : vector<16xf32> to vector<1x16xf32>
        tpu.vector_store %parallel_loop3A_463[%parallel_loop3A_464, %parallel_loop3A_465], %parallel_loop3A_468 {strides = array<i32>} : memref<128x128xf32, #tpu.memory_space<vmem>>, vector<1x16xf32>,
        %parallel_loop3A_469 = arith.constant 0 : i32
        %parallel_loop3A_470 = arith.constant 0 : i32
        %parallel_loop3A_471 = tpu.memref_slice %arg8[%parallel_loop3A_200, %parallel_loop3A_469, %parallel_loop3A_470] : memref<5x128x128xf32, #tpu.memory_space<vmem>> -> memref<1x128x128xf32, #tpu.memory_space<vmem>>
        %parallel_loop3A_472 = tpu.memref_squeeze %parallel_loop3A_471 : memref<1x128x128xf32, #tpu.memory_space<vmem>> -> memref<128x128xf32, #tpu.memory_space<vmem>>
        %parallel_loop3A_473 = arith.index_cast %parallel_loop3A_363 : i32 to index
        %parallel_loop3A_474 = arith.constant 64 : index
        %parallel_loop3A_475 = tpu.vector_load %parallel_loop3A_472[%parallel_loop3A_473, %parallel_loop3A_474] {strides = array<i32>} : memref<128x128xf32, #tpu.memory_space<vmem>>, vector<1x16xf32>,
        %parallel_loop3A_476 = vector.shape_cast %parallel_loop3A_475 : vector<1x16xf32> to vector<16xf32>
        %parallel_loop3A_477 = arith.constant 11.3137083 : f32
        %parallel_loop3A_478 = vector.broadcast %parallel_loop3A_477 : f32 to vector<16xf32>
        %parallel_loop3A_479 = arith.mulf %parallel_loop3A_476, %parallel_loop3A_478 : vector<16xf32>
        %parallel_loop3A_480 = arith.index_cast %parallel_loop3A_368 : i32 to index
        %parallel_loop3A_481 = arith.constant 64 : index
        %parallel_loop3A_482 = tpu.vector_load %arg7[%parallel_loop3A_480, %parallel_loop3A_481] {strides = array<i32>} : memref<200x128xf32, #tpu.memory_space<vmem>>, vector<1x16xf32>,
        %parallel_loop3A_483 = vector.shape_cast %parallel_loop3A_482 : vector<1x16xf32> to vector<16xf32>
        %parallel_loop3A_484 = arith.addf %parallel_loop3A_479, %parallel_loop3A_483 : vector<16xf32>
        %parallel_loop3A_485 = arith.constant 0 : i32
        %parallel_loop3A_486 = arith.constant 0 : i32
        %parallel_loop3A_487 = tpu.memref_slice %arg8[%parallel_loop3A_200, %parallel_loop3A_485, %parallel_loop3A_486] : memref<5x128x128xf32, #tpu.memory_space<vmem>> -> memref<1x128x128xf32, #tpu.memory_space<vmem>>
        %parallel_loop3A_488 = tpu.memref_squeeze %parallel_loop3A_487 : memref<1x128x128xf32, #tpu.memory_space<vmem>> -> memref<128x128xf32, #tpu.memory_space<vmem>>
        %parallel_loop3A_489 = arith.index_cast %parallel_loop3A_363 : i32 to index
        %parallel_loop3A_490 = arith.constant 64 : index
        %parallel_loop3A_491 = tpu.vector_load %parallel_loop3A_488[%parallel_loop3A_489, %parallel_loop3A_490] {strides = array<i32>} : memref<128x128xf32, #tpu.memory_space<vmem>>, vector<1x16xf32>,
        %parallel_loop3A_492 = vector.shape_cast %parallel_loop3A_491 : vector<1x16xf32> to vector<16xf32>
        %parallel_loop3A_493 = vector.shape_cast %parallel_loop3A_484 : vector<16xf32> to vector<1x16xf32>
        tpu.vector_store %parallel_loop3A_488[%parallel_loop3A_489, %parallel_loop3A_490], %parallel_loop3A_493 {strides = array<i32>} : memref<128x128xf32, #tpu.memory_space<vmem>>, vector<1x16xf32>,
        %parallel_loop3A_494 = arith.constant 0 : i32
        %parallel_loop3A_495 = arith.constant 0 : i32
        %parallel_loop3A_496 = tpu.memref_slice %arg8[%parallel_loop3A_200, %parallel_loop3A_494, %parallel_loop3A_495] : memref<5x128x128xf32, #tpu.memory_space<vmem>> -> memref<1x128x128xf32, #tpu.memory_space<vmem>>
        %parallel_loop3A_497 = tpu.memref_squeeze %parallel_loop3A_496 : memref<1x128x128xf32, #tpu.memory_space<vmem>> -> memref<128x128xf32, #tpu.memory_space<vmem>>
        %parallel_loop3A_498 = arith.index_cast %parallel_loop3A_363 : i32 to index
        %parallel_loop3A_499 = arith.constant 80 : index
        %parallel_loop3A_500 = tpu.vector_load %parallel_loop3A_497[%parallel_loop3A_498, %parallel_loop3A_499] {strides = array<i32>} : memref<128x128xf32, #tpu.memory_space<vmem>>, vector<1x16xf32>,
        %parallel_loop3A_501 = vector.shape_cast %parallel_loop3A_500 : vector<1x16xf32> to vector<16xf32>
        %parallel_loop3A_502 = arith.constant 11.3137083 : f32
        %parallel_loop3A_503 = vector.broadcast %parallel_loop3A_502 : f32 to vector<16xf32>
        %parallel_loop3A_504 = arith.mulf %parallel_loop3A_501, %parallel_loop3A_503 : vector<16xf32>
        %parallel_loop3A_505 = arith.index_cast %parallel_loop3A_368 : i32 to index
        %parallel_loop3A_506 = arith.constant 80 : index
        %parallel_loop3A_507 = tpu.vector_load %arg7[%parallel_loop3A_505, %parallel_loop3A_506] {strides = array<i32>} : memref<200x128xf32, #tpu.memory_space<vmem>>, vector<1x16xf32>,
        %parallel_loop3A_508 = vector.shape_cast %parallel_loop3A_507 : vector<1x16xf32> to vector<16xf32>
        %parallel_loop3A_509 = arith.addf %parallel_loop3A_504, %parallel_loop3A_508 : vector<16xf32>
        %parallel_loop3A_510 = arith.constant 0 : i32
        %parallel_loop3A_511 = arith.constant 0 : i32
        %parallel_loop3A_512 = tpu.memref_slice %arg8[%parallel_loop3A_200, %parallel_loop3A_510, %parallel_loop3A_511] : memref<5x128x128xf32, #tpu.memory_space<vmem>> -> memref<1x128x128xf32, #tpu.memory_space<vmem>>
        %parallel_loop3A_513 = tpu.memref_squeeze %parallel_loop3A_512 : memref<1x128x128xf32, #tpu.memory_space<vmem>> -> memref<128x128xf32, #tpu.memory_space<vmem>>
        %parallel_loop3A_514 = arith.index_cast %parallel_loop3A_363 : i32 to index
        %parallel_loop3A_515 = arith.constant 80 : index
        %parallel_loop3A_516 = tpu.vector_load %parallel_loop3A_513[%parallel_loop3A_514, %parallel_loop3A_515] {strides = array<i32>} : memref<128x128xf32, #tpu.memory_space<vmem>>, vector<1x16xf32>,
        %parallel_loop3A_517 = vector.shape_cast %parallel_loop3A_516 : vector<1x16xf32> to vector<16xf32>
        %parallel_loop3A_518 = vector.shape_cast %parallel_loop3A_509 : vector<16xf32> to vector<1x16xf32>
        tpu.vector_store %parallel_loop3A_513[%parallel_loop3A_514, %parallel_loop3A_515], %parallel_loop3A_518 {strides = array<i32>} : memref<128x128xf32, #tpu.memory_space<vmem>>, vector<1x16xf32>,
        %parallel_loop3A_519 = arith.constant 0 : i32
        %parallel_loop3A_520 = arith.constant 0 : i32
        %parallel_loop3A_521 = tpu.memref_slice %arg8[%parallel_loop3A_200, %parallel_loop3A_519, %parallel_loop3A_520] : memref<5x128x128xf32, #tpu.memory_space<vmem>> -> memref<1x128x128xf32, #tpu.memory_space<vmem>>
        %parallel_loop3A_522 = tpu.memref_squeeze %parallel_loop3A_521 : memref<1x128x128xf32, #tpu.memory_space<vmem>> -> memref<128x128xf32, #tpu.memory_space<vmem>>
        %parallel_loop3A_523 = arith.index_cast %parallel_loop3A_363 : i32 to index
        %parallel_loop3A_524 = arith.constant 96 : index
        %parallel_loop3A_525 = tpu.vector_load %parallel_loop3A_522[%parallel_loop3A_523, %parallel_loop3A_524] {strides = array<i32>} : memref<128x128xf32, #tpu.memory_space<vmem>>, vector<1x16xf32>,
        %parallel_loop3A_526 = vector.shape_cast %parallel_loop3A_525 : vector<1x16xf32> to vector<16xf32>
        %parallel_loop3A_527 = arith.constant 11.3137083 : f32
        %parallel_loop3A_528 = vector.broadcast %parallel_loop3A_527 : f32 to vector<16xf32>
        %parallel_loop3A_529 = arith.mulf %parallel_loop3A_526, %parallel_loop3A_528 : vector<16xf32>
        %parallel_loop3A_530 = arith.index_cast %parallel_loop3A_368 : i32 to index
        %parallel_loop3A_531 = arith.constant 96 : index
        %parallel_loop3A_532 = tpu.vector_load %arg7[%parallel_loop3A_530, %parallel_loop3A_531] {strides = array<i32>} : memref<200x128xf32, #tpu.memory_space<vmem>>, vector<1x16xf32>,
        %parallel_loop3A_533 = vector.shape_cast %parallel_loop3A_532 : vector<1x16xf32> to vector<16xf32>
        %parallel_loop3A_534 = arith.addf %parallel_loop3A_529, %parallel_loop3A_533 : vector<16xf32>
        %parallel_loop3A_535 = arith.constant 0 : i32
        %parallel_loop3A_536 = arith.constant 0 : i32
        %parallel_loop3A_537 = tpu.memref_slice %arg8[%parallel_loop3A_200, %parallel_loop3A_535, %parallel_loop3A_536] : memref<5x128x128xf32, #tpu.memory_space<vmem>> -> memref<1x128x128xf32, #tpu.memory_space<vmem>>
        %parallel_loop3A_538 = tpu.memref_squeeze %parallel_loop3A_537 : memref<1x128x128xf32, #tpu.memory_space<vmem>> -> memref<128x128xf32, #tpu.memory_space<vmem>>
        %parallel_loop3A_539 = arith.index_cast %parallel_loop3A_363 : i32 to index
        %parallel_loop3A_540 = arith.constant 96 : index
        %parallel_loop3A_541 = tpu.vector_load %parallel_loop3A_538[%parallel_loop3A_539, %parallel_loop3A_540] {strides = array<i32>} : memref<128x128xf32, #tpu.memory_space<vmem>>, vector<1x16xf32>,
        %parallel_loop3A_542 = vector.shape_cast %parallel_loop3A_541 : vector<1x16xf32> to vector<16xf32>
        %parallel_loop3A_543 = vector.shape_cast %parallel_loop3A_534 : vector<16xf32> to vector<1x16xf32>
        tpu.vector_store %parallel_loop3A_538[%parallel_loop3A_539, %parallel_loop3A_540], %parallel_loop3A_543 {strides = array<i32>} : memref<128x128xf32, #tpu.memory_space<vmem>>, vector<1x16xf32>,
        %parallel_loop3A_544 = arith.constant 0 : i32
        %parallel_loop3A_545 = arith.constant 0 : i32
        %parallel_loop3A_546 = tpu.memref_slice %arg8[%parallel_loop3A_200, %parallel_loop3A_544, %parallel_loop3A_545] : memref<5x128x128xf32, #tpu.memory_space<vmem>> -> memref<1x128x128xf32, #tpu.memory_space<vmem>>
        %parallel_loop3A_547 = tpu.memref_squeeze %parallel_loop3A_546 : memref<1x128x128xf32, #tpu.memory_space<vmem>> -> memref<128x128xf32, #tpu.memory_space<vmem>>
        %parallel_loop3A_548 = arith.index_cast %parallel_loop3A_363 : i32 to index
        %parallel_loop3A_549 = arith.constant 112 : index
        %parallel_loop3A_550 = tpu.vector_load %parallel_loop3A_547[%parallel_loop3A_548, %parallel_loop3A_549] {strides = array<i32>} : memref<128x128xf32, #tpu.memory_space<vmem>>, vector<1x16xf32>,
        %parallel_loop3A_551 = vector.shape_cast %parallel_loop3A_550 : vector<1x16xf32> to vector<16xf32>
        %parallel_loop3A_552 = arith.constant 11.3137083 : f32
        %parallel_loop3A_553 = vector.broadcast %parallel_loop3A_552 : f32 to vector<16xf32>
        %parallel_loop3A_554 = arith.mulf %parallel_loop3A_551, %parallel_loop3A_553 : vector<16xf32>
        %parallel_loop3A_555 = arith.index_cast %parallel_loop3A_368 : i32 to index
        %parallel_loop3A_556 = arith.constant 112 : index
        %parallel_loop3A_557 = tpu.vector_load %arg7[%parallel_loop3A_555, %parallel_loop3A_556] {strides = array<i32>} : memref<200x128xf32, #tpu.memory_space<vmem>>, vector<1x16xf32>,
        %parallel_loop3A_558 = vector.shape_cast %parallel_loop3A_557 : vector<1x16xf32> to vector<16xf32>
        %parallel_loop3A_559 = arith.addf %parallel_loop3A_554, %parallel_loop3A_558 : vector<16xf32>
        %parallel_loop3A_560 = arith.constant 0 : i32
        %parallel_loop3A_561 = arith.constant 0 : i32
        %parallel_loop3A_562 = tpu.memref_slice %arg8[%parallel_loop3A_200, %parallel_loop3A_560, %parallel_loop3A_561] : memref<5x128x128xf32, #tpu.memory_space<vmem>> -> memref<1x128x128xf32, #tpu.memory_space<vmem>>
        %parallel_loop3A_563 = tpu.memref_squeeze %parallel_loop3A_562 : memref<1x128x128xf32, #tpu.memory_space<vmem>> -> memref<128x128xf32, #tpu.memory_space<vmem>>
        %parallel_loop3A_564 = arith.index_cast %parallel_loop3A_363 : i32 to index
        %parallel_loop3A_565 = arith.constant 112 : index
        %parallel_loop3A_566 = tpu.vector_load %parallel_loop3A_563[%parallel_loop3A_564, %parallel_loop3A_565] {strides = array<i32>} : memref<128x128xf32, #tpu.memory_space<vmem>>, vector<1x16xf32>,
        %parallel_loop3A_567 = vector.shape_cast %parallel_loop3A_566 : vector<1x16xf32> to vector<16xf32>
        %parallel_loop3A_568 = vector.shape_cast %parallel_loop3A_559 : vector<16xf32> to vector<1x16xf32>
        tpu.vector_store %parallel_loop3A_563[%parallel_loop3A_564, %parallel_loop3A_565], %parallel_loop3A_568 {strides = array<i32>} : memref<128x128xf32, #tpu.memory_space<vmem>>, vector<1x16xf32>,
      } {sc.loop_unroll_factor = 2 : i64, sc.parallel_access}
      %mul3A_201 = arith.constant 128 : i32
      %mul3A_202 = arith.muli %add3A_181, %mul3A_201 : i32
      %add3A_203 = arith.addi %mul3A_2, %mul3A_202 : i32
      %dma_start3A_204 = arith.constant 1 : i32
      %dma_start3A_205 = arith.constant 0 : i32
      %dma_start3A_206 = arith.constant 0 : i32
      %dma_start3A_207 = tpu.memref_slice %arg8[%dma_start3A_204, %dma_start3A_205, %dma_start3A_206] : memref<5x128x128xf32, #tpu.memory_space<vmem>> -> memref<1x128x128xf32, #tpu.memory_space<vmem>>
      %dma_start3A_208 = tpu.memref_squeeze %dma_start3A_207 : memref<1x128x128xf32, #tpu.memory_space<vmem>> -> memref<128x128xf32, #tpu.memory_space<vmem>>
      %dma_start3A_209 = arith.constant 0 : i32
      %dma_start3A_210 = tpu.memref_slice %arg5[%add3A_203, %dma_start3A_209] : memref<204800x128xf32, #tpu.memory_space<hbm>> -> memref<128x128xf32, #tpu.memory_space<hbm>>
      %dma_start3A_211 = arith.constant 0 : i32
      %dma_start3A_212 = tpu.memref_slice %arg5[%add3A_203, %dma_start3A_211] : memref<204800x128xf32, #tpu.memory_space<hbm>> -> memref<128x128xf32, #tpu.memory_space<hbm>>
      %dma_start3A_213 = arith.constant 0 : i32
      %dma_start3A_214 = arith.constant 0 : i32
      %dma_start3A_215 = tpu.memref_slice %arg8[%dma_start3A_204, %dma_start3A_213, %dma_start3A_214] : memref<5x128x128xf32, #tpu.memory_space<vmem>> -> memref<1x128x128xf32, #tpu.memory_space<vmem>>
      %dma_start3A_216 = tpu.memref_squeeze %dma_start3A_215 : memref<1x128x128xf32, #tpu.memory_space<vmem>> -> memref<128x128xf32, #tpu.memory_space<vmem>>
      tpu.enqueue_dma source(%dma_start3A_216 : memref<128x128xf32, #tpu.memory_space<vmem>>) target(%dma_start3A_212 : memref<128x128xf32, #tpu.memory_space<hbm>>) target_semaphore(%arg15 : memref<!tpu.dma_semaphore, #tpu.memory_space<semaphore_mem>>)
      %add3A_217 = arith.constant 5 : i32
      %add3A_218 = arith.addi %add3A_181, %add3A_217 : i32
      %sub3A_219 = arith.constant 1 : i32
      %sub3A_220 = arith.subi %add3A_218, %sub3A_219 : i32
      %lt3A = arith.constant 50 : i32
      %lt3A_221 = arith.cmpi slt, %sub3A_220, %lt3A : i32
      %convert_element_type3A_222 = arith.extui %lt3A_221 : i1 to i32
      %cond3A_223 = arith.constant 0 : i32
      %cond3A_224 = arith.cmpi ne, %convert_element_type3A_222, %cond3A_223 : i32
      scf.if %cond3A_224 {
        %dma_wait3A_363 = arith.constant 0 : i32
        %dma_wait3A_364 = arith.constant 0 : i32
        %dma_wait3A_365 = arith.constant 0 : i32
        %dma_wait3A_366 = tpu.memref_slice %arg8[%dma_wait3A_363, %dma_wait3A_364, %dma_wait3A_365] : memref<5x128x128xf32, #tpu.memory_space<vmem>> -> memref<1x128x128xf32, #tpu.memory_space<vmem>>
        %dma_wait3A_367 = tpu.memref_squeeze %dma_wait3A_366 : memref<1x128x128xf32, #tpu.memory_space<vmem>> -> memref<128x128xf32, #tpu.memory_space<vmem>>
        %dma_wait3A_368 = arith.constant 0 : i32
        %dma_wait3A_369 = arith.constant 0 : i32
        %dma_wait3A_370 = tpu.memref_slice %arg5[%dma_wait3A_368, %dma_wait3A_369] : memref<204800x128xf32, #tpu.memory_space<hbm>> -> memref<128x128xf32, #tpu.memory_space<hbm>>
        %dma_wait3A_371 = arith.constant 0 : i32
        %dma_wait3A_372 = arith.constant 0 : i32
        %dma_wait3A_373 = tpu.memref_slice %arg5[%dma_wait3A_371, %dma_wait3A_372] : memref<204800x128xf32, #tpu.memory_space<hbm>> -> memref<128x128xf32, #tpu.memory_space<hbm>>
        %dma_wait3A_374 = arith.constant 0 : i32
        %dma_wait3A_375 = arith.constant 0 : i32
        %dma_wait3A_376 = tpu.memref_slice %arg8[%dma_wait3A_363, %dma_wait3A_374, %dma_wait3A_375] : memref<5x128x128xf32, #tpu.memory_space<vmem>> -> memref<1x128x128xf32, #tpu.memory_space<vmem>>
        %dma_wait3A_377 = tpu.memref_squeeze %dma_wait3A_376 : memref<1x128x128xf32, #tpu.memory_space<vmem>> -> memref<128x128xf32, #tpu.memory_space<vmem>>
        tpu.wait_dma2 semaphore(%arg14 : memref<!tpu.dma_semaphore, #tpu.memory_space<semaphore_mem>>) src(%dma_wait3A_377 : memref<128x128xf32, #tpu.memory_space<vmem>>) dst(%dma_wait3A_373 : memref<128x128xf32, #tpu.memory_space<hbm>>)
        %dma_start3A_378 = arith.constant 0 : i32
        %dma_start3A_379 = arith.constant 0 : i32
        %dma_start3A_380 = arith.constant 0 : i32
        %dma_start3A_381 = tpu.memref_slice %arg8[%dma_start3A_378, %dma_start3A_379, %dma_start3A_380] : memref<5x128x128xf32, #tpu.memory_space<vmem>> -> memref<1x128x128xf32, #tpu.memory_space<vmem>>
        %dma_start3A_382 = tpu.memref_squeeze %dma_start3A_381 : memref<1x128x128xf32, #tpu.memory_space<vmem>> -> memref<128x128xf32, #tpu.memory_space<vmem>>
        %dma_start3A_383 = arith.constant 0 : i32
        %dma_start3A_384 = tpu.memref_slice %arg6[%sub3A_220, %dma_start3A_383] : memref<50x128xi32, #tpu.memory_space<vmem>> -> memref<1x128xi32, #tpu.memory_space<vmem>>
        %dma_start3A_385 = tpu.memref_squeeze %dma_start3A_384 : memref<1x128xi32, #tpu.memory_space<vmem>> -> memref<128xi32, #tpu.memory_space<vmem>>
        %dma_start3A_386 = arith.constant 0 : i32
        %dma_start3A_387 = arith.constant 0 : i32
        %dma_start3A_388 = tpu.memref_slice %arg2[%dma_start3A_386, %dma_start3A_387] : memref<100000x128xf32, #tpu.memory_space<hbm>> -> memref<100000x128xf32, #tpu.memory_space<hbm>>
        tpu.enqueue_indirect_dma source(%dma_start3A_388 : memref<100000x128xf32, #tpu.memory_space<hbm>>) target(%dma_start3A_382 : memref<128x128xf32, #tpu.memory_space<vmem>>) offsets(%dma_start3A_385 : memref<128xi32, #tpu.memory_space<vmem>>) semaphore(%arg9 : memref<!tpu.dma_semaphore, #tpu.memory_space<semaphore_mem>>)
      } else {
      }
      %add3A_225 = arith.constant 2 : i32
      %add3A_226 = arith.addi %mul3A_134, %add3A_225 : i32
      %dma_wait3A_227 = arith.constant 2 : i32
      %dma_wait3A_228 = arith.constant 0 : i32
      %dma_wait3A_229 = arith.constant 0 : i32
      %dma_wait3A_230 = tpu.memref_slice %arg8[%dma_wait3A_227, %dma_wait3A_228, %dma_wait3A_229] : memref<5x128x128xf32, #tpu.memory_space<vmem>> -> memref<1x128x128xf32, #tpu.memory_space<vmem>>
      %dma_wait3A_231 = tpu.memref_squeeze %dma_wait3A_230 : memref<1x128x128xf32, #tpu.memory_space<vmem>> -> memref<128x128xf32, #tpu.memory_space<vmem>>
      %dma_wait3A_232 = arith.constant 0 : i32
      %dma_wait3A_233 = arith.constant 0 : i32
      %dma_wait3A_234 = tpu.memref_slice %arg5[%dma_wait3A_232, %dma_wait3A_233] : memref<204800x128xf32, #tpu.memory_space<hbm>> -> memref<128x128xf32, #tpu.memory_space<hbm>>
      %dma_wait3A_235 = arith.constant 0 : i32
      %dma_wait3A_236 = arith.constant 0 : i32
      %dma_wait3A_237 = tpu.memref_slice %arg8[%dma_wait3A_227, %dma_wait3A_235, %dma_wait3A_236] : memref<5x128x128xf32, #tpu.memory_space<vmem>> -> memref<1x128x128xf32, #tpu.memory_space<vmem>>
      %dma_wait3A_238 = tpu.memref_squeeze %dma_wait3A_237 : memref<1x128x128xf32, #tpu.memory_space<vmem>> -> memref<128x128xf32, #tpu.memory_space<vmem>>
      %dma_wait3A_239 = arith.constant 0 : i32
      %dma_wait3A_240 = arith.constant 0 : i32
      %dma_wait3A_241 = tpu.memref_slice %arg5[%dma_wait3A_239, %dma_wait3A_240] : memref<204800x128xf32, #tpu.memory_space<hbm>> -> memref<128x128xf32, #tpu.memory_space<hbm>>
      tpu.wait_dma2 semaphore(%arg11 : memref<!tpu.dma_semaphore, #tpu.memory_space<semaphore_mem>>) src(%dma_wait3A_241 : memref<128x128xf32, #tpu.memory_space<hbm>>) dst(%dma_wait3A_238 : memref<128x128xf32, #tpu.memory_space<vmem>>)
      %parallel_loop3A_242 = arith.constant 0 : i32
      %parallel_loop3A_243 = arith.constant 128 : i32
      %parallel_loop3A_244 = arith.constant 1 : i32
      %parallel_loop3A_245 = arith.constant 2 : i32
      scf.for %parallel_loop3A_363 = %parallel_loop3A_242 to %parallel_loop3A_243 step %parallel_loop3A_244  : i32 {
        %parallel_loop3A_364 = arith.constant 128 : i32
        %parallel_loop3A_365 = arith.muli %add3A_226, %parallel_loop3A_364 : i32
        %parallel_loop3A_366 = arith.addi %parallel_loop3A_365, %parallel_loop3A_363 : i32
        %parallel_loop3A_367 = arith.constant 200 : i32
        %parallel_loop3A_368 = arith.remsi %parallel_loop3A_366, %parallel_loop3A_367 : i32
        %parallel_loop3A_369 = arith.constant 0 : i32
        %parallel_loop3A_370 = arith.constant 0 : i32
        %parallel_loop3A_371 = tpu.memref_slice %arg8[%parallel_loop3A_245, %parallel_loop3A_369, %parallel_loop3A_370] : memref<5x128x128xf32, #tpu.memory_space<vmem>> -> memref<1x128x128xf32, #tpu.memory_space<vmem>>
        %parallel_loop3A_372 = tpu.memref_squeeze %parallel_loop3A_371 : memref<1x128x128xf32, #tpu.memory_space<vmem>> -> memref<128x128xf32, #tpu.memory_space<vmem>>
        %parallel_loop3A_373 = arith.index_cast %parallel_loop3A_363 : i32 to index
        %parallel_loop3A_374 = arith.constant 0 : index
        %parallel_loop3A_375 = tpu.vector_load %parallel_loop3A_372[%parallel_loop3A_373, %parallel_loop3A_374] {strides = array<i32>} : memref<128x128xf32, #tpu.memory_space<vmem>>, vector<1x16xf32>,
        %parallel_loop3A_376 = vector.shape_cast %parallel_loop3A_375 : vector<1x16xf32> to vector<16xf32>
        %parallel_loop3A_377 = arith.constant 11.3137083 : f32
        %parallel_loop3A_378 = vector.broadcast %parallel_loop3A_377 : f32 to vector<16xf32>
        %parallel_loop3A_379 = arith.mulf %parallel_loop3A_376, %parallel_loop3A_378 : vector<16xf32>
        %parallel_loop3A_380 = arith.index_cast %parallel_loop3A_368 : i32 to index
        %parallel_loop3A_381 = arith.constant 0 : index
        %parallel_loop3A_382 = tpu.vector_load %arg7[%parallel_loop3A_380, %parallel_loop3A_381] {strides = array<i32>} : memref<200x128xf32, #tpu.memory_space<vmem>>, vector<1x16xf32>,
        %parallel_loop3A_383 = vector.shape_cast %parallel_loop3A_382 : vector<1x16xf32> to vector<16xf32>
        %parallel_loop3A_384 = arith.addf %parallel_loop3A_379, %parallel_loop3A_383 : vector<16xf32>
        %parallel_loop3A_385 = arith.constant 0 : i32
        %parallel_loop3A_386 = arith.constant 0 : i32
        %parallel_loop3A_387 = tpu.memref_slice %arg8[%parallel_loop3A_245, %parallel_loop3A_385, %parallel_loop3A_386] : memref<5x128x128xf32, #tpu.memory_space<vmem>> -> memref<1x128x128xf32, #tpu.memory_space<vmem>>
        %parallel_loop3A_388 = tpu.memref_squeeze %parallel_loop3A_387 : memref<1x128x128xf32, #tpu.memory_space<vmem>> -> memref<128x128xf32, #tpu.memory_space<vmem>>
        %parallel_loop3A_389 = arith.index_cast %parallel_loop3A_363 : i32 to index
        %parallel_loop3A_390 = arith.constant 0 : index
        %parallel_loop3A_391 = tpu.vector_load %parallel_loop3A_388[%parallel_loop3A_389, %parallel_loop3A_390] {strides = array<i32>} : memref<128x128xf32, #tpu.memory_space<vmem>>, vector<1x16xf32>,
        %parallel_loop3A_392 = vector.shape_cast %parallel_loop3A_391 : vector<1x16xf32> to vector<16xf32>
        %parallel_loop3A_393 = vector.shape_cast %parallel_loop3A_384 : vector<16xf32> to vector<1x16xf32>
        tpu.vector_store %parallel_loop3A_388[%parallel_loop3A_389, %parallel_loop3A_390], %parallel_loop3A_393 {strides = array<i32>} : memref<128x128xf32, #tpu.memory_space<vmem>>, vector<1x16xf32>,
        %parallel_loop3A_394 = arith.constant 0 : i32
        %parallel_loop3A_395 = arith.constant 0 : i32
        %parallel_loop3A_396 = tpu.memref_slice %arg8[%parallel_loop3A_245, %parallel_loop3A_394, %parallel_loop3A_395] : memref<5x128x128xf32, #tpu.memory_space<vmem>> -> memref<1x128x128xf32, #tpu.memory_space<vmem>>
        %parallel_loop3A_397 = tpu.memref_squeeze %parallel_loop3A_396 : memref<1x128x128xf32, #tpu.memory_space<vmem>> -> memref<128x128xf32, #tpu.memory_space<vmem>>
        %parallel_loop3A_398 = arith.index_cast %parallel_loop3A_363 : i32 to index
        %parallel_loop3A_399 = arith.constant 16 : index
        %parallel_loop3A_400 = tpu.vector_load %parallel_loop3A_397[%parallel_loop3A_398, %parallel_loop3A_399] {strides = array<i32>} : memref<128x128xf32, #tpu.memory_space<vmem>>, vector<1x16xf32>,
        %parallel_loop3A_401 = vector.shape_cast %parallel_loop3A_400 : vector<1x16xf32> to vector<16xf32>
        %parallel_loop3A_402 = arith.constant 11.3137083 : f32
        %parallel_loop3A_403 = vector.broadcast %parallel_loop3A_402 : f32 to vector<16xf32>
        %parallel_loop3A_404 = arith.mulf %parallel_loop3A_401, %parallel_loop3A_403 : vector<16xf32>
        %parallel_loop3A_405 = arith.index_cast %parallel_loop3A_368 : i32 to index
        %parallel_loop3A_406 = arith.constant 16 : index
        %parallel_loop3A_407 = tpu.vector_load %arg7[%parallel_loop3A_405, %parallel_loop3A_406] {strides = array<i32>} : memref<200x128xf32, #tpu.memory_space<vmem>>, vector<1x16xf32>,
        %parallel_loop3A_408 = vector.shape_cast %parallel_loop3A_407 : vector<1x16xf32> to vector<16xf32>
        %parallel_loop3A_409 = arith.addf %parallel_loop3A_404, %parallel_loop3A_408 : vector<16xf32>
        %parallel_loop3A_410 = arith.constant 0 : i32
        %parallel_loop3A_411 = arith.constant 0 : i32
        %parallel_loop3A_412 = tpu.memref_slice %arg8[%parallel_loop3A_245, %parallel_loop3A_410, %parallel_loop3A_411] : memref<5x128x128xf32, #tpu.memory_space<vmem>> -> memref<1x128x128xf32, #tpu.memory_space<vmem>>
        %parallel_loop3A_413 = tpu.memref_squeeze %parallel_loop3A_412 : memref<1x128x128xf32, #tpu.memory_space<vmem>> -> memref<128x128xf32, #tpu.memory_space<vmem>>
        %parallel_loop3A_414 = arith.index_cast %parallel_loop3A_363 : i32 to index
        %parallel_loop3A_415 = arith.constant 16 : index
        %parallel_loop3A_416 = tpu.vector_load %parallel_loop3A_413[%parallel_loop3A_414, %parallel_loop3A_415] {strides = array<i32>} : memref<128x128xf32, #tpu.memory_space<vmem>>, vector<1x16xf32>,
        %parallel_loop3A_417 = vector.shape_cast %parallel_loop3A_416 : vector<1x16xf32> to vector<16xf32>
        %parallel_loop3A_418 = vector.shape_cast %parallel_loop3A_409 : vector<16xf32> to vector<1x16xf32>
        tpu.vector_store %parallel_loop3A_413[%parallel_loop3A_414, %parallel_loop3A_415], %parallel_loop3A_418 {strides = array<i32>} : memref<128x128xf32, #tpu.memory_space<vmem>>, vector<1x16xf32>,
        %parallel_loop3A_419 = arith.constant 0 : i32
        %parallel_loop3A_420 = arith.constant 0 : i32
        %parallel_loop3A_421 = tpu.memref_slice %arg8[%parallel_loop3A_245, %parallel_loop3A_419, %parallel_loop3A_420] : memref<5x128x128xf32, #tpu.memory_space<vmem>> -> memref<1x128x128xf32, #tpu.memory_space<vmem>>
        %parallel_loop3A_422 = tpu.memref_squeeze %parallel_loop3A_421 : memref<1x128x128xf32, #tpu.memory_space<vmem>> -> memref<128x128xf32, #tpu.memory_space<vmem>>
        %parallel_loop3A_423 = arith.index_cast %parallel_loop3A_363 : i32 to index
        %parallel_loop3A_424 = arith.constant 32 : index
        %parallel_loop3A_425 = tpu.vector_load %parallel_loop3A_422[%parallel_loop3A_423, %parallel_loop3A_424] {strides = array<i32>} : memref<128x128xf32, #tpu.memory_space<vmem>>, vector<1x16xf32>,
        %parallel_loop3A_426 = vector.shape_cast %parallel_loop3A_425 : vector<1x16xf32> to vector<16xf32>
        %parallel_loop3A_427 = arith.constant 11.3137083 : f32
        %parallel_loop3A_428 = vector.broadcast %parallel_loop3A_427 : f32 to vector<16xf32>
        %parallel_loop3A_429 = arith.mulf %parallel_loop3A_426, %parallel_loop3A_428 : vector<16xf32>
        %parallel_loop3A_430 = arith.index_cast %parallel_loop3A_368 : i32 to index
        %parallel_loop3A_431 = arith.constant 32 : index
        %parallel_loop3A_432 = tpu.vector_load %arg7[%parallel_loop3A_430, %parallel_loop3A_431] {strides = array<i32>} : memref<200x128xf32, #tpu.memory_space<vmem>>, vector<1x16xf32>,
        %parallel_loop3A_433 = vector.shape_cast %parallel_loop3A_432 : vector<1x16xf32> to vector<16xf32>
        %parallel_loop3A_434 = arith.addf %parallel_loop3A_429, %parallel_loop3A_433 : vector<16xf32>
        %parallel_loop3A_435 = arith.constant 0 : i32
        %parallel_loop3A_436 = arith.constant 0 : i32
        %parallel_loop3A_437 = tpu.memref_slice %arg8[%parallel_loop3A_245, %parallel_loop3A_435, %parallel_loop3A_436] : memref<5x128x128xf32, #tpu.memory_space<vmem>> -> memref<1x128x128xf32, #tpu.memory_space<vmem>>
        %parallel_loop3A_438 = tpu.memref_squeeze %parallel_loop3A_437 : memref<1x128x128xf32, #tpu.memory_space<vmem>> -> memref<128x128xf32, #tpu.memory_space<vmem>>
        %parallel_loop3A_439 = arith.index_cast %parallel_loop3A_363 : i32 to index
        %parallel_loop3A_440 = arith.constant 32 : index
        %parallel_loop3A_441 = tpu.vector_load %parallel_loop3A_438[%parallel_loop3A_439, %parallel_loop3A_440] {strides = array<i32>} : memref<128x128xf32, #tpu.memory_space<vmem>>, vector<1x16xf32>,
        %parallel_loop3A_442 = vector.shape_cast %parallel_loop3A_441 : vector<1x16xf32> to vector<16xf32>
        %parallel_loop3A_443 = vector.shape_cast %parallel_loop3A_434 : vector<16xf32> to vector<1x16xf32>
        tpu.vector_store %parallel_loop3A_438[%parallel_loop3A_439, %parallel_loop3A_440], %parallel_loop3A_443 {strides = array<i32>} : memref<128x128xf32, #tpu.memory_space<vmem>>, vector<1x16xf32>,
        %parallel_loop3A_444 = arith.constant 0 : i32
        %parallel_loop3A_445 = arith.constant 0 : i32
        %parallel_loop3A_446 = tpu.memref_slice %arg8[%parallel_loop3A_245, %parallel_loop3A_444, %parallel_loop3A_445] : memref<5x128x128xf32, #tpu.memory_space<vmem>> -> memref<1x128x128xf32, #tpu.memory_space<vmem>>
        %parallel_loop3A_447 = tpu.memref_squeeze %parallel_loop3A_446 : memref<1x128x128xf32, #tpu.memory_space<vmem>> -> memref<128x128xf32, #tpu.memory_space<vmem>>
        %parallel_loop3A_448 = arith.index_cast %parallel_loop3A_363 : i32 to index
        %parallel_loop3A_449 = arith.constant 48 : index
        %parallel_loop3A_450 = tpu.vector_load %parallel_loop3A_447[%parallel_loop3A_448, %parallel_loop3A_449] {strides = array<i32>} : memref<128x128xf32, #tpu.memory_space<vmem>>, vector<1x16xf32>,
        %parallel_loop3A_451 = vector.shape_cast %parallel_loop3A_450 : vector<1x16xf32> to vector<16xf32>
        %parallel_loop3A_452 = arith.constant 11.3137083 : f32
        %parallel_loop3A_453 = vector.broadcast %parallel_loop3A_452 : f32 to vector<16xf32>
        %parallel_loop3A_454 = arith.mulf %parallel_loop3A_451, %parallel_loop3A_453 : vector<16xf32>
        %parallel_loop3A_455 = arith.index_cast %parallel_loop3A_368 : i32 to index
        %parallel_loop3A_456 = arith.constant 48 : index
        %parallel_loop3A_457 = tpu.vector_load %arg7[%parallel_loop3A_455, %parallel_loop3A_456] {strides = array<i32>} : memref<200x128xf32, #tpu.memory_space<vmem>>, vector<1x16xf32>,
        %parallel_loop3A_458 = vector.shape_cast %parallel_loop3A_457 : vector<1x16xf32> to vector<16xf32>
        %parallel_loop3A_459 = arith.addf %parallel_loop3A_454, %parallel_loop3A_458 : vector<16xf32>
        %parallel_loop3A_460 = arith.constant 0 : i32
        %parallel_loop3A_461 = arith.constant 0 : i32
        %parallel_loop3A_462 = tpu.memref_slice %arg8[%parallel_loop3A_245, %parallel_loop3A_460, %parallel_loop3A_461] : memref<5x128x128xf32, #tpu.memory_space<vmem>> -> memref<1x128x128xf32, #tpu.memory_space<vmem>>
        %parallel_loop3A_463 = tpu.memref_squeeze %parallel_loop3A_462 : memref<1x128x128xf32, #tpu.memory_space<vmem>> -> memref<128x128xf32, #tpu.memory_space<vmem>>
        %parallel_loop3A_464 = arith.index_cast %parallel_loop3A_363 : i32 to index
        %parallel_loop3A_465 = arith.constant 48 : index
        %parallel_loop3A_466 = tpu.vector_load %parallel_loop3A_463[%parallel_loop3A_464, %parallel_loop3A_465] {strides = array<i32>} : memref<128x128xf32, #tpu.memory_space<vmem>>, vector<1x16xf32>,
        %parallel_loop3A_467 = vector.shape_cast %parallel_loop3A_466 : vector<1x16xf32> to vector<16xf32>
        %parallel_loop3A_468 = vector.shape_cast %parallel_loop3A_459 : vector<16xf32> to vector<1x16xf32>
        tpu.vector_store %parallel_loop3A_463[%parallel_loop3A_464, %parallel_loop3A_465], %parallel_loop3A_468 {strides = array<i32>} : memref<128x128xf32, #tpu.memory_space<vmem>>, vector<1x16xf32>,
        %parallel_loop3A_469 = arith.constant 0 : i32
        %parallel_loop3A_470 = arith.constant 0 : i32
        %parallel_loop3A_471 = tpu.memref_slice %arg8[%parallel_loop3A_245, %parallel_loop3A_469, %parallel_loop3A_470] : memref<5x128x128xf32, #tpu.memory_space<vmem>> -> memref<1x128x128xf32, #tpu.memory_space<vmem>>
        %parallel_loop3A_472 = tpu.memref_squeeze %parallel_loop3A_471 : memref<1x128x128xf32, #tpu.memory_space<vmem>> -> memref<128x128xf32, #tpu.memory_space<vmem>>
        %parallel_loop3A_473 = arith.index_cast %parallel_loop3A_363 : i32 to index
        %parallel_loop3A_474 = arith.constant 64 : index
        %parallel_loop3A_475 = tpu.vector_load %parallel_loop3A_472[%parallel_loop3A_473, %parallel_loop3A_474] {strides = array<i32>} : memref<128x128xf32, #tpu.memory_space<vmem>>, vector<1x16xf32>,
        %parallel_loop3A_476 = vector.shape_cast %parallel_loop3A_475 : vector<1x16xf32> to vector<16xf32>
        %parallel_loop3A_477 = arith.constant 11.3137083 : f32
        %parallel_loop3A_478 = vector.broadcast %parallel_loop3A_477 : f32 to vector<16xf32>
        %parallel_loop3A_479 = arith.mulf %parallel_loop3A_476, %parallel_loop3A_478 : vector<16xf32>
        %parallel_loop3A_480 = arith.index_cast %parallel_loop3A_368 : i32 to index
        %parallel_loop3A_481 = arith.constant 64 : index
        %parallel_loop3A_482 = tpu.vector_load %arg7[%parallel_loop3A_480, %parallel_loop3A_481] {strides = array<i32>} : memref<200x128xf32, #tpu.memory_space<vmem>>, vector<1x16xf32>,
        %parallel_loop3A_483 = vector.shape_cast %parallel_loop3A_482 : vector<1x16xf32> to vector<16xf32>
        %parallel_loop3A_484 = arith.addf %parallel_loop3A_479, %parallel_loop3A_483 : vector<16xf32>
        %parallel_loop3A_485 = arith.constant 0 : i32
        %parallel_loop3A_486 = arith.constant 0 : i32
        %parallel_loop3A_487 = tpu.memref_slice %arg8[%parallel_loop3A_245, %parallel_loop3A_485, %parallel_loop3A_486] : memref<5x128x128xf32, #tpu.memory_space<vmem>> -> memref<1x128x128xf32, #tpu.memory_space<vmem>>
        %parallel_loop3A_488 = tpu.memref_squeeze %parallel_loop3A_487 : memref<1x128x128xf32, #tpu.memory_space<vmem>> -> memref<128x128xf32, #tpu.memory_space<vmem>>
        %parallel_loop3A_489 = arith.index_cast %parallel_loop3A_363 : i32 to index
        %parallel_loop3A_490 = arith.constant 64 : index
        %parallel_loop3A_491 = tpu.vector_load %parallel_loop3A_488[%parallel_loop3A_489, %parallel_loop3A_490] {strides = array<i32>} : memref<128x128xf32, #tpu.memory_space<vmem>>, vector<1x16xf32>,
        %parallel_loop3A_492 = vector.shape_cast %parallel_loop3A_491 : vector<1x16xf32> to vector<16xf32>
        %parallel_loop3A_493 = vector.shape_cast %parallel_loop3A_484 : vector<16xf32> to vector<1x16xf32>
        tpu.vector_store %parallel_loop3A_488[%parallel_loop3A_489, %parallel_loop3A_490], %parallel_loop3A_493 {strides = array<i32>} : memref<128x128xf32, #tpu.memory_space<vmem>>, vector<1x16xf32>,
        %parallel_loop3A_494 = arith.constant 0 : i32
        %parallel_loop3A_495 = arith.constant 0 : i32
        %parallel_loop3A_496 = tpu.memref_slice %arg8[%parallel_loop3A_245, %parallel_loop3A_494, %parallel_loop3A_495] : memref<5x128x128xf32, #tpu.memory_space<vmem>> -> memref<1x128x128xf32, #tpu.memory_space<vmem>>
        %parallel_loop3A_497 = tpu.memref_squeeze %parallel_loop3A_496 : memref<1x128x128xf32, #tpu.memory_space<vmem>> -> memref<128x128xf32, #tpu.memory_space<vmem>>
        %parallel_loop3A_498 = arith.index_cast %parallel_loop3A_363 : i32 to index
        %parallel_loop3A_499 = arith.constant 80 : index
        %parallel_loop3A_500 = tpu.vector_load %parallel_loop3A_497[%parallel_loop3A_498, %parallel_loop3A_499] {strides = array<i32>} : memref<128x128xf32, #tpu.memory_space<vmem>>, vector<1x16xf32>,
        %parallel_loop3A_501 = vector.shape_cast %parallel_loop3A_500 : vector<1x16xf32> to vector<16xf32>
        %parallel_loop3A_502 = arith.constant 11.3137083 : f32
        %parallel_loop3A_503 = vector.broadcast %parallel_loop3A_502 : f32 to vector<16xf32>
        %parallel_loop3A_504 = arith.mulf %parallel_loop3A_501, %parallel_loop3A_503 : vector<16xf32>
        %parallel_loop3A_505 = arith.index_cast %parallel_loop3A_368 : i32 to index
        %parallel_loop3A_506 = arith.constant 80 : index
        %parallel_loop3A_507 = tpu.vector_load %arg7[%parallel_loop3A_505, %parallel_loop3A_506] {strides = array<i32>} : memref<200x128xf32, #tpu.memory_space<vmem>>, vector<1x16xf32>,
        %parallel_loop3A_508 = vector.shape_cast %parallel_loop3A_507 : vector<1x16xf32> to vector<16xf32>
        %parallel_loop3A_509 = arith.addf %parallel_loop3A_504, %parallel_loop3A_508 : vector<16xf32>
        %parallel_loop3A_510 = arith.constant 0 : i32
        %parallel_loop3A_511 = arith.constant 0 : i32
        %parallel_loop3A_512 = tpu.memref_slice %arg8[%parallel_loop3A_245, %parallel_loop3A_510, %parallel_loop3A_511] : memref<5x128x128xf32, #tpu.memory_space<vmem>> -> memref<1x128x128xf32, #tpu.memory_space<vmem>>
        %parallel_loop3A_513 = tpu.memref_squeeze %parallel_loop3A_512 : memref<1x128x128xf32, #tpu.memory_space<vmem>> -> memref<128x128xf32, #tpu.memory_space<vmem>>
        %parallel_loop3A_514 = arith.index_cast %parallel_loop3A_363 : i32 to index
        %parallel_loop3A_515 = arith.constant 80 : index
        %parallel_loop3A_516 = tpu.vector_load %parallel_loop3A_513[%parallel_loop3A_514, %parallel_loop3A_515] {strides = array<i32>} : memref<128x128xf32, #tpu.memory_space<vmem>>, vector<1x16xf32>,
        %parallel_loop3A_517 = vector.shape_cast %parallel_loop3A_516 : vector<1x16xf32> to vector<16xf32>
        %parallel_loop3A_518 = vector.shape_cast %parallel_loop3A_509 : vector<16xf32> to vector<1x16xf32>
        tpu.vector_store %parallel_loop3A_513[%parallel_loop3A_514, %parallel_loop3A_515], %parallel_loop3A_518 {strides = array<i32>} : memref<128x128xf32, #tpu.memory_space<vmem>>, vector<1x16xf32>,
        %parallel_loop3A_519 = arith.constant 0 : i32
        %parallel_loop3A_520 = arith.constant 0 : i32
        %parallel_loop3A_521 = tpu.memref_slice %arg8[%parallel_loop3A_245, %parallel_loop3A_519, %parallel_loop3A_520] : memref<5x128x128xf32, #tpu.memory_space<vmem>> -> memref<1x128x128xf32, #tpu.memory_space<vmem>>
        %parallel_loop3A_522 = tpu.memref_squeeze %parallel_loop3A_521 : memref<1x128x128xf32, #tpu.memory_space<vmem>> -> memref<128x128xf32, #tpu.memory_space<vmem>>
        %parallel_loop3A_523 = arith.index_cast %parallel_loop3A_363 : i32 to index
        %parallel_loop3A_524 = arith.constant 96 : index
        %parallel_loop3A_525 = tpu.vector_load %parallel_loop3A_522[%parallel_loop3A_523, %parallel_loop3A_524] {strides = array<i32>} : memref<128x128xf32, #tpu.memory_space<vmem>>, vector<1x16xf32>,
        %parallel_loop3A_526 = vector.shape_cast %parallel_loop3A_525 : vector<1x16xf32> to vector<16xf32>
        %parallel_loop3A_527 = arith.constant 11.3137083 : f32
        %parallel_loop3A_528 = vector.broadcast %parallel_loop3A_527 : f32 to vector<16xf32>
        %parallel_loop3A_529 = arith.mulf %parallel_loop3A_526, %parallel_loop3A_528 : vector<16xf32>
        %parallel_loop3A_530 = arith.index_cast %parallel_loop3A_368 : i32 to index
        %parallel_loop3A_531 = arith.constant 96 : index
        %parallel_loop3A_532 = tpu.vector_load %arg7[%parallel_loop3A_530, %parallel_loop3A_531] {strides = array<i32>} : memref<200x128xf32, #tpu.memory_space<vmem>>, vector<1x16xf32>,
        %parallel_loop3A_533 = vector.shape_cast %parallel_loop3A_532 : vector<1x16xf32> to vector<16xf32>
        %parallel_loop3A_534 = arith.addf %parallel_loop3A_529, %parallel_loop3A_533 : vector<16xf32>
        %parallel_loop3A_535 = arith.constant 0 : i32
        %parallel_loop3A_536 = arith.constant 0 : i32
        %parallel_loop3A_537 = tpu.memref_slice %arg8[%parallel_loop3A_245, %parallel_loop3A_535, %parallel_loop3A_536] : memref<5x128x128xf32, #tpu.memory_space<vmem>> -> memref<1x128x128xf32, #tpu.memory_space<vmem>>
        %parallel_loop3A_538 = tpu.memref_squeeze %parallel_loop3A_537 : memref<1x128x128xf32, #tpu.memory_space<vmem>> -> memref<128x128xf32, #tpu.memory_space<vmem>>
        %parallel_loop3A_539 = arith.index_cast %parallel_loop3A_363 : i32 to index
        %parallel_loop3A_540 = arith.constant 96 : index
        %parallel_loop3A_541 = tpu.vector_load %parallel_loop3A_538[%parallel_loop3A_539, %parallel_loop3A_540] {strides = array<i32>} : memref<128x128xf32, #tpu.memory_space<vmem>>, vector<1x16xf32>,
        %parallel_loop3A_542 = vector.shape_cast %parallel_loop3A_541 : vector<1x16xf32> to vector<16xf32>
        %parallel_loop3A_543 = vector.shape_cast %parallel_loop3A_534 : vector<16xf32> to vector<1x16xf32>
        tpu.vector_store %parallel_loop3A_538[%parallel_loop3A_539, %parallel_loop3A_540], %parallel_loop3A_543 {strides = array<i32>} : memref<128x128xf32, #tpu.memory_space<vmem>>, vector<1x16xf32>,
        %parallel_loop3A_544 = arith.constant 0 : i32
        %parallel_loop3A_545 = arith.constant 0 : i32
        %parallel_loop3A_546 = tpu.memref_slice %arg8[%parallel_loop3A_245, %parallel_loop3A_544, %parallel_loop3A_545] : memref<5x128x128xf32, #tpu.memory_space<vmem>> -> memref<1x128x128xf32, #tpu.memory_space<vmem>>
        %parallel_loop3A_547 = tpu.memref_squeeze %parallel_loop3A_546 : memref<1x128x128xf32, #tpu.memory_space<vmem>> -> memref<128x128xf32, #tpu.memory_space<vmem>>
        %parallel_loop3A_548 = arith.index_cast %parallel_loop3A_363 : i32 to index
        %parallel_loop3A_549 = arith.constant 112 : index
        %parallel_loop3A_550 = tpu.vector_load %parallel_loop3A_547[%parallel_loop3A_548, %parallel_loop3A_549] {strides = array<i32>} : memref<128x128xf32, #tpu.memory_space<vmem>>, vector<1x16xf32>,
        %parallel_loop3A_551 = vector.shape_cast %parallel_loop3A_550 : vector<1x16xf32> to vector<16xf32>
        %parallel_loop3A_552 = arith.constant 11.3137083 : f32
        %parallel_loop3A_553 = vector.broadcast %parallel_loop3A_552 : f32 to vector<16xf32>
        %parallel_loop3A_554 = arith.mulf %parallel_loop3A_551, %parallel_loop3A_553 : vector<16xf32>
        %parallel_loop3A_555 = arith.index_cast %parallel_loop3A_368 : i32 to index
        %parallel_loop3A_556 = arith.constant 112 : index
        %parallel_loop3A_557 = tpu.vector_load %arg7[%parallel_loop3A_555, %parallel_loop3A_556] {strides = array<i32>} : memref<200x128xf32, #tpu.memory_space<vmem>>, vector<1x16xf32>,
        %parallel_loop3A_558 = vector.shape_cast %parallel_loop3A_557 : vector<1x16xf32> to vector<16xf32>
        %parallel_loop3A_559 = arith.addf %parallel_loop3A_554, %parallel_loop3A_558 : vector<16xf32>
        %parallel_loop3A_560 = arith.constant 0 : i32
        %parallel_loop3A_561 = arith.constant 0 : i32
        %parallel_loop3A_562 = tpu.memref_slice %arg8[%parallel_loop3A_245, %parallel_loop3A_560, %parallel_loop3A_561] : memref<5x128x128xf32, #tpu.memory_space<vmem>> -> memref<1x128x128xf32, #tpu.memory_space<vmem>>
        %parallel_loop3A_563 = tpu.memref_squeeze %parallel_loop3A_562 : memref<1x128x128xf32, #tpu.memory_space<vmem>> -> memref<128x128xf32, #tpu.memory_space<vmem>>
        %parallel_loop3A_564 = arith.index_cast %parallel_loop3A_363 : i32 to index
        %parallel_loop3A_565 = arith.constant 112 : index
        %parallel_loop3A_566 = tpu.vector_load %parallel_loop3A_563[%parallel_loop3A_564, %parallel_loop3A_565] {strides = array<i32>} : memref<128x128xf32, #tpu.memory_space<vmem>>, vector<1x16xf32>,
        %parallel_loop3A_567 = vector.shape_cast %parallel_loop3A_566 : vector<1x16xf32> to vector<16xf32>
        %parallel_loop3A_568 = vector.shape_cast %parallel_loop3A_559 : vector<16xf32> to vector<1x16xf32>
        tpu.vector_store %parallel_loop3A_563[%parallel_loop3A_564, %parallel_loop3A_565], %parallel_loop3A_568 {strides = array<i32>} : memref<128x128xf32, #tpu.memory_space<vmem>>, vector<1x16xf32>,
      } {sc.loop_unroll_factor = 2 : i64, sc.parallel_access}
      %mul3A_246 = arith.constant 128 : i32
      %mul3A_247 = arith.muli %add3A_226, %mul3A_246 : i32
      %add3A_248 = arith.addi %mul3A_2, %mul3A_247 : i32
      %dma_start3A_249 = arith.constant 2 : i32
      %dma_start3A_250 = arith.constant 0 : i32
      %dma_start3A_251 = arith.constant 0 : i32
      %dma_start3A_252 = tpu.memref_slice %arg8[%dma_start3A_249, %dma_start3A_250, %dma_start3A_251] : memref<5x128x128xf32, #tpu.memory_space<vmem>> -> memref<1x128x128xf32, #tpu.memory_space<vmem>>
      %dma_start3A_253 = tpu.memref_squeeze %dma_start3A_252 : memref<1x128x128xf32, #tpu.memory_space<vmem>> -> memref<128x128xf32, #tpu.memory_space<vmem>>
      %dma_start3A_254 = arith.constant 0 : i32
      %dma_start3A_255 = tpu.memref_slice %arg5[%add3A_248, %dma_start3A_254] : memref<204800x128xf32, #tpu.memory_space<hbm>> -> memref<128x128xf32, #tpu.memory_space<hbm>>
      %dma_start3A_256 = arith.constant 0 : i32
      %dma_start3A_257 = tpu.memref_slice %arg5[%add3A_248, %dma_start3A_256] : memref<204800x128xf32, #tpu.memory_space<hbm>> -> memref<128x128xf32, #tpu.memory_space<hbm>>
      %dma_start3A_258 = arith.constant 0 : i32
      %dma_start3A_259 = arith.constant 0 : i32
      %dma_start3A_260 = tpu.memref_slice %arg8[%dma_start3A_249, %dma_start3A_258, %dma_start3A_259] : memref<5x128x128xf32, #tpu.memory_space<vmem>> -> memref<1x128x128xf32, #tpu.memory_space<vmem>>
      %dma_start3A_261 = tpu.memref_squeeze %dma_start3A_260 : memref<1x128x128xf32, #tpu.memory_space<vmem>> -> memref<128x128xf32, #tpu.memory_space<vmem>>
      tpu.enqueue_dma source(%dma_start3A_261 : memref<128x128xf32, #tpu.memory_space<vmem>>) target(%dma_start3A_257 : memref<128x128xf32, #tpu.memory_space<hbm>>) target_semaphore(%arg16 : memref<!tpu.dma_semaphore, #tpu.memory_space<semaphore_mem>>)
      %add3A_262 = arith.constant 5 : i32
      %add3A_263 = arith.addi %add3A_226, %add3A_262 : i32
      %sub3A_264 = arith.constant 1 : i32
      %sub3A_265 = arith.subi %add3A_263, %sub3A_264 : i32
      %lt3A_266 = arith.constant 50 : i32
      %lt3A_267 = arith.cmpi slt, %sub3A_265, %lt3A_266 : i32
      %convert_element_type3A_268 = arith.extui %lt3A_267 : i1 to i32
      %cond3A_269 = arith.constant 0 : i32
      %cond3A_270 = arith.cmpi ne, %convert_element_type3A_268, %cond3A_269 : i32
      scf.if %cond3A_270 {
        %dma_wait3A_363 = arith.constant 1 : i32
        %dma_wait3A_364 = arith.constant 0 : i32
        %dma_wait3A_365 = arith.constant 0 : i32
        %dma_wait3A_366 = tpu.memref_slice %arg8[%dma_wait3A_363, %dma_wait3A_364, %dma_wait3A_365] : memref<5x128x128xf32, #tpu.memory_space<vmem>> -> memref<1x128x128xf32, #tpu.memory_space<vmem>>
        %dma_wait3A_367 = tpu.memref_squeeze %dma_wait3A_366 : memref<1x128x128xf32, #tpu.memory_space<vmem>> -> memref<128x128xf32, #tpu.memory_space<vmem>>
        %dma_wait3A_368 = arith.constant 0 : i32
        %dma_wait3A_369 = arith.constant 0 : i32
        %dma_wait3A_370 = tpu.memref_slice %arg5[%dma_wait3A_368, %dma_wait3A_369] : memref<204800x128xf32, #tpu.memory_space<hbm>> -> memref<128x128xf32, #tpu.memory_space<hbm>>
        %dma_wait3A_371 = arith.constant 0 : i32
        %dma_wait3A_372 = arith.constant 0 : i32
        %dma_wait3A_373 = tpu.memref_slice %arg5[%dma_wait3A_371, %dma_wait3A_372] : memref<204800x128xf32, #tpu.memory_space<hbm>> -> memref<128x128xf32, #tpu.memory_space<hbm>>
        %dma_wait3A_374 = arith.constant 0 : i32
        %dma_wait3A_375 = arith.constant 0 : i32
        %dma_wait3A_376 = tpu.memref_slice %arg8[%dma_wait3A_363, %dma_wait3A_374, %dma_wait3A_375] : memref<5x128x128xf32, #tpu.memory_space<vmem>> -> memref<1x128x128xf32, #tpu.memory_space<vmem>>
        %dma_wait3A_377 = tpu.memref_squeeze %dma_wait3A_376 : memref<1x128x128xf32, #tpu.memory_space<vmem>> -> memref<128x128xf32, #tpu.memory_space<vmem>>
        tpu.wait_dma2 semaphore(%arg15 : memref<!tpu.dma_semaphore, #tpu.memory_space<semaphore_mem>>) src(%dma_wait3A_377 : memref<128x128xf32, #tpu.memory_space<vmem>>) dst(%dma_wait3A_373 : memref<128x128xf32, #tpu.memory_space<hbm>>)
        %dma_start3A_378 = arith.constant 1 : i32
        %dma_start3A_379 = arith.constant 0 : i32
        %dma_start3A_380 = arith.constant 0 : i32
        %dma_start3A_381 = tpu.memref_slice %arg8[%dma_start3A_378, %dma_start3A_379, %dma_start3A_380] : memref<5x128x128xf32, #tpu.memory_space<vmem>> -> memref<1x128x128xf32, #tpu.memory_space<vmem>>
        %dma_start3A_382 = tpu.memref_squeeze %dma_start3A_381 : memref<1x128x128xf32, #tpu.memory_space<vmem>> -> memref<128x128xf32, #tpu.memory_space<vmem>>
        %dma_start3A_383 = arith.constant 0 : i32
        %dma_start3A_384 = tpu.memref_slice %arg6[%sub3A_265, %dma_start3A_383] : memref<50x128xi32, #tpu.memory_space<vmem>> -> memref<1x128xi32, #tpu.memory_space<vmem>>
        %dma_start3A_385 = tpu.memref_squeeze %dma_start3A_384 : memref<1x128xi32, #tpu.memory_space<vmem>> -> memref<128xi32, #tpu.memory_space<vmem>>
        %dma_start3A_386 = arith.constant 0 : i32
        %dma_start3A_387 = arith.constant 0 : i32
        %dma_start3A_388 = tpu.memref_slice %arg2[%dma_start3A_386, %dma_start3A_387] : memref<100000x128xf32, #tpu.memory_space<hbm>> -> memref<100000x128xf32, #tpu.memory_space<hbm>>
        tpu.enqueue_indirect_dma source(%dma_start3A_388 : memref<100000x128xf32, #tpu.memory_space<hbm>>) target(%dma_start3A_382 : memref<128x128xf32, #tpu.memory_space<vmem>>) offsets(%dma_start3A_385 : memref<128xi32, #tpu.memory_space<vmem>>) semaphore(%arg10 : memref<!tpu.dma_semaphore, #tpu.memory_space<semaphore_mem>>)
      } else {
      }
      %add3A_271 = arith.constant 3 : i32
      %add3A_272 = arith.addi %mul3A_134, %add3A_271 : i32
      %dma_wait3A_273 = arith.constant 3 : i32
      %dma_wait3A_274 = arith.constant 0 : i32
      %dma_wait3A_275 = arith.constant 0 : i32
      %dma_wait3A_276 = tpu.memref_slice %arg8[%dma_wait3A_273, %dma_wait3A_274, %dma_wait3A_275] : memref<5x128x128xf32, #tpu.memory_space<vmem>> -> memref<1x128x128xf32, #tpu.memory_space<vmem>>
      %dma_wait3A_277 = tpu.memref_squeeze %dma_wait3A_276 : memref<1x128x128xf32, #tpu.memory_space<vmem>> -> memref<128x128xf32, #tpu.memory_space<vmem>>
      %dma_wait3A_278 = arith.constant 0 : i32
      %dma_wait3A_279 = arith.constant 0 : i32
      %dma_wait3A_280 = tpu.memref_slice %arg5[%dma_wait3A_278, %dma_wait3A_279] : memref<204800x128xf32, #tpu.memory_space<hbm>> -> memref<128x128xf32, #tpu.memory_space<hbm>>
      %dma_wait3A_281 = arith.constant 0 : i32
      %dma_wait3A_282 = arith.constant 0 : i32
      %dma_wait3A_283 = tpu.memref_slice %arg8[%dma_wait3A_273, %dma_wait3A_281, %dma_wait3A_282] : memref<5x128x128xf32, #tpu.memory_space<vmem>> -> memref<1x128x128xf32, #tpu.memory_space<vmem>>
      %dma_wait3A_284 = tpu.memref_squeeze %dma_wait3A_283 : memref<1x128x128xf32, #tpu.memory_space<vmem>> -> memref<128x128xf32, #tpu.memory_space<vmem>>
      %dma_wait3A_285 = arith.constant 0 : i32
      %dma_wait3A_286 = arith.constant 0 : i32
      %dma_wait3A_287 = tpu.memref_slice %arg5[%dma_wait3A_285, %dma_wait3A_286] : memref<204800x128xf32, #tpu.memory_space<hbm>> -> memref<128x128xf32, #tpu.memory_space<hbm>>
      tpu.wait_dma2 semaphore(%arg12 : memref<!tpu.dma_semaphore, #tpu.memory_space<semaphore_mem>>) src(%dma_wait3A_287 : memref<128x128xf32, #tpu.memory_space<hbm>>) dst(%dma_wait3A_284 : memref<128x128xf32, #tpu.memory_space<vmem>>)
      %parallel_loop3A_288 = arith.constant 0 : i32
      %parallel_loop3A_289 = arith.constant 128 : i32
      %parallel_loop3A_290 = arith.constant 1 : i32
      %parallel_loop3A_291 = arith.constant 3 : i32
      scf.for %parallel_loop3A_363 = %parallel_loop3A_288 to %parallel_loop3A_289 step %parallel_loop3A_290  : i32 {
        %parallel_loop3A_364 = arith.constant 128 : i32
        %parallel_loop3A_365 = arith.muli %add3A_272, %parallel_loop3A_364 : i32
        %parallel_loop3A_366 = arith.addi %parallel_loop3A_365, %parallel_loop3A_363 : i32
        %parallel_loop3A_367 = arith.constant 200 : i32
        %parallel_loop3A_368 = arith.remsi %parallel_loop3A_366, %parallel_loop3A_367 : i32
        %parallel_loop3A_369 = arith.constant 0 : i32
        %parallel_loop3A_370 = arith.constant 0 : i32
        %parallel_loop3A_371 = tpu.memref_slice %arg8[%parallel_loop3A_291, %parallel_loop3A_369, %parallel_loop3A_370] : memref<5x128x128xf32, #tpu.memory_space<vmem>> -> memref<1x128x128xf32, #tpu.memory_space<vmem>>
        %parallel_loop3A_372 = tpu.memref_squeeze %parallel_loop3A_371 : memref<1x128x128xf32, #tpu.memory_space<vmem>> -> memref<128x128xf32, #tpu.memory_space<vmem>>
        %parallel_loop3A_373 = arith.index_cast %parallel_loop3A_363 : i32 to index
        %parallel_loop3A_374 = arith.constant 0 : index
        %parallel_loop3A_375 = tpu.vector_load %parallel_loop3A_372[%parallel_loop3A_373, %parallel_loop3A_374] {strides = array<i32>} : memref<128x128xf32, #tpu.memory_space<vmem>>, vector<1x16xf32>,
        %parallel_loop3A_376 = vector.shape_cast %parallel_loop3A_375 : vector<1x16xf32> to vector<16xf32>
        %parallel_loop3A_377 = arith.constant 11.3137083 : f32
        %parallel_loop3A_378 = vector.broadcast %parallel_loop3A_377 : f32 to vector<16xf32>
        %parallel_loop3A_379 = arith.mulf %parallel_loop3A_376, %parallel_loop3A_378 : vector<16xf32>
        %parallel_loop3A_380 = arith.index_cast %parallel_loop3A_368 : i32 to index
        %parallel_loop3A_381 = arith.constant 0 : index
        %parallel_loop3A_382 = tpu.vector_load %arg7[%parallel_loop3A_380, %parallel_loop3A_381] {strides = array<i32>} : memref<200x128xf32, #tpu.memory_space<vmem>>, vector<1x16xf32>,
        %parallel_loop3A_383 = vector.shape_cast %parallel_loop3A_382 : vector<1x16xf32> to vector<16xf32>
        %parallel_loop3A_384 = arith.addf %parallel_loop3A_379, %parallel_loop3A_383 : vector<16xf32>
        %parallel_loop3A_385 = arith.constant 0 : i32
        %parallel_loop3A_386 = arith.constant 0 : i32
        %parallel_loop3A_387 = tpu.memref_slice %arg8[%parallel_loop3A_291, %parallel_loop3A_385, %parallel_loop3A_386] : memref<5x128x128xf32, #tpu.memory_space<vmem>> -> memref<1x128x128xf32, #tpu.memory_space<vmem>>
        %parallel_loop3A_388 = tpu.memref_squeeze %parallel_loop3A_387 : memref<1x128x128xf32, #tpu.memory_space<vmem>> -> memref<128x128xf32, #tpu.memory_space<vmem>>
        %parallel_loop3A_389 = arith.index_cast %parallel_loop3A_363 : i32 to index
        %parallel_loop3A_390 = arith.constant 0 : index
        %parallel_loop3A_391 = tpu.vector_load %parallel_loop3A_388[%parallel_loop3A_389, %parallel_loop3A_390] {strides = array<i32>} : memref<128x128xf32, #tpu.memory_space<vmem>>, vector<1x16xf32>,
        %parallel_loop3A_392 = vector.shape_cast %parallel_loop3A_391 : vector<1x16xf32> to vector<16xf32>
        %parallel_loop3A_393 = vector.shape_cast %parallel_loop3A_384 : vector<16xf32> to vector<1x16xf32>
        tpu.vector_store %parallel_loop3A_388[%parallel_loop3A_389, %parallel_loop3A_390], %parallel_loop3A_393 {strides = array<i32>} : memref<128x128xf32, #tpu.memory_space<vmem>>, vector<1x16xf32>,
        %parallel_loop3A_394 = arith.constant 0 : i32
        %parallel_loop3A_395 = arith.constant 0 : i32
        %parallel_loop3A_396 = tpu.memref_slice %arg8[%parallel_loop3A_291, %parallel_loop3A_394, %parallel_loop3A_395] : memref<5x128x128xf32, #tpu.memory_space<vmem>> -> memref<1x128x128xf32, #tpu.memory_space<vmem>>
        %parallel_loop3A_397 = tpu.memref_squeeze %parallel_loop3A_396 : memref<1x128x128xf32, #tpu.memory_space<vmem>> -> memref<128x128xf32, #tpu.memory_space<vmem>>
        %parallel_loop3A_398 = arith.index_cast %parallel_loop3A_363 : i32 to index
        %parallel_loop3A_399 = arith.constant 16 : index
        %parallel_loop3A_400 = tpu.vector_load %parallel_loop3A_397[%parallel_loop3A_398, %parallel_loop3A_399] {strides = array<i32>} : memref<128x128xf32, #tpu.memory_space<vmem>>, vector<1x16xf32>,
        %parallel_loop3A_401 = vector.shape_cast %parallel_loop3A_400 : vector<1x16xf32> to vector<16xf32>
        %parallel_loop3A_402 = arith.constant 11.3137083 : f32
        %parallel_loop3A_403 = vector.broadcast %parallel_loop3A_402 : f32 to vector<16xf32>
        %parallel_loop3A_404 = arith.mulf %parallel_loop3A_401, %parallel_loop3A_403 : vector<16xf32>
        %parallel_loop3A_405 = arith.index_cast %parallel_loop3A_368 : i32 to index
        %parallel_loop3A_406 = arith.constant 16 : index
        %parallel_loop3A_407 = tpu.vector_load %arg7[%parallel_loop3A_405, %parallel_loop3A_406] {strides = array<i32>} : memref<200x128xf32, #tpu.memory_space<vmem>>, vector<1x16xf32>,
        %parallel_loop3A_408 = vector.shape_cast %parallel_loop3A_407 : vector<1x16xf32> to vector<16xf32>
        %parallel_loop3A_409 = arith.addf %parallel_loop3A_404, %parallel_loop3A_408 : vector<16xf32>
        %parallel_loop3A_410 = arith.constant 0 : i32
        %parallel_loop3A_411 = arith.constant 0 : i32
        %parallel_loop3A_412 = tpu.memref_slice %arg8[%parallel_loop3A_291, %parallel_loop3A_410, %parallel_loop3A_411] : memref<5x128x128xf32, #tpu.memory_space<vmem>> -> memref<1x128x128xf32, #tpu.memory_space<vmem>>
        %parallel_loop3A_413 = tpu.memref_squeeze %parallel_loop3A_412 : memref<1x128x128xf32, #tpu.memory_space<vmem>> -> memref<128x128xf32, #tpu.memory_space<vmem>>
        %parallel_loop3A_414 = arith.index_cast %parallel_loop3A_363 : i32 to index
        %parallel_loop3A_415 = arith.constant 16 : index
        %parallel_loop3A_416 = tpu.vector_load %parallel_loop3A_413[%parallel_loop3A_414, %parallel_loop3A_415] {strides = array<i32>} : memref<128x128xf32, #tpu.memory_space<vmem>>, vector<1x16xf32>,
        %parallel_loop3A_417 = vector.shape_cast %parallel_loop3A_416 : vector<1x16xf32> to vector<16xf32>
        %parallel_loop3A_418 = vector.shape_cast %parallel_loop3A_409 : vector<16xf32> to vector<1x16xf32>
        tpu.vector_store %parallel_loop3A_413[%parallel_loop3A_414, %parallel_loop3A_415], %parallel_loop3A_418 {strides = array<i32>} : memref<128x128xf32, #tpu.memory_space<vmem>>, vector<1x16xf32>,
        %parallel_loop3A_419 = arith.constant 0 : i32
        %parallel_loop3A_420 = arith.constant 0 : i32
        %parallel_loop3A_421 = tpu.memref_slice %arg8[%parallel_loop3A_291, %parallel_loop3A_419, %parallel_loop3A_420] : memref<5x128x128xf32, #tpu.memory_space<vmem>> -> memref<1x128x128xf32, #tpu.memory_space<vmem>>
        %parallel_loop3A_422 = tpu.memref_squeeze %parallel_loop3A_421 : memref<1x128x128xf32, #tpu.memory_space<vmem>> -> memref<128x128xf32, #tpu.memory_space<vmem>>
        %parallel_loop3A_423 = arith.index_cast %parallel_loop3A_363 : i32 to index
        %parallel_loop3A_424 = arith.constant 32 : index
        %parallel_loop3A_425 = tpu.vector_load %parallel_loop3A_422[%parallel_loop3A_423, %parallel_loop3A_424] {strides = array<i32>} : memref<128x128xf32, #tpu.memory_space<vmem>>, vector<1x16xf32>,
        %parallel_loop3A_426 = vector.shape_cast %parallel_loop3A_425 : vector<1x16xf32> to vector<16xf32>
        %parallel_loop3A_427 = arith.constant 11.3137083 : f32
        %parallel_loop3A_428 = vector.broadcast %parallel_loop3A_427 : f32 to vector<16xf32>
        %parallel_loop3A_429 = arith.mulf %parallel_loop3A_426, %parallel_loop3A_428 : vector<16xf32>
        %parallel_loop3A_430 = arith.index_cast %parallel_loop3A_368 : i32 to index
        %parallel_loop3A_431 = arith.constant 32 : index
        %parallel_loop3A_432 = tpu.vector_load %arg7[%parallel_loop3A_430, %parallel_loop3A_431] {strides = array<i32>} : memref<200x128xf32, #tpu.memory_space<vmem>>, vector<1x16xf32>,
        %parallel_loop3A_433 = vector.shape_cast %parallel_loop3A_432 : vector<1x16xf32> to vector<16xf32>
        %parallel_loop3A_434 = arith.addf %parallel_loop3A_429, %parallel_loop3A_433 : vector<16xf32>
        %parallel_loop3A_435 = arith.constant 0 : i32
        %parallel_loop3A_436 = arith.constant 0 : i32
        %parallel_loop3A_437 = tpu.memref_slice %arg8[%parallel_loop3A_291, %parallel_loop3A_435, %parallel_loop3A_436] : memref<5x128x128xf32, #tpu.memory_space<vmem>> -> memref<1x128x128xf32, #tpu.memory_space<vmem>>
        %parallel_loop3A_438 = tpu.memref_squeeze %parallel_loop3A_437 : memref<1x128x128xf32, #tpu.memory_space<vmem>> -> memref<128x128xf32, #tpu.memory_space<vmem>>
        %parallel_loop3A_439 = arith.index_cast %parallel_loop3A_363 : i32 to index
        %parallel_loop3A_440 = arith.constant 32 : index
        %parallel_loop3A_441 = tpu.vector_load %parallel_loop3A_438[%parallel_loop3A_439, %parallel_loop3A_440] {strides = array<i32>} : memref<128x128xf32, #tpu.memory_space<vmem>>, vector<1x16xf32>,
        %parallel_loop3A_442 = vector.shape_cast %parallel_loop3A_441 : vector<1x16xf32> to vector<16xf32>
        %parallel_loop3A_443 = vector.shape_cast %parallel_loop3A_434 : vector<16xf32> to vector<1x16xf32>
        tpu.vector_store %parallel_loop3A_438[%parallel_loop3A_439, %parallel_loop3A_440], %parallel_loop3A_443 {strides = array<i32>} : memref<128x128xf32, #tpu.memory_space<vmem>>, vector<1x16xf32>,
        %parallel_loop3A_444 = arith.constant 0 : i32
        %parallel_loop3A_445 = arith.constant 0 : i32
        %parallel_loop3A_446 = tpu.memref_slice %arg8[%parallel_loop3A_291, %parallel_loop3A_444, %parallel_loop3A_445] : memref<5x128x128xf32, #tpu.memory_space<vmem>> -> memref<1x128x128xf32, #tpu.memory_space<vmem>>
        %parallel_loop3A_447 = tpu.memref_squeeze %parallel_loop3A_446 : memref<1x128x128xf32, #tpu.memory_space<vmem>> -> memref<128x128xf32, #tpu.memory_space<vmem>>
        %parallel_loop3A_448 = arith.index_cast %parallel_loop3A_363 : i32 to index
        %parallel_loop3A_449 = arith.constant 48 : index
        %parallel_loop3A_450 = tpu.vector_load %parallel_loop3A_447[%parallel_loop3A_448, %parallel_loop3A_449] {strides = array<i32>} : memref<128x128xf32, #tpu.memory_space<vmem>>, vector<1x16xf32>,
        %parallel_loop3A_451 = vector.shape_cast %parallel_loop3A_450 : vector<1x16xf32> to vector<16xf32>
        %parallel_loop3A_452 = arith.constant 11.3137083 : f32
        %parallel_loop3A_453 = vector.broadcast %parallel_loop3A_452 : f32 to vector<16xf32>
        %parallel_loop3A_454 = arith.mulf %parallel_loop3A_451, %parallel_loop3A_453 : vector<16xf32>
        %parallel_loop3A_455 = arith.index_cast %parallel_loop3A_368 : i32 to index
        %parallel_loop3A_456 = arith.constant 48 : index
        %parallel_loop3A_457 = tpu.vector_load %arg7[%parallel_loop3A_455, %parallel_loop3A_456] {strides = array<i32>} : memref<200x128xf32, #tpu.memory_space<vmem>>, vector<1x16xf32>,
        %parallel_loop3A_458 = vector.shape_cast %parallel_loop3A_457 : vector<1x16xf32> to vector<16xf32>
        %parallel_loop3A_459 = arith.addf %parallel_loop3A_454, %parallel_loop3A_458 : vector<16xf32>
        %parallel_loop3A_460 = arith.constant 0 : i32
        %parallel_loop3A_461 = arith.constant 0 : i32
        %parallel_loop3A_462 = tpu.memref_slice %arg8[%parallel_loop3A_291, %parallel_loop3A_460, %parallel_loop3A_461] : memref<5x128x128xf32, #tpu.memory_space<vmem>> -> memref<1x128x128xf32, #tpu.memory_space<vmem>>
        %parallel_loop3A_463 = tpu.memref_squeeze %parallel_loop3A_462 : memref<1x128x128xf32, #tpu.memory_space<vmem>> -> memref<128x128xf32, #tpu.memory_space<vmem>>
        %parallel_loop3A_464 = arith.index_cast %parallel_loop3A_363 : i32 to index
        %parallel_loop3A_465 = arith.constant 48 : index
        %parallel_loop3A_466 = tpu.vector_load %parallel_loop3A_463[%parallel_loop3A_464, %parallel_loop3A_465] {strides = array<i32>} : memref<128x128xf32, #tpu.memory_space<vmem>>, vector<1x16xf32>,
        %parallel_loop3A_467 = vector.shape_cast %parallel_loop3A_466 : vector<1x16xf32> to vector<16xf32>
        %parallel_loop3A_468 = vector.shape_cast %parallel_loop3A_459 : vector<16xf32> to vector<1x16xf32>
        tpu.vector_store %parallel_loop3A_463[%parallel_loop3A_464, %parallel_loop3A_465], %parallel_loop3A_468 {strides = array<i32>} : memref<128x128xf32, #tpu.memory_space<vmem>>, vector<1x16xf32>,
        %parallel_loop3A_469 = arith.constant 0 : i32
        %parallel_loop3A_470 = arith.constant 0 : i32
        %parallel_loop3A_471 = tpu.memref_slice %arg8[%parallel_loop3A_291, %parallel_loop3A_469, %parallel_loop3A_470] : memref<5x128x128xf32, #tpu.memory_space<vmem>> -> memref<1x128x128xf32, #tpu.memory_space<vmem>>
        %parallel_loop3A_472 = tpu.memref_squeeze %parallel_loop3A_471 : memref<1x128x128xf32, #tpu.memory_space<vmem>> -> memref<128x128xf32, #tpu.memory_space<vmem>>
        %parallel_loop3A_473 = arith.index_cast %parallel_loop3A_363 : i32 to index
        %parallel_loop3A_474 = arith.constant 64 : index
        %parallel_loop3A_475 = tpu.vector_load %parallel_loop3A_472[%parallel_loop3A_473, %parallel_loop3A_474] {strides = array<i32>} : memref<128x128xf32, #tpu.memory_space<vmem>>, vector<1x16xf32>,
        %parallel_loop3A_476 = vector.shape_cast %parallel_loop3A_475 : vector<1x16xf32> to vector<16xf32>
        %parallel_loop3A_477 = arith.constant 11.3137083 : f32
        %parallel_loop3A_478 = vector.broadcast %parallel_loop3A_477 : f32 to vector<16xf32>
        %parallel_loop3A_479 = arith.mulf %parallel_loop3A_476, %parallel_loop3A_478 : vector<16xf32>
        %parallel_loop3A_480 = arith.index_cast %parallel_loop3A_368 : i32 to index
        %parallel_loop3A_481 = arith.constant 64 : index
        %parallel_loop3A_482 = tpu.vector_load %arg7[%parallel_loop3A_480, %parallel_loop3A_481] {strides = array<i32>} : memref<200x128xf32, #tpu.memory_space<vmem>>, vector<1x16xf32>,
        %parallel_loop3A_483 = vector.shape_cast %parallel_loop3A_482 : vector<1x16xf32> to vector<16xf32>
        %parallel_loop3A_484 = arith.addf %parallel_loop3A_479, %parallel_loop3A_483 : vector<16xf32>
        %parallel_loop3A_485 = arith.constant 0 : i32
        %parallel_loop3A_486 = arith.constant 0 : i32
        %parallel_loop3A_487 = tpu.memref_slice %arg8[%parallel_loop3A_291, %parallel_loop3A_485, %parallel_loop3A_486] : memref<5x128x128xf32, #tpu.memory_space<vmem>> -> memref<1x128x128xf32, #tpu.memory_space<vmem>>
        %parallel_loop3A_488 = tpu.memref_squeeze %parallel_loop3A_487 : memref<1x128x128xf32, #tpu.memory_space<vmem>> -> memref<128x128xf32, #tpu.memory_space<vmem>>
        %parallel_loop3A_489 = arith.index_cast %parallel_loop3A_363 : i32 to index
        %parallel_loop3A_490 = arith.constant 64 : index
        %parallel_loop3A_491 = tpu.vector_load %parallel_loop3A_488[%parallel_loop3A_489, %parallel_loop3A_490] {strides = array<i32>} : memref<128x128xf32, #tpu.memory_space<vmem>>, vector<1x16xf32>,
        %parallel_loop3A_492 = vector.shape_cast %parallel_loop3A_491 : vector<1x16xf32> to vector<16xf32>
        %parallel_loop3A_493 = vector.shape_cast %parallel_loop3A_484 : vector<16xf32> to vector<1x16xf32>
        tpu.vector_store %parallel_loop3A_488[%parallel_loop3A_489, %parallel_loop3A_490], %parallel_loop3A_493 {strides = array<i32>} : memref<128x128xf32, #tpu.memory_space<vmem>>, vector<1x16xf32>,
        %parallel_loop3A_494 = arith.constant 0 : i32
        %parallel_loop3A_495 = arith.constant 0 : i32
        %parallel_loop3A_496 = tpu.memref_slice %arg8[%parallel_loop3A_291, %parallel_loop3A_494, %parallel_loop3A_495] : memref<5x128x128xf32, #tpu.memory_space<vmem>> -> memref<1x128x128xf32, #tpu.memory_space<vmem>>
        %parallel_loop3A_497 = tpu.memref_squeeze %parallel_loop3A_496 : memref<1x128x128xf32, #tpu.memory_space<vmem>> -> memref<128x128xf32, #tpu.memory_space<vmem>>
        %parallel_loop3A_498 = arith.index_cast %parallel_loop3A_363 : i32 to index
        %parallel_loop3A_499 = arith.constant 80 : index
        %parallel_loop3A_500 = tpu.vector_load %parallel_loop3A_497[%parallel_loop3A_498, %parallel_loop3A_499] {strides = array<i32>} : memref<128x128xf32, #tpu.memory_space<vmem>>, vector<1x16xf32>,
        %parallel_loop3A_501 = vector.shape_cast %parallel_loop3A_500 : vector<1x16xf32> to vector<16xf32>
        %parallel_loop3A_502 = arith.constant 11.3137083 : f32
        %parallel_loop3A_503 = vector.broadcast %parallel_loop3A_502 : f32 to vector<16xf32>
        %parallel_loop3A_504 = arith.mulf %parallel_loop3A_501, %parallel_loop3A_503 : vector<16xf32>
        %parallel_loop3A_505 = arith.index_cast %parallel_loop3A_368 : i32 to index
        %parallel_loop3A_506 = arith.constant 80 : index
        %parallel_loop3A_507 = tpu.vector_load %arg7[%parallel_loop3A_505, %parallel_loop3A_506] {strides = array<i32>} : memref<200x128xf32, #tpu.memory_space<vmem>>, vector<1x16xf32>,
        %parallel_loop3A_508 = vector.shape_cast %parallel_loop3A_507 : vector<1x16xf32> to vector<16xf32>
        %parallel_loop3A_509 = arith.addf %parallel_loop3A_504, %parallel_loop3A_508 : vector<16xf32>
        %parallel_loop3A_510 = arith.constant 0 : i32
        %parallel_loop3A_511 = arith.constant 0 : i32
        %parallel_loop3A_512 = tpu.memref_slice %arg8[%parallel_loop3A_291, %parallel_loop3A_510, %parallel_loop3A_511] : memref<5x128x128xf32, #tpu.memory_space<vmem>> -> memref<1x128x128xf32, #tpu.memory_space<vmem>>
        %parallel_loop3A_513 = tpu.memref_squeeze %parallel_loop3A_512 : memref<1x128x128xf32, #tpu.memory_space<vmem>> -> memref<128x128xf32, #tpu.memory_space<vmem>>
        %parallel_loop3A_514 = arith.index_cast %parallel_loop3A_363 : i32 to index
        %parallel_loop3A_515 = arith.constant 80 : index
        %parallel_loop3A_516 = tpu.vector_load %parallel_loop3A_513[%parallel_loop3A_514, %parallel_loop3A_515] {strides = array<i32>} : memref<128x128xf32, #tpu.memory_space<vmem>>, vector<1x16xf32>,
        %parallel_loop3A_517 = vector.shape_cast %parallel_loop3A_516 : vector<1x16xf32> to vector<16xf32>
        %parallel_loop3A_518 = vector.shape_cast %parallel_loop3A_509 : vector<16xf32> to vector<1x16xf32>
        tpu.vector_store %parallel_loop3A_513[%parallel_loop3A_514, %parallel_loop3A_515], %parallel_loop3A_518 {strides = array<i32>} : memref<128x128xf32, #tpu.memory_space<vmem>>, vector<1x16xf32>,
        %parallel_loop3A_519 = arith.constant 0 : i32
        %parallel_loop3A_520 = arith.constant 0 : i32
        %parallel_loop3A_521 = tpu.memref_slice %arg8[%parallel_loop3A_291, %parallel_loop3A_519, %parallel_loop3A_520] : memref<5x128x128xf32, #tpu.memory_space<vmem>> -> memref<1x128x128xf32, #tpu.memory_space<vmem>>
        %parallel_loop3A_522 = tpu.memref_squeeze %parallel_loop3A_521 : memref<1x128x128xf32, #tpu.memory_space<vmem>> -> memref<128x128xf32, #tpu.memory_space<vmem>>
        %parallel_loop3A_523 = arith.index_cast %parallel_loop3A_363 : i32 to index
        %parallel_loop3A_524 = arith.constant 96 : index
        %parallel_loop3A_525 = tpu.vector_load %parallel_loop3A_522[%parallel_loop3A_523, %parallel_loop3A_524] {strides = array<i32>} : memref<128x128xf32, #tpu.memory_space<vmem>>, vector<1x16xf32>,
        %parallel_loop3A_526 = vector.shape_cast %parallel_loop3A_525 : vector<1x16xf32> to vector<16xf32>
        %parallel_loop3A_527 = arith.constant 11.3137083 : f32
        %parallel_loop3A_528 = vector.broadcast %parallel_loop3A_527 : f32 to vector<16xf32>
        %parallel_loop3A_529 = arith.mulf %parallel_loop3A_526, %parallel_loop3A_528 : vector<16xf32>
        %parallel_loop3A_530 = arith.index_cast %parallel_loop3A_368 : i32 to index
        %parallel_loop3A_531 = arith.constant 96 : index
        %parallel_loop3A_532 = tpu.vector_load %arg7[%parallel_loop3A_530, %parallel_loop3A_531] {strides = array<i32>} : memref<200x128xf32, #tpu.memory_space<vmem>>, vector<1x16xf32>,
        %parallel_loop3A_533 = vector.shape_cast %parallel_loop3A_532 : vector<1x16xf32> to vector<16xf32>
        %parallel_loop3A_534 = arith.addf %parallel_loop3A_529, %parallel_loop3A_533 : vector<16xf32>
        %parallel_loop3A_535 = arith.constant 0 : i32
        %parallel_loop3A_536 = arith.constant 0 : i32
        %parallel_loop3A_537 = tpu.memref_slice %arg8[%parallel_loop3A_291, %parallel_loop3A_535, %parallel_loop3A_536] : memref<5x128x128xf32, #tpu.memory_space<vmem>> -> memref<1x128x128xf32, #tpu.memory_space<vmem>>
        %parallel_loop3A_538 = tpu.memref_squeeze %parallel_loop3A_537 : memref<1x128x128xf32, #tpu.memory_space<vmem>> -> memref<128x128xf32, #tpu.memory_space<vmem>>
        %parallel_loop3A_539 = arith.index_cast %parallel_loop3A_363 : i32 to index
        %parallel_loop3A_540 = arith.constant 96 : index
        %parallel_loop3A_541 = tpu.vector_load %parallel_loop3A_538[%parallel_loop3A_539, %parallel_loop3A_540] {strides = array<i32>} : memref<128x128xf32, #tpu.memory_space<vmem>>, vector<1x16xf32>,
        %parallel_loop3A_542 = vector.shape_cast %parallel_loop3A_541 : vector<1x16xf32> to vector<16xf32>
        %parallel_loop3A_543 = vector.shape_cast %parallel_loop3A_534 : vector<16xf32> to vector<1x16xf32>
        tpu.vector_store %parallel_loop3A_538[%parallel_loop3A_539, %parallel_loop3A_540], %parallel_loop3A_543 {strides = array<i32>} : memref<128x128xf32, #tpu.memory_space<vmem>>, vector<1x16xf32>,
        %parallel_loop3A_544 = arith.constant 0 : i32
        %parallel_loop3A_545 = arith.constant 0 : i32
        %parallel_loop3A_546 = tpu.memref_slice %arg8[%parallel_loop3A_291, %parallel_loop3A_544, %parallel_loop3A_545] : memref<5x128x128xf32, #tpu.memory_space<vmem>> -> memref<1x128x128xf32, #tpu.memory_space<vmem>>
        %parallel_loop3A_547 = tpu.memref_squeeze %parallel_loop3A_546 : memref<1x128x128xf32, #tpu.memory_space<vmem>> -> memref<128x128xf32, #tpu.memory_space<vmem>>
        %parallel_loop3A_548 = arith.index_cast %parallel_loop3A_363 : i32 to index
        %parallel_loop3A_549 = arith.constant 112 : index
        %parallel_loop3A_550 = tpu.vector_load %parallel_loop3A_547[%parallel_loop3A_548, %parallel_loop3A_549] {strides = array<i32>} : memref<128x128xf32, #tpu.memory_space<vmem>>, vector<1x16xf32>,
        %parallel_loop3A_551 = vector.shape_cast %parallel_loop3A_550 : vector<1x16xf32> to vector<16xf32>
        %parallel_loop3A_552 = arith.constant 11.3137083 : f32
        %parallel_loop3A_553 = vector.broadcast %parallel_loop3A_552 : f32 to vector<16xf32>
        %parallel_loop3A_554 = arith.mulf %parallel_loop3A_551, %parallel_loop3A_553 : vector<16xf32>
        %parallel_loop3A_555 = arith.index_cast %parallel_loop3A_368 : i32 to index
        %parallel_loop3A_556 = arith.constant 112 : index
        %parallel_loop3A_557 = tpu.vector_load %arg7[%parallel_loop3A_555, %parallel_loop3A_556] {strides = array<i32>} : memref<200x128xf32, #tpu.memory_space<vmem>>, vector<1x16xf32>,
        %parallel_loop3A_558 = vector.shape_cast %parallel_loop3A_557 : vector<1x16xf32> to vector<16xf32>
        %parallel_loop3A_559 = arith.addf %parallel_loop3A_554, %parallel_loop3A_558 : vector<16xf32>
        %parallel_loop3A_560 = arith.constant 0 : i32
        %parallel_loop3A_561 = arith.constant 0 : i32
        %parallel_loop3A_562 = tpu.memref_slice %arg8[%parallel_loop3A_291, %parallel_loop3A_560, %parallel_loop3A_561] : memref<5x128x128xf32, #tpu.memory_space<vmem>> -> memref<1x128x128xf32, #tpu.memory_space<vmem>>
        %parallel_loop3A_563 = tpu.memref_squeeze %parallel_loop3A_562 : memref<1x128x128xf32, #tpu.memory_space<vmem>> -> memref<128x128xf32, #tpu.memory_space<vmem>>
        %parallel_loop3A_564 = arith.index_cast %parallel_loop3A_363 : i32 to index
        %parallel_loop3A_565 = arith.constant 112 : index
        %parallel_loop3A_566 = tpu.vector_load %parallel_loop3A_563[%parallel_loop3A_564, %parallel_loop3A_565] {strides = array<i32>} : memref<128x128xf32, #tpu.memory_space<vmem>>, vector<1x16xf32>,
        %parallel_loop3A_567 = vector.shape_cast %parallel_loop3A_566 : vector<1x16xf32> to vector<16xf32>
        %parallel_loop3A_568 = vector.shape_cast %parallel_loop3A_559 : vector<16xf32> to vector<1x16xf32>
        tpu.vector_store %parallel_loop3A_563[%parallel_loop3A_564, %parallel_loop3A_565], %parallel_loop3A_568 {strides = array<i32>} : memref<128x128xf32, #tpu.memory_space<vmem>>, vector<1x16xf32>,
      } {sc.loop_unroll_factor = 2 : i64, sc.parallel_access}
      %mul3A_292 = arith.constant 128 : i32
      %mul3A_293 = arith.muli %add3A_272, %mul3A_292 : i32
      %add3A_294 = arith.addi %mul3A_2, %mul3A_293 : i32
      %dma_start3A_295 = arith.constant 3 : i32
      %dma_start3A_296 = arith.constant 0 : i32
      %dma_start3A_297 = arith.constant 0 : i32
      %dma_start3A_298 = tpu.memref_slice %arg8[%dma_start3A_295, %dma_start3A_296, %dma_start3A_297] : memref<5x128x128xf32, #tpu.memory_space<vmem>> -> memref<1x128x128xf32, #tpu.memory_space<vmem>>
      %dma_start3A_299 = tpu.memref_squeeze %dma_start3A_298 : memref<1x128x128xf32, #tpu.memory_space<vmem>> -> memref<128x128xf32, #tpu.memory_space<vmem>>
      %dma_start3A_300 = arith.constant 0 : i32
      %dma_start3A_301 = tpu.memref_slice %arg5[%add3A_294, %dma_start3A_300] : memref<204800x128xf32, #tpu.memory_space<hbm>> -> memref<128x128xf32, #tpu.memory_space<hbm>>
      %dma_start3A_302 = arith.constant 0 : i32
      %dma_start3A_303 = tpu.memref_slice %arg5[%add3A_294, %dma_start3A_302] : memref<204800x128xf32, #tpu.memory_space<hbm>> -> memref<128x128xf32, #tpu.memory_space<hbm>>
      %dma_start3A_304 = arith.constant 0 : i32
      %dma_start3A_305 = arith.constant 0 : i32
      %dma_start3A_306 = tpu.memref_slice %arg8[%dma_start3A_295, %dma_start3A_304, %dma_start3A_305] : memref<5x128x128xf32, #tpu.memory_space<vmem>> -> memref<1x128x128xf32, #tpu.memory_space<vmem>>
      %dma_start3A_307 = tpu.memref_squeeze %dma_start3A_306 : memref<1x128x128xf32, #tpu.memory_space<vmem>> -> memref<128x128xf32, #tpu.memory_space<vmem>>
      tpu.enqueue_dma source(%dma_start3A_307 : memref<128x128xf32, #tpu.memory_space<vmem>>) target(%dma_start3A_303 : memref<128x128xf32, #tpu.memory_space<hbm>>) target_semaphore(%arg17 : memref<!tpu.dma_semaphore, #tpu.memory_space<semaphore_mem>>)
      %add3A_308 = arith.constant 5 : i32
      %add3A_309 = arith.addi %add3A_272, %add3A_308 : i32
      %sub3A_310 = arith.constant 1 : i32
      %sub3A_311 = arith.subi %add3A_309, %sub3A_310 : i32
      %lt3A_312 = arith.constant 50 : i32
      %lt3A_313 = arith.cmpi slt, %sub3A_311, %lt3A_312 : i32
      %convert_element_type3A_314 = arith.extui %lt3A_313 : i1 to i32
      %cond3A_315 = arith.constant 0 : i32
      %cond3A_316 = arith.cmpi ne, %convert_element_type3A_314, %cond3A_315 : i32
      scf.if %cond3A_316 {
        %dma_wait3A_363 = arith.constant 2 : i32
        %dma_wait3A_364 = arith.constant 0 : i32
        %dma_wait3A_365 = arith.constant 0 : i32
        %dma_wait3A_366 = tpu.memref_slice %arg8[%dma_wait3A_363, %dma_wait3A_364, %dma_wait3A_365] : memref<5x128x128xf32, #tpu.memory_space<vmem>> -> memref<1x128x128xf32, #tpu.memory_space<vmem>>
        %dma_wait3A_367 = tpu.memref_squeeze %dma_wait3A_366 : memref<1x128x128xf32, #tpu.memory_space<vmem>> -> memref<128x128xf32, #tpu.memory_space<vmem>>
        %dma_wait3A_368 = arith.constant 0 : i32
        %dma_wait3A_369 = arith.constant 0 : i32
        %dma_wait3A_370 = tpu.memref_slice %arg5[%dma_wait3A_368, %dma_wait3A_369] : memref<204800x128xf32, #tpu.memory_space<hbm>> -> memref<128x128xf32, #tpu.memory_space<hbm>>
        %dma_wait3A_371 = arith.constant 0 : i32
        %dma_wait3A_372 = arith.constant 0 : i32
        %dma_wait3A_373 = tpu.memref_slice %arg5[%dma_wait3A_371, %dma_wait3A_372] : memref<204800x128xf32, #tpu.memory_space<hbm>> -> memref<128x128xf32, #tpu.memory_space<hbm>>
        %dma_wait3A_374 = arith.constant 0 : i32
        %dma_wait3A_375 = arith.constant 0 : i32
        %dma_wait3A_376 = tpu.memref_slice %arg8[%dma_wait3A_363, %dma_wait3A_374, %dma_wait3A_375] : memref<5x128x128xf32, #tpu.memory_space<vmem>> -> memref<1x128x128xf32, #tpu.memory_space<vmem>>
        %dma_wait3A_377 = tpu.memref_squeeze %dma_wait3A_376 : memref<1x128x128xf32, #tpu.memory_space<vmem>> -> memref<128x128xf32, #tpu.memory_space<vmem>>
        tpu.wait_dma2 semaphore(%arg16 : memref<!tpu.dma_semaphore, #tpu.memory_space<semaphore_mem>>) src(%dma_wait3A_377 : memref<128x128xf32, #tpu.memory_space<vmem>>) dst(%dma_wait3A_373 : memref<128x128xf32, #tpu.memory_space<hbm>>)
        %dma_start3A_378 = arith.constant 2 : i32
        %dma_start3A_379 = arith.constant 0 : i32
        %dma_start3A_380 = arith.constant 0 : i32
        %dma_start3A_381 = tpu.memref_slice %arg8[%dma_start3A_378, %dma_start3A_379, %dma_start3A_380] : memref<5x128x128xf32, #tpu.memory_space<vmem>> -> memref<1x128x128xf32, #tpu.memory_space<vmem>>
        %dma_start3A_382 = tpu.memref_squeeze %dma_start3A_381 : memref<1x128x128xf32, #tpu.memory_space<vmem>> -> memref<128x128xf32, #tpu.memory_space<vmem>>
        %dma_start3A_383 = arith.constant 0 : i32
        %dma_start3A_384 = tpu.memref_slice %arg6[%sub3A_311, %dma_start3A_383] : memref<50x128xi32, #tpu.memory_space<vmem>> -> memref<1x128xi32, #tpu.memory_space<vmem>>
        %dma_start3A_385 = tpu.memref_squeeze %dma_start3A_384 : memref<1x128xi32, #tpu.memory_space<vmem>> -> memref<128xi32, #tpu.memory_space<vmem>>
        %dma_start3A_386 = arith.constant 0 : i32
        %dma_start3A_387 = arith.constant 0 : i32
        %dma_start3A_388 = tpu.memref_slice %arg2[%dma_start3A_386, %dma_start3A_387] : memref<100000x128xf32, #tpu.memory_space<hbm>> -> memref<100000x128xf32, #tpu.memory_space<hbm>>
        tpu.enqueue_indirect_dma source(%dma_start3A_388 : memref<100000x128xf32, #tpu.memory_space<hbm>>) target(%dma_start3A_382 : memref<128x128xf32, #tpu.memory_space<vmem>>) offsets(%dma_start3A_385 : memref<128xi32, #tpu.memory_space<vmem>>) semaphore(%arg11 : memref<!tpu.dma_semaphore, #tpu.memory_space<semaphore_mem>>)
      } else {
      }
      %add3A_317 = arith.constant 4 : i32
      %add3A_318 = arith.addi %mul3A_134, %add3A_317 : i32
      %dma_wait3A_319 = arith.constant 4 : i32
      %dma_wait3A_320 = arith.constant 0 : i32
      %dma_wait3A_321 = arith.constant 0 : i32
      %dma_wait3A_322 = tpu.memref_slice %arg8[%dma_wait3A_319, %dma_wait3A_320, %dma_wait3A_321] : memref<5x128x128xf32, #tpu.memory_space<vmem>> -> memref<1x128x128xf32, #tpu.memory_space<vmem>>
      %dma_wait3A_323 = tpu.memref_squeeze %dma_wait3A_322 : memref<1x128x128xf32, #tpu.memory_space<vmem>> -> memref<128x128xf32, #tpu.memory_space<vmem>>
      %dma_wait3A_324 = arith.constant 0 : i32
      %dma_wait3A_325 = arith.constant 0 : i32
      %dma_wait3A_326 = tpu.memref_slice %arg5[%dma_wait3A_324, %dma_wait3A_325] : memref<204800x128xf32, #tpu.memory_space<hbm>> -> memref<128x128xf32, #tpu.memory_space<hbm>>
      %dma_wait3A_327 = arith.constant 0 : i32
      %dma_wait3A_328 = arith.constant 0 : i32
      %dma_wait3A_329 = tpu.memref_slice %arg8[%dma_wait3A_319, %dma_wait3A_327, %dma_wait3A_328] : memref<5x128x128xf32, #tpu.memory_space<vmem>> -> memref<1x128x128xf32, #tpu.memory_space<vmem>>
      %dma_wait3A_330 = tpu.memref_squeeze %dma_wait3A_329 : memref<1x128x128xf32, #tpu.memory_space<vmem>> -> memref<128x128xf32, #tpu.memory_space<vmem>>
      %dma_wait3A_331 = arith.constant 0 : i32
      %dma_wait3A_332 = arith.constant 0 : i32
      %dma_wait3A_333 = tpu.memref_slice %arg5[%dma_wait3A_331, %dma_wait3A_332] : memref<204800x128xf32, #tpu.memory_space<hbm>> -> memref<128x128xf32, #tpu.memory_space<hbm>>
      tpu.wait_dma2 semaphore(%arg13 : memref<!tpu.dma_semaphore, #tpu.memory_space<semaphore_mem>>) src(%dma_wait3A_333 : memref<128x128xf32, #tpu.memory_space<hbm>>) dst(%dma_wait3A_330 : memref<128x128xf32, #tpu.memory_space<vmem>>)
      %parallel_loop3A_334 = arith.constant 0 : i32
      %parallel_loop3A_335 = arith.constant 128 : i32
      %parallel_loop3A_336 = arith.constant 1 : i32
      %parallel_loop3A_337 = arith.constant 4 : i32
      scf.for %parallel_loop3A_363 = %parallel_loop3A_334 to %parallel_loop3A_335 step %parallel_loop3A_336  : i32 {
        %parallel_loop3A_364 = arith.constant 128 : i32
        %parallel_loop3A_365 = arith.muli %add3A_318, %parallel_loop3A_364 : i32
        %parallel_loop3A_366 = arith.addi %parallel_loop3A_365, %parallel_loop3A_363 : i32
        %parallel_loop3A_367 = arith.constant 200 : i32
        %parallel_loop3A_368 = arith.remsi %parallel_loop3A_366, %parallel_loop3A_367 : i32
        %parallel_loop3A_369 = arith.constant 0 : i32
        %parallel_loop3A_370 = arith.constant 0 : i32
        %parallel_loop3A_371 = tpu.memref_slice %arg8[%parallel_loop3A_337, %parallel_loop3A_369, %parallel_loop3A_370] : memref<5x128x128xf32, #tpu.memory_space<vmem>> -> memref<1x128x128xf32, #tpu.memory_space<vmem>>
        %parallel_loop3A_372 = tpu.memref_squeeze %parallel_loop3A_371 : memref<1x128x128xf32, #tpu.memory_space<vmem>> -> memref<128x128xf32, #tpu.memory_space<vmem>>
        %parallel_loop3A_373 = arith.index_cast %parallel_loop3A_363 : i32 to index
        %parallel_loop3A_374 = arith.constant 0 : index
        %parallel_loop3A_375 = tpu.vector_load %parallel_loop3A_372[%parallel_loop3A_373, %parallel_loop3A_374] {strides = array<i32>} : memref<128x128xf32, #tpu.memory_space<vmem>>, vector<1x16xf32>,
        %parallel_loop3A_376 = vector.shape_cast %parallel_loop3A_375 : vector<1x16xf32> to vector<16xf32>
        %parallel_loop3A_377 = arith.constant 11.3137083 : f32
        %parallel_loop3A_378 = vector.broadcast %parallel_loop3A_377 : f32 to vector<16xf32>
        %parallel_loop3A_379 = arith.mulf %parallel_loop3A_376, %parallel_loop3A_378 : vector<16xf32>
        %parallel_loop3A_380 = arith.index_cast %parallel_loop3A_368 : i32 to index
        %parallel_loop3A_381 = arith.constant 0 : index
        %parallel_loop3A_382 = tpu.vector_load %arg7[%parallel_loop3A_380, %parallel_loop3A_381] {strides = array<i32>} : memref<200x128xf32, #tpu.memory_space<vmem>>, vector<1x16xf32>,
        %parallel_loop3A_383 = vector.shape_cast %parallel_loop3A_382 : vector<1x16xf32> to vector<16xf32>
        %parallel_loop3A_384 = arith.addf %parallel_loop3A_379, %parallel_loop3A_383 : vector<16xf32>
        %parallel_loop3A_385 = arith.constant 0 : i32
        %parallel_loop3A_386 = arith.constant 0 : i32
        %parallel_loop3A_387 = tpu.memref_slice %arg8[%parallel_loop3A_337, %parallel_loop3A_385, %parallel_loop3A_386] : memref<5x128x128xf32, #tpu.memory_space<vmem>> -> memref<1x128x128xf32, #tpu.memory_space<vmem>>
        %parallel_loop3A_388 = tpu.memref_squeeze %parallel_loop3A_387 : memref<1x128x128xf32, #tpu.memory_space<vmem>> -> memref<128x128xf32, #tpu.memory_space<vmem>>
        %parallel_loop3A_389 = arith.index_cast %parallel_loop3A_363 : i32 to index
        %parallel_loop3A_390 = arith.constant 0 : index
        %parallel_loop3A_391 = tpu.vector_load %parallel_loop3A_388[%parallel_loop3A_389, %parallel_loop3A_390] {strides = array<i32>} : memref<128x128xf32, #tpu.memory_space<vmem>>, vector<1x16xf32>,
        %parallel_loop3A_392 = vector.shape_cast %parallel_loop3A_391 : vector<1x16xf32> to vector<16xf32>
        %parallel_loop3A_393 = vector.shape_cast %parallel_loop3A_384 : vector<16xf32> to vector<1x16xf32>
        tpu.vector_store %parallel_loop3A_388[%parallel_loop3A_389, %parallel_loop3A_390], %parallel_loop3A_393 {strides = array<i32>} : memref<128x128xf32, #tpu.memory_space<vmem>>, vector<1x16xf32>,
        %parallel_loop3A_394 = arith.constant 0 : i32
        %parallel_loop3A_395 = arith.constant 0 : i32
        %parallel_loop3A_396 = tpu.memref_slice %arg8[%parallel_loop3A_337, %parallel_loop3A_394, %parallel_loop3A_395] : memref<5x128x128xf32, #tpu.memory_space<vmem>> -> memref<1x128x128xf32, #tpu.memory_space<vmem>>
        %parallel_loop3A_397 = tpu.memref_squeeze %parallel_loop3A_396 : memref<1x128x128xf32, #tpu.memory_space<vmem>> -> memref<128x128xf32, #tpu.memory_space<vmem>>
        %parallel_loop3A_398 = arith.index_cast %parallel_loop3A_363 : i32 to index
        %parallel_loop3A_399 = arith.constant 16 : index
        %parallel_loop3A_400 = tpu.vector_load %parallel_loop3A_397[%parallel_loop3A_398, %parallel_loop3A_399] {strides = array<i32>} : memref<128x128xf32, #tpu.memory_space<vmem>>, vector<1x16xf32>,
        %parallel_loop3A_401 = vector.shape_cast %parallel_loop3A_400 : vector<1x16xf32> to vector<16xf32>
        %parallel_loop3A_402 = arith.constant 11.3137083 : f32
        %parallel_loop3A_403 = vector.broadcast %parallel_loop3A_402 : f32 to vector<16xf32>
        %parallel_loop3A_404 = arith.mulf %parallel_loop3A_401, %parallel_loop3A_403 : vector<16xf32>
        %parallel_loop3A_405 = arith.index_cast %parallel_loop3A_368 : i32 to index
        %parallel_loop3A_406 = arith.constant 16 : index
        %parallel_loop3A_407 = tpu.vector_load %arg7[%parallel_loop3A_405, %parallel_loop3A_406] {strides = array<i32>} : memref<200x128xf32, #tpu.memory_space<vmem>>, vector<1x16xf32>,
        %parallel_loop3A_408 = vector.shape_cast %parallel_loop3A_407 : vector<1x16xf32> to vector<16xf32>
        %parallel_loop3A_409 = arith.addf %parallel_loop3A_404, %parallel_loop3A_408 : vector<16xf32>
        %parallel_loop3A_410 = arith.constant 0 : i32
        %parallel_loop3A_411 = arith.constant 0 : i32
        %parallel_loop3A_412 = tpu.memref_slice %arg8[%parallel_loop3A_337, %parallel_loop3A_410, %parallel_loop3A_411] : memref<5x128x128xf32, #tpu.memory_space<vmem>> -> memref<1x128x128xf32, #tpu.memory_space<vmem>>
        %parallel_loop3A_413 = tpu.memref_squeeze %parallel_loop3A_412 : memref<1x128x128xf32, #tpu.memory_space<vmem>> -> memref<128x128xf32, #tpu.memory_space<vmem>>
        %parallel_loop3A_414 = arith.index_cast %parallel_loop3A_363 : i32 to index
        %parallel_loop3A_415 = arith.constant 16 : index
        %parallel_loop3A_416 = tpu.vector_load %parallel_loop3A_413[%parallel_loop3A_414, %parallel_loop3A_415] {strides = array<i32>} : memref<128x128xf32, #tpu.memory_space<vmem>>, vector<1x16xf32>,
        %parallel_loop3A_417 = vector.shape_cast %parallel_loop3A_416 : vector<1x16xf32> to vector<16xf32>
        %parallel_loop3A_418 = vector.shape_cast %parallel_loop3A_409 : vector<16xf32> to vector<1x16xf32>
        tpu.vector_store %parallel_loop3A_413[%parallel_loop3A_414, %parallel_loop3A_415], %parallel_loop3A_418 {strides = array<i32>} : memref<128x128xf32, #tpu.memory_space<vmem>>, vector<1x16xf32>,
        %parallel_loop3A_419 = arith.constant 0 : i32
        %parallel_loop3A_420 = arith.constant 0 : i32
        %parallel_loop3A_421 = tpu.memref_slice %arg8[%parallel_loop3A_337, %parallel_loop3A_419, %parallel_loop3A_420] : memref<5x128x128xf32, #tpu.memory_space<vmem>> -> memref<1x128x128xf32, #tpu.memory_space<vmem>>
        %parallel_loop3A_422 = tpu.memref_squeeze %parallel_loop3A_421 : memref<1x128x128xf32, #tpu.memory_space<vmem>> -> memref<128x128xf32, #tpu.memory_space<vmem>>
        %parallel_loop3A_423 = arith.index_cast %parallel_loop3A_363 : i32 to index
        %parallel_loop3A_424 = arith.constant 32 : index
        %parallel_loop3A_425 = tpu.vector_load %parallel_loop3A_422[%parallel_loop3A_423, %parallel_loop3A_424] {strides = array<i32>} : memref<128x128xf32, #tpu.memory_space<vmem>>, vector<1x16xf32>,
        %parallel_loop3A_426 = vector.shape_cast %parallel_loop3A_425 : vector<1x16xf32> to vector<16xf32>
        %parallel_loop3A_427 = arith.constant 11.3137083 : f32
        %parallel_loop3A_428 = vector.broadcast %parallel_loop3A_427 : f32 to vector<16xf32>
        %parallel_loop3A_429 = arith.mulf %parallel_loop3A_426, %parallel_loop3A_428 : vector<16xf32>
        %parallel_loop3A_430 = arith.index_cast %parallel_loop3A_368 : i32 to index
        %parallel_loop3A_431 = arith.constant 32 : index
        %parallel_loop3A_432 = tpu.vector_load %arg7[%parallel_loop3A_430, %parallel_loop3A_431] {strides = array<i32>} : memref<200x128xf32, #tpu.memory_space<vmem>>, vector<1x16xf32>,
        %parallel_loop3A_433 = vector.shape_cast %parallel_loop3A_432 : vector<1x16xf32> to vector<16xf32>
        %parallel_loop3A_434 = arith.addf %parallel_loop3A_429, %parallel_loop3A_433 : vector<16xf32>
        %parallel_loop3A_435 = arith.constant 0 : i32
        %parallel_loop3A_436 = arith.constant 0 : i32
        %parallel_loop3A_437 = tpu.memref_slice %arg8[%parallel_loop3A_337, %parallel_loop3A_435, %parallel_loop3A_436] : memref<5x128x128xf32, #tpu.memory_space<vmem>> -> memref<1x128x128xf32, #tpu.memory_space<vmem>>
        %parallel_loop3A_438 = tpu.memref_squeeze %parallel_loop3A_437 : memref<1x128x128xf32, #tpu.memory_space<vmem>> -> memref<128x128xf32, #tpu.memory_space<vmem>>
        %parallel_loop3A_439 = arith.index_cast %parallel_loop3A_363 : i32 to index
        %parallel_loop3A_440 = arith.constant 32 : index
        %parallel_loop3A_441 = tpu.vector_load %parallel_loop3A_438[%parallel_loop3A_439, %parallel_loop3A_440] {strides = array<i32>} : memref<128x128xf32, #tpu.memory_space<vmem>>, vector<1x16xf32>,
        %parallel_loop3A_442 = vector.shape_cast %parallel_loop3A_441 : vector<1x16xf32> to vector<16xf32>
        %parallel_loop3A_443 = vector.shape_cast %parallel_loop3A_434 : vector<16xf32> to vector<1x16xf32>
        tpu.vector_store %parallel_loop3A_438[%parallel_loop3A_439, %parallel_loop3A_440], %parallel_loop3A_443 {strides = array<i32>} : memref<128x128xf32, #tpu.memory_space<vmem>>, vector<1x16xf32>,
        %parallel_loop3A_444 = arith.constant 0 : i32
        %parallel_loop3A_445 = arith.constant 0 : i32
        %parallel_loop3A_446 = tpu.memref_slice %arg8[%parallel_loop3A_337, %parallel_loop3A_444, %parallel_loop3A_445] : memref<5x128x128xf32, #tpu.memory_space<vmem>> -> memref<1x128x128xf32, #tpu.memory_space<vmem>>
        %parallel_loop3A_447 = tpu.memref_squeeze %parallel_loop3A_446 : memref<1x128x128xf32, #tpu.memory_space<vmem>> -> memref<128x128xf32, #tpu.memory_space<vmem>>
        %parallel_loop3A_448 = arith.index_cast %parallel_loop3A_363 : i32 to index
        %parallel_loop3A_449 = arith.constant 48 : index
        %parallel_loop3A_450 = tpu.vector_load %parallel_loop3A_447[%parallel_loop3A_448, %parallel_loop3A_449] {strides = array<i32>} : memref<128x128xf32, #tpu.memory_space<vmem>>, vector<1x16xf32>,
        %parallel_loop3A_451 = vector.shape_cast %parallel_loop3A_450 : vector<1x16xf32> to vector<16xf32>
        %parallel_loop3A_452 = arith.constant 11.3137083 : f32
        %parallel_loop3A_453 = vector.broadcast %parallel_loop3A_452 : f32 to vector<16xf32>
        %parallel_loop3A_454 = arith.mulf %parallel_loop3A_451, %parallel_loop3A_453 : vector<16xf32>
        %parallel_loop3A_455 = arith.index_cast %parallel_loop3A_368 : i32 to index
        %parallel_loop3A_456 = arith.constant 48 : index
        %parallel_loop3A_457 = tpu.vector_load %arg7[%parallel_loop3A_455, %parallel_loop3A_456] {strides = array<i32>} : memref<200x128xf32, #tpu.memory_space<vmem>>, vector<1x16xf32>,
        %parallel_loop3A_458 = vector.shape_cast %parallel_loop3A_457 : vector<1x16xf32> to vector<16xf32>
        %parallel_loop3A_459 = arith.addf %parallel_loop3A_454, %parallel_loop3A_458 : vector<16xf32>
        %parallel_loop3A_460 = arith.constant 0 : i32
        %parallel_loop3A_461 = arith.constant 0 : i32
        %parallel_loop3A_462 = tpu.memref_slice %arg8[%parallel_loop3A_337, %parallel_loop3A_460, %parallel_loop3A_461] : memref<5x128x128xf32, #tpu.memory_space<vmem>> -> memref<1x128x128xf32, #tpu.memory_space<vmem>>
        %parallel_loop3A_463 = tpu.memref_squeeze %parallel_loop3A_462 : memref<1x128x128xf32, #tpu.memory_space<vmem>> -> memref<128x128xf32, #tpu.memory_space<vmem>>
        %parallel_loop3A_464 = arith.index_cast %parallel_loop3A_363 : i32 to index
        %parallel_loop3A_465 = arith.constant 48 : index
        %parallel_loop3A_466 = tpu.vector_load %parallel_loop3A_463[%parallel_loop3A_464, %parallel_loop3A_465] {strides = array<i32>} : memref<128x128xf32, #tpu.memory_space<vmem>>, vector<1x16xf32>,
        %parallel_loop3A_467 = vector.shape_cast %parallel_loop3A_466 : vector<1x16xf32> to vector<16xf32>
        %parallel_loop3A_468 = vector.shape_cast %parallel_loop3A_459 : vector<16xf32> to vector<1x16xf32>
        tpu.vector_store %parallel_loop3A_463[%parallel_loop3A_464, %parallel_loop3A_465], %parallel_loop3A_468 {strides = array<i32>} : memref<128x128xf32, #tpu.memory_space<vmem>>, vector<1x16xf32>,
        %parallel_loop3A_469 = arith.constant 0 : i32
        %parallel_loop3A_470 = arith.constant 0 : i32
        %parallel_loop3A_471 = tpu.memref_slice %arg8[%parallel_loop3A_337, %parallel_loop3A_469, %parallel_loop3A_470] : memref<5x128x128xf32, #tpu.memory_space<vmem>> -> memref<1x128x128xf32, #tpu.memory_space<vmem>>
        %parallel_loop3A_472 = tpu.memref_squeeze %parallel_loop3A_471 : memref<1x128x128xf32, #tpu.memory_space<vmem>> -> memref<128x128xf32, #tpu.memory_space<vmem>>
        %parallel_loop3A_473 = arith.index_cast %parallel_loop3A_363 : i32 to index
        %parallel_loop3A_474 = arith.constant 64 : index
        %parallel_loop3A_475 = tpu.vector_load %parallel_loop3A_472[%parallel_loop3A_473, %parallel_loop3A_474] {strides = array<i32>} : memref<128x128xf32, #tpu.memory_space<vmem>>, vector<1x16xf32>,
        %parallel_loop3A_476 = vector.shape_cast %parallel_loop3A_475 : vector<1x16xf32> to vector<16xf32>
        %parallel_loop3A_477 = arith.constant 11.3137083 : f32
        %parallel_loop3A_478 = vector.broadcast %parallel_loop3A_477 : f32 to vector<16xf32>
        %parallel_loop3A_479 = arith.mulf %parallel_loop3A_476, %parallel_loop3A_478 : vector<16xf32>
        %parallel_loop3A_480 = arith.index_cast %parallel_loop3A_368 : i32 to index
        %parallel_loop3A_481 = arith.constant 64 : index
        %parallel_loop3A_482 = tpu.vector_load %arg7[%parallel_loop3A_480, %parallel_loop3A_481] {strides = array<i32>} : memref<200x128xf32, #tpu.memory_space<vmem>>, vector<1x16xf32>,
        %parallel_loop3A_483 = vector.shape_cast %parallel_loop3A_482 : vector<1x16xf32> to vector<16xf32>
        %parallel_loop3A_484 = arith.addf %parallel_loop3A_479, %parallel_loop3A_483 : vector<16xf32>
        %parallel_loop3A_485 = arith.constant 0 : i32
        %parallel_loop3A_486 = arith.constant 0 : i32
        %parallel_loop3A_487 = tpu.memref_slice %arg8[%parallel_loop3A_337, %parallel_loop3A_485, %parallel_loop3A_486] : memref<5x128x128xf32, #tpu.memory_space<vmem>> -> memref<1x128x128xf32, #tpu.memory_space<vmem>>
        %parallel_loop3A_488 = tpu.memref_squeeze %parallel_loop3A_487 : memref<1x128x128xf32, #tpu.memory_space<vmem>> -> memref<128x128xf32, #tpu.memory_space<vmem>>
        %parallel_loop3A_489 = arith.index_cast %parallel_loop3A_363 : i32 to index
        %parallel_loop3A_490 = arith.constant 64 : index
        %parallel_loop3A_491 = tpu.vector_load %parallel_loop3A_488[%parallel_loop3A_489, %parallel_loop3A_490] {strides = array<i32>} : memref<128x128xf32, #tpu.memory_space<vmem>>, vector<1x16xf32>,
        %parallel_loop3A_492 = vector.shape_cast %parallel_loop3A_491 : vector<1x16xf32> to vector<16xf32>
        %parallel_loop3A_493 = vector.shape_cast %parallel_loop3A_484 : vector<16xf32> to vector<1x16xf32>
        tpu.vector_store %parallel_loop3A_488[%parallel_loop3A_489, %parallel_loop3A_490], %parallel_loop3A_493 {strides = array<i32>} : memref<128x128xf32, #tpu.memory_space<vmem>>, vector<1x16xf32>,
        %parallel_loop3A_494 = arith.constant 0 : i32
        %parallel_loop3A_495 = arith.constant 0 : i32
        %parallel_loop3A_496 = tpu.memref_slice %arg8[%parallel_loop3A_337, %parallel_loop3A_494, %parallel_loop3A_495] : memref<5x128x128xf32, #tpu.memory_space<vmem>> -> memref<1x128x128xf32, #tpu.memory_space<vmem>>
        %parallel_loop3A_497 = tpu.memref_squeeze %parallel_loop3A_496 : memref<1x128x128xf32, #tpu.memory_space<vmem>> -> memref<128x128xf32, #tpu.memory_space<vmem>>
        %parallel_loop3A_498 = arith.index_cast %parallel_loop3A_363 : i32 to index
        %parallel_loop3A_499 = arith.constant 80 : index
        %parallel_loop3A_500 = tpu.vector_load %parallel_loop3A_497[%parallel_loop3A_498, %parallel_loop3A_499] {strides = array<i32>} : memref<128x128xf32, #tpu.memory_space<vmem>>, vector<1x16xf32>,
        %parallel_loop3A_501 = vector.shape_cast %parallel_loop3A_500 : vector<1x16xf32> to vector<16xf32>
        %parallel_loop3A_502 = arith.constant 11.3137083 : f32
        %parallel_loop3A_503 = vector.broadcast %parallel_loop3A_502 : f32 to vector<16xf32>
        %parallel_loop3A_504 = arith.mulf %parallel_loop3A_501, %parallel_loop3A_503 : vector<16xf32>
        %parallel_loop3A_505 = arith.index_cast %parallel_loop3A_368 : i32 to index
        %parallel_loop3A_506 = arith.constant 80 : index
        %parallel_loop3A_507 = tpu.vector_load %arg7[%parallel_loop3A_505, %parallel_loop3A_506] {strides = array<i32>} : memref<200x128xf32, #tpu.memory_space<vmem>>, vector<1x16xf32>,
        %parallel_loop3A_508 = vector.shape_cast %parallel_loop3A_507 : vector<1x16xf32> to vector<16xf32>
        %parallel_loop3A_509 = arith.addf %parallel_loop3A_504, %parallel_loop3A_508 : vector<16xf32>
        %parallel_loop3A_510 = arith.constant 0 : i32
        %parallel_loop3A_511 = arith.constant 0 : i32
        %parallel_loop3A_512 = tpu.memref_slice %arg8[%parallel_loop3A_337, %parallel_loop3A_510, %parallel_loop3A_511] : memref<5x128x128xf32, #tpu.memory_space<vmem>> -> memref<1x128x128xf32, #tpu.memory_space<vmem>>
        %parallel_loop3A_513 = tpu.memref_squeeze %parallel_loop3A_512 : memref<1x128x128xf32, #tpu.memory_space<vmem>> -> memref<128x128xf32, #tpu.memory_space<vmem>>
        %parallel_loop3A_514 = arith.index_cast %parallel_loop3A_363 : i32 to index
        %parallel_loop3A_515 = arith.constant 80 : index
        %parallel_loop3A_516 = tpu.vector_load %parallel_loop3A_513[%parallel_loop3A_514, %parallel_loop3A_515] {strides = array<i32>} : memref<128x128xf32, #tpu.memory_space<vmem>>, vector<1x16xf32>,
        %parallel_loop3A_517 = vector.shape_cast %parallel_loop3A_516 : vector<1x16xf32> to vector<16xf32>
        %parallel_loop3A_518 = vector.shape_cast %parallel_loop3A_509 : vector<16xf32> to vector<1x16xf32>
        tpu.vector_store %parallel_loop3A_513[%parallel_loop3A_514, %parallel_loop3A_515], %parallel_loop3A_518 {strides = array<i32>} : memref<128x128xf32, #tpu.memory_space<vmem>>, vector<1x16xf32>,
        %parallel_loop3A_519 = arith.constant 0 : i32
        %parallel_loop3A_520 = arith.constant 0 : i32
        %parallel_loop3A_521 = tpu.memref_slice %arg8[%parallel_loop3A_337, %parallel_loop3A_519, %parallel_loop3A_520] : memref<5x128x128xf32, #tpu.memory_space<vmem>> -> memref<1x128x128xf32, #tpu.memory_space<vmem>>
        %parallel_loop3A_522 = tpu.memref_squeeze %parallel_loop3A_521 : memref<1x128x128xf32, #tpu.memory_space<vmem>> -> memref<128x128xf32, #tpu.memory_space<vmem>>
        %parallel_loop3A_523 = arith.index_cast %parallel_loop3A_363 : i32 to index
        %parallel_loop3A_524 = arith.constant 96 : index
        %parallel_loop3A_525 = tpu.vector_load %parallel_loop3A_522[%parallel_loop3A_523, %parallel_loop3A_524] {strides = array<i32>} : memref<128x128xf32, #tpu.memory_space<vmem>>, vector<1x16xf32>,
        %parallel_loop3A_526 = vector.shape_cast %parallel_loop3A_525 : vector<1x16xf32> to vector<16xf32>
        %parallel_loop3A_527 = arith.constant 11.3137083 : f32
        %parallel_loop3A_528 = vector.broadcast %parallel_loop3A_527 : f32 to vector<16xf32>
        %parallel_loop3A_529 = arith.mulf %parallel_loop3A_526, %parallel_loop3A_528 : vector<16xf32>
        %parallel_loop3A_530 = arith.index_cast %parallel_loop3A_368 : i32 to index
        %parallel_loop3A_531 = arith.constant 96 : index
        %parallel_loop3A_532 = tpu.vector_load %arg7[%parallel_loop3A_530, %parallel_loop3A_531] {strides = array<i32>} : memref<200x128xf32, #tpu.memory_space<vmem>>, vector<1x16xf32>,
        %parallel_loop3A_533 = vector.shape_cast %parallel_loop3A_532 : vector<1x16xf32> to vector<16xf32>
        %parallel_loop3A_534 = arith.addf %parallel_loop3A_529, %parallel_loop3A_533 : vector<16xf32>
        %parallel_loop3A_535 = arith.constant 0 : i32
        %parallel_loop3A_536 = arith.constant 0 : i32
        %parallel_loop3A_537 = tpu.memref_slice %arg8[%parallel_loop3A_337, %parallel_loop3A_535, %parallel_loop3A_536] : memref<5x128x128xf32, #tpu.memory_space<vmem>> -> memref<1x128x128xf32, #tpu.memory_space<vmem>>
        %parallel_loop3A_538 = tpu.memref_squeeze %parallel_loop3A_537 : memref<1x128x128xf32, #tpu.memory_space<vmem>> -> memref<128x128xf32, #tpu.memory_space<vmem>>
        %parallel_loop3A_539 = arith.index_cast %parallel_loop3A_363 : i32 to index
        %parallel_loop3A_540 = arith.constant 96 : index
        %parallel_loop3A_541 = tpu.vector_load %parallel_loop3A_538[%parallel_loop3A_539, %parallel_loop3A_540] {strides = array<i32>} : memref<128x128xf32, #tpu.memory_space<vmem>>, vector<1x16xf32>,
        %parallel_loop3A_542 = vector.shape_cast %parallel_loop3A_541 : vector<1x16xf32> to vector<16xf32>
        %parallel_loop3A_543 = vector.shape_cast %parallel_loop3A_534 : vector<16xf32> to vector<1x16xf32>
        tpu.vector_store %parallel_loop3A_538[%parallel_loop3A_539, %parallel_loop3A_540], %parallel_loop3A_543 {strides = array<i32>} : memref<128x128xf32, #tpu.memory_space<vmem>>, vector<1x16xf32>,
        %parallel_loop3A_544 = arith.constant 0 : i32
        %parallel_loop3A_545 = arith.constant 0 : i32
        %parallel_loop3A_546 = tpu.memref_slice %arg8[%parallel_loop3A_337, %parallel_loop3A_544, %parallel_loop3A_545] : memref<5x128x128xf32, #tpu.memory_space<vmem>> -> memref<1x128x128xf32, #tpu.memory_space<vmem>>
        %parallel_loop3A_547 = tpu.memref_squeeze %parallel_loop3A_546 : memref<1x128x128xf32, #tpu.memory_space<vmem>> -> memref<128x128xf32, #tpu.memory_space<vmem>>
        %parallel_loop3A_548 = arith.index_cast %parallel_loop3A_363 : i32 to index
        %parallel_loop3A_549 = arith.constant 112 : index
        %parallel_loop3A_550 = tpu.vector_load %parallel_loop3A_547[%parallel_loop3A_548, %parallel_loop3A_549] {strides = array<i32>} : memref<128x128xf32, #tpu.memory_space<vmem>>, vector<1x16xf32>,
        %parallel_loop3A_551 = vector.shape_cast %parallel_loop3A_550 : vector<1x16xf32> to vector<16xf32>
        %parallel_loop3A_552 = arith.constant 11.3137083 : f32
        %parallel_loop3A_553 = vector.broadcast %parallel_loop3A_552 : f32 to vector<16xf32>
        %parallel_loop3A_554 = arith.mulf %parallel_loop3A_551, %parallel_loop3A_553 : vector<16xf32>
        %parallel_loop3A_555 = arith.index_cast %parallel_loop3A_368 : i32 to index
        %parallel_loop3A_556 = arith.constant 112 : index
        %parallel_loop3A_557 = tpu.vector_load %arg7[%parallel_loop3A_555, %parallel_loop3A_556] {strides = array<i32>} : memref<200x128xf32, #tpu.memory_space<vmem>>, vector<1x16xf32>,
        %parallel_loop3A_558 = vector.shape_cast %parallel_loop3A_557 : vector<1x16xf32> to vector<16xf32>
        %parallel_loop3A_559 = arith.addf %parallel_loop3A_554, %parallel_loop3A_558 : vector<16xf32>
        %parallel_loop3A_560 = arith.constant 0 : i32
        %parallel_loop3A_561 = arith.constant 0 : i32
        %parallel_loop3A_562 = tpu.memref_slice %arg8[%parallel_loop3A_337, %parallel_loop3A_560, %parallel_loop3A_561] : memref<5x128x128xf32, #tpu.memory_space<vmem>> -> memref<1x128x128xf32, #tpu.memory_space<vmem>>
        %parallel_loop3A_563 = tpu.memref_squeeze %parallel_loop3A_562 : memref<1x128x128xf32, #tpu.memory_space<vmem>> -> memref<128x128xf32, #tpu.memory_space<vmem>>
        %parallel_loop3A_564 = arith.index_cast %parallel_loop3A_363 : i32 to index
        %parallel_loop3A_565 = arith.constant 112 : index
        %parallel_loop3A_566 = tpu.vector_load %parallel_loop3A_563[%parallel_loop3A_564, %parallel_loop3A_565] {strides = array<i32>} : memref<128x128xf32, #tpu.memory_space<vmem>>, vector<1x16xf32>,
        %parallel_loop3A_567 = vector.shape_cast %parallel_loop3A_566 : vector<1x16xf32> to vector<16xf32>
        %parallel_loop3A_568 = vector.shape_cast %parallel_loop3A_559 : vector<16xf32> to vector<1x16xf32>
        tpu.vector_store %parallel_loop3A_563[%parallel_loop3A_564, %parallel_loop3A_565], %parallel_loop3A_568 {strides = array<i32>} : memref<128x128xf32, #tpu.memory_space<vmem>>, vector<1x16xf32>,
      } {sc.loop_unroll_factor = 2 : i64, sc.parallel_access}
      %mul3A_338 = arith.constant 128 : i32
      %mul3A_339 = arith.muli %add3A_318, %mul3A_338 : i32
      %add3A_340 = arith.addi %mul3A_2, %mul3A_339 : i32
      %dma_start3A_341 = arith.constant 4 : i32
      %dma_start3A_342 = arith.constant 0 : i32
      %dma_start3A_343 = arith.constant 0 : i32
      %dma_start3A_344 = tpu.memref_slice %arg8[%dma_start3A_341, %dma_start3A_342, %dma_start3A_343] : memref<5x128x128xf32, #tpu.memory_space<vmem>> -> memref<1x128x128xf32, #tpu.memory_space<vmem>>
      %dma_start3A_345 = tpu.memref_squeeze %dma_start3A_344 : memref<1x128x128xf32, #tpu.memory_space<vmem>> -> memref<128x128xf32, #tpu.memory_space<vmem>>
      %dma_start3A_346 = arith.constant 0 : i32
      %dma_start3A_347 = tpu.memref_slice %arg5[%add3A_340, %dma_start3A_346] : memref<204800x128xf32, #tpu.memory_space<hbm>> -> memref<128x128xf32, #tpu.memory_space<hbm>>
      %dma_start3A_348 = arith.constant 0 : i32
      %dma_start3A_349 = tpu.memref_slice %arg5[%add3A_340, %dma_start3A_348] : memref<204800x128xf32, #tpu.memory_space<hbm>> -> memref<128x128xf32, #tpu.memory_space<hbm>>
      %dma_start3A_350 = arith.constant 0 : i32
      %dma_start3A_351 = arith.constant 0 : i32
      %dma_start3A_352 = tpu.memref_slice %arg8[%dma_start3A_341, %dma_start3A_350, %dma_start3A_351] : memref<5x128x128xf32, #tpu.memory_space<vmem>> -> memref<1x128x128xf32, #tpu.memory_space<vmem>>
      %dma_start3A_353 = tpu.memref_squeeze %dma_start3A_352 : memref<1x128x128xf32, #tpu.memory_space<vmem>> -> memref<128x128xf32, #tpu.memory_space<vmem>>
      tpu.enqueue_dma source(%dma_start3A_353 : memref<128x128xf32, #tpu.memory_space<vmem>>) target(%dma_start3A_349 : memref<128x128xf32, #tpu.memory_space<hbm>>) target_semaphore(%arg18 : memref<!tpu.dma_semaphore, #tpu.memory_space<semaphore_mem>>)
      %add3A_354 = arith.constant 5 : i32
      %add3A_355 = arith.addi %add3A_318, %add3A_354 : i32
      %sub3A_356 = arith.constant 1 : i32
      %sub3A_357 = arith.subi %add3A_355, %sub3A_356 : i32
      %lt3A_358 = arith.constant 50 : i32
      %lt3A_359 = arith.cmpi slt, %sub3A_357, %lt3A_358 : i32
      %convert_element_type3A_360 = arith.extui %lt3A_359 : i1 to i32
      %cond3A_361 = arith.constant 0 : i32
      %cond3A_362 = arith.cmpi ne, %convert_element_type3A_360, %cond3A_361 : i32
      scf.if %cond3A_362 {
        %dma_wait3A_363 = arith.constant 3 : i32
        %dma_wait3A_364 = arith.constant 0 : i32
        %dma_wait3A_365 = arith.constant 0 : i32
        %dma_wait3A_366 = tpu.memref_slice %arg8[%dma_wait3A_363, %dma_wait3A_364, %dma_wait3A_365] : memref<5x128x128xf32, #tpu.memory_space<vmem>> -> memref<1x128x128xf32, #tpu.memory_space<vmem>>
        %dma_wait3A_367 = tpu.memref_squeeze %dma_wait3A_366 : memref<1x128x128xf32, #tpu.memory_space<vmem>> -> memref<128x128xf32, #tpu.memory_space<vmem>>
        %dma_wait3A_368 = arith.constant 0 : i32
        %dma_wait3A_369 = arith.constant 0 : i32
        %dma_wait3A_370 = tpu.memref_slice %arg5[%dma_wait3A_368, %dma_wait3A_369] : memref<204800x128xf32, #tpu.memory_space<hbm>> -> memref<128x128xf32, #tpu.memory_space<hbm>>
        %dma_wait3A_371 = arith.constant 0 : i32
        %dma_wait3A_372 = arith.constant 0 : i32
        %dma_wait3A_373 = tpu.memref_slice %arg5[%dma_wait3A_371, %dma_wait3A_372] : memref<204800x128xf32, #tpu.memory_space<hbm>> -> memref<128x128xf32, #tpu.memory_space<hbm>>
        %dma_wait3A_374 = arith.constant 0 : i32
        %dma_wait3A_375 = arith.constant 0 : i32
        %dma_wait3A_376 = tpu.memref_slice %arg8[%dma_wait3A_363, %dma_wait3A_374, %dma_wait3A_375] : memref<5x128x128xf32, #tpu.memory_space<vmem>> -> memref<1x128x128xf32, #tpu.memory_space<vmem>>
        %dma_wait3A_377 = tpu.memref_squeeze %dma_wait3A_376 : memref<1x128x128xf32, #tpu.memory_space<vmem>> -> memref<128x128xf32, #tpu.memory_space<vmem>>
        tpu.wait_dma2 semaphore(%arg17 : memref<!tpu.dma_semaphore, #tpu.memory_space<semaphore_mem>>) src(%dma_wait3A_377 : memref<128x128xf32, #tpu.memory_space<vmem>>) dst(%dma_wait3A_373 : memref<128x128xf32, #tpu.memory_space<hbm>>)
        %dma_start3A_378 = arith.constant 3 : i32
        %dma_start3A_379 = arith.constant 0 : i32
        %dma_start3A_380 = arith.constant 0 : i32
        %dma_start3A_381 = tpu.memref_slice %arg8[%dma_start3A_378, %dma_start3A_379, %dma_start3A_380] : memref<5x128x128xf32, #tpu.memory_space<vmem>> -> memref<1x128x128xf32, #tpu.memory_space<vmem>>
        %dma_start3A_382 = tpu.memref_squeeze %dma_start3A_381 : memref<1x128x128xf32, #tpu.memory_space<vmem>> -> memref<128x128xf32, #tpu.memory_space<vmem>>
        %dma_start3A_383 = arith.constant 0 : i32
        %dma_start3A_384 = tpu.memref_slice %arg6[%sub3A_357, %dma_start3A_383] : memref<50x128xi32, #tpu.memory_space<vmem>> -> memref<1x128xi32, #tpu.memory_space<vmem>>
        %dma_start3A_385 = tpu.memref_squeeze %dma_start3A_384 : memref<1x128xi32, #tpu.memory_space<vmem>> -> memref<128xi32, #tpu.memory_space<vmem>>
        %dma_start3A_386 = arith.constant 0 : i32
        %dma_start3A_387 = arith.constant 0 : i32
        %dma_start3A_388 = tpu.memref_slice %arg2[%dma_start3A_386, %dma_start3A_387] : memref<100000x128xf32, #tpu.memory_space<hbm>> -> memref<100000x128xf32, #tpu.memory_space<hbm>>
        tpu.enqueue_indirect_dma source(%dma_start3A_388 : memref<100000x128xf32, #tpu.memory_space<hbm>>) target(%dma_start3A_382 : memref<128x128xf32, #tpu.memory_space<vmem>>) offsets(%dma_start3A_385 : memref<128xi32, #tpu.memory_space<vmem>>) semaphore(%arg12 : memref<!tpu.dma_semaphore, #tpu.memory_space<semaphore_mem>>)
      } else {
      }
    }
    %scan3A_53 = arith.constant 10 : i32
    %dma_wait3A = arith.constant 0 : i32
    %dma_wait3A_54 = arith.constant 0 : i32
    %dma_wait3A_55 = arith.constant 0 : i32
    %dma_wait3A_56 = tpu.memref_slice %arg8[%dma_wait3A, %dma_wait3A_54, %dma_wait3A_55] : memref<5x128x128xf32, #tpu.memory_space<vmem>> -> memref<1x128x128xf32, #tpu.memory_space<vmem>>
    %dma_wait3A_57 = tpu.memref_squeeze %dma_wait3A_56 : memref<1x128x128xf32, #tpu.memory_space<vmem>> -> memref<128x128xf32, #tpu.memory_space<vmem>>
    %dma_wait3A_58 = arith.constant 0 : i32
    %dma_wait3A_59 = arith.constant 0 : i32
    %dma_wait3A_60 = tpu.memref_slice %arg5[%dma_wait3A_58, %dma_wait3A_59] : memref<204800x128xf32, #tpu.memory_space<hbm>> -> memref<128x128xf32, #tpu.memory_space<hbm>>
    %dma_wait3A_61 = arith.constant 0 : i32
    %dma_wait3A_62 = arith.constant 0 : i32
    %dma_wait3A_63 = tpu.memref_slice %arg5[%dma_wait3A_61, %dma_wait3A_62] : memref<204800x128xf32, #tpu.memory_space<hbm>> -> memref<128x128xf32, #tpu.memory_space<hbm>>
    %dma_wait3A_64 = arith.constant 0 : i32
    %dma_wait3A_65 = arith.constant 0 : i32
    %dma_wait3A_66 = tpu.memref_slice %arg8[%dma_wait3A, %dma_wait3A_64, %dma_wait3A_65] : memref<5x128x128xf32, #tpu.memory_space<vmem>> -> memref<1x128x128xf32, #tpu.memory_space<vmem>>
    %dma_wait3A_67 = tpu.memref_squeeze %dma_wait3A_66 : memref<1x128x128xf32, #tpu.memory_space<vmem>> -> memref<128x128xf32, #tpu.memory_space<vmem>>
    tpu.wait_dma2 semaphore(%arg14 : memref<!tpu.dma_semaphore, #tpu.memory_space<semaphore_mem>>) src(%dma_wait3A_67 : memref<128x128xf32, #tpu.memory_space<vmem>>) dst(%dma_wait3A_63 : memref<128x128xf32, #tpu.memory_space<hbm>>)
    %dma_wait3A_68 = arith.constant 1 : i32
    %dma_wait3A_69 = arith.constant 0 : i32
    %dma_wait3A_70 = arith.constant 0 : i32
    %dma_wait3A_71 = tpu.memref_slice %arg8[%dma_wait3A_68, %dma_wait3A_69, %dma_wait3A_70] : memref<5x128x128xf32, #tpu.memory_space<vmem>> -> memref<1x128x128xf32, #tpu.memory_space<vmem>>
    %dma_wait3A_72 = tpu.memref_squeeze %dma_wait3A_71 : memref<1x128x128xf32, #tpu.memory_space<vmem>> -> memref<128x128xf32, #tpu.memory_space<vmem>>
    %dma_wait3A_73 = arith.constant 0 : i32
    %dma_wait3A_74 = arith.constant 0 : i32
    %dma_wait3A_75 = tpu.memref_slice %arg5[%dma_wait3A_73, %dma_wait3A_74] : memref<204800x128xf32, #tpu.memory_space<hbm>> -> memref<128x128xf32, #tpu.memory_space<hbm>>
    %dma_wait3A_76 = arith.constant 0 : i32
    %dma_wait3A_77 = arith.constant 0 : i32
    %dma_wait3A_78 = tpu.memref_slice %arg5[%dma_wait3A_76, %dma_wait3A_77] : memref<204800x128xf32, #tpu.memory_space<hbm>> -> memref<128x128xf32, #tpu.memory_space<hbm>>
    %dma_wait3A_79 = arith.constant 0 : i32
    %dma_wait3A_80 = arith.constant 0 : i32
    %dma_wait3A_81 = tpu.memref_slice %arg8[%dma_wait3A_68, %dma_wait3A_79, %dma_wait3A_80] : memref<5x128x128xf32, #tpu.memory_space<vmem>> -> memref<1x128x128xf32, #tpu.memory_space<vmem>>
    %dma_wait3A_82 = tpu.memref_squeeze %dma_wait3A_81 : memref<1x128x128xf32, #tpu.memory_space<vmem>> -> memref<128x128xf32, #tpu.memory_space<vmem>>
    tpu.wait_dma2 semaphore(%arg15 : memref<!tpu.dma_semaphore, #tpu.memory_space<semaphore_mem>>) src(%dma_wait3A_82 : memref<128x128xf32, #tpu.memory_space<vmem>>) dst(%dma_wait3A_78 : memref<128x128xf32, #tpu.memory_space<hbm>>)
    %dma_wait3A_83 = arith.constant 2 : i32
    %dma_wait3A_84 = arith.constant 0 : i32
    %dma_wait3A_85 = arith.constant 0 : i32
    %dma_wait3A_86 = tpu.memref_slice %arg8[%dma_wait3A_83, %dma_wait3A_84, %dma_wait3A_85] : memref<5x128x128xf32, #tpu.memory_space<vmem>> -> memref<1x128x128xf32, #tpu.memory_space<vmem>>
    %dma_wait3A_87 = tpu.memref_squeeze %dma_wait3A_86 : memref<1x128x128xf32, #tpu.memory_space<vmem>> -> memref<128x128xf32, #tpu.memory_space<vmem>>
    %dma_wait3A_88 = arith.constant 0 : i32
    %dma_wait3A_89 = arith.constant 0 : i32
    %dma_wait3A_90 = tpu.memref_slice %arg5[%dma_wait3A_88, %dma_wait3A_89] : memref<204800x128xf32, #tpu.memory_space<hbm>> -> memref<128x128xf32, #tpu.memory_space<hbm>>
    %dma_wait3A_91 = arith.constant 0 : i32
    %dma_wait3A_92 = arith.constant 0 : i32
    %dma_wait3A_93 = tpu.memref_slice %arg5[%dma_wait3A_91, %dma_wait3A_92] : memref<204800x128xf32, #tpu.memory_space<hbm>> -> memref<128x128xf32, #tpu.memory_space<hbm>>
    %dma_wait3A_94 = arith.constant 0 : i32
    %dma_wait3A_95 = arith.constant 0 : i32
    %dma_wait3A_96 = tpu.memref_slice %arg8[%dma_wait3A_83, %dma_wait3A_94, %dma_wait3A_95] : memref<5x128x128xf32, #tpu.memory_space<vmem>> -> memref<1x128x128xf32, #tpu.memory_space<vmem>>
    %dma_wait3A_97 = tpu.memref_squeeze %dma_wait3A_96 : memref<1x128x128xf32, #tpu.memory_space<vmem>> -> memref<128x128xf32, #tpu.memory_space<vmem>>
    tpu.wait_dma2 semaphore(%arg16 : memref<!tpu.dma_semaphore, #tpu.memory_space<semaphore_mem>>) src(%dma_wait3A_97 : memref<128x128xf32, #tpu.memory_space<vmem>>) dst(%dma_wait3A_93 : memref<128x128xf32, #tpu.memory_space<hbm>>)
    %dma_wait3A_98 = arith.constant 3 : i32
    %dma_wait3A_99 = arith.constant 0 : i32
    %dma_wait3A_100 = arith.constant 0 : i32
    %dma_wait3A_101 = tpu.memref_slice %arg8[%dma_wait3A_98, %dma_wait3A_99, %dma_wait3A_100] : memref<5x128x128xf32, #tpu.memory_space<vmem>> -> memref<1x128x128xf32, #tpu.memory_space<vmem>>
    %dma_wait3A_102 = tpu.memref_squeeze %dma_wait3A_101 : memref<1x128x128xf32, #tpu.memory_space<vmem>> -> memref<128x128xf32, #tpu.memory_space<vmem>>
    %dma_wait3A_103 = arith.constant 0 : i32
    %dma_wait3A_104 = arith.constant 0 : i32
    %dma_wait3A_105 = tpu.memref_slice %arg5[%dma_wait3A_103, %dma_wait3A_104] : memref<204800x128xf32, #tpu.memory_space<hbm>> -> memref<128x128xf32, #tpu.memory_space<hbm>>
    %dma_wait3A_106 = arith.constant 0 : i32
    %dma_wait3A_107 = arith.constant 0 : i32
    %dma_wait3A_108 = tpu.memref_slice %arg5[%dma_wait3A_106, %dma_wait3A_107] : memref<204800x128xf32, #tpu.memory_space<hbm>> -> memref<128x128xf32, #tpu.memory_space<hbm>>
    %dma_wait3A_109 = arith.constant 0 : i32
    %dma_wait3A_110 = arith.constant 0 : i32
    %dma_wait3A_111 = tpu.memref_slice %arg8[%dma_wait3A_98, %dma_wait3A_109, %dma_wait3A_110] : memref<5x128x128xf32, #tpu.memory_space<vmem>> -> memref<1x128x128xf32, #tpu.memory_space<vmem>>
    %dma_wait3A_112 = tpu.memref_squeeze %dma_wait3A_111 : memref<1x128x128xf32, #tpu.memory_space<vmem>> -> memref<128x128xf32, #tpu.memory_space<vmem>>
    tpu.wait_dma2 semaphore(%arg17 : memref<!tpu.dma_semaphore, #tpu.memory_space<semaphore_mem>>) src(%dma_wait3A_112 : memref<128x128xf32, #tpu.memory_space<vmem>>) dst(%dma_wait3A_108 : memref<128x128xf32, #tpu.memory_space<hbm>>)
    %dma_wait3A_113 = arith.constant 4 : i32
    %dma_wait3A_114 = arith.constant 0 : i32
    %dma_wait3A_115 = arith.constant 0 : i32
    %dma_wait3A_116 = tpu.memref_slice %arg8[%dma_wait3A_113, %dma_wait3A_114, %dma_wait3A_115] : memref<5x128x128xf32, #tpu.memory_space<vmem>> -> memref<1x128x128xf32, #tpu.memory_space<vmem>>
    %dma_wait3A_117 = tpu.memref_squeeze %dma_wait3A_116 : memref<1x128x128xf32, #tpu.memory_space<vmem>> -> memref<128x128xf32, #tpu.memory_space<vmem>>
    %dma_wait3A_118 = arith.constant 0 : i32
    %dma_wait3A_119 = arith.constant 0 : i32
    %dma_wait3A_120 = tpu.memref_slice %arg5[%dma_wait3A_118, %dma_wait3A_119] : memref<204800x128xf32, #tpu.memory_space<hbm>> -> memref<128x128xf32, #tpu.memory_space<hbm>>
    %dma_wait3A_121 = arith.constant 0 : i32
    %dma_wait3A_122 = arith.constant 0 : i32
    %dma_wait3A_123 = tpu.memref_slice %arg5[%dma_wait3A_121, %dma_wait3A_122] : memref<204800x128xf32, #tpu.memory_space<hbm>> -> memref<128x128xf32, #tpu.memory_space<hbm>>
    %dma_wait3A_124 = arith.constant 0 : i32
    %dma_wait3A_125 = arith.constant 0 : i32
    %dma_wait3A_126 = tpu.memref_slice %arg8[%dma_wait3A_113, %dma_wait3A_124, %dma_wait3A_125] : memref<5x128x128xf32, #tpu.memory_space<vmem>> -> memref<1x128x128xf32, #tpu.memory_space<vmem>>
    %dma_wait3A_127 = tpu.memref_squeeze %dma_wait3A_126 : memref<1x128x128xf32, #tpu.memory_space<vmem>> -> memref<128x128xf32, #tpu.memory_space<vmem>>
    tpu.wait_dma2 semaphore(%arg18 : memref<!tpu.dma_semaphore, #tpu.memory_space<semaphore_mem>>) src(%dma_wait3A_127 : memref<128x128xf32, #tpu.memory_space<vmem>>) dst(%dma_wait3A_123 : memref<128x128xf32, #tpu.memory_space<hbm>>)
    return
  }
}

</mosaic_0001>

<sc_bundles>
// kernel: _embed.3.cloned.1.call-start
scs
__scs_entry_jumppad:
0x0: {  	(pc) =	sbr.rel $0x88, $3  }
0x1: {  	(tag) =	ssettag $0x0;
	lr =	simm.s32 $0x1  }
0x2: {  	[smem:$0x3F9E] =	sst lr;
	_ =	strace $0xD0000000  }
0x3: {  	_ = 	snop  }
0x4: {  	_ = 	snop  }
0x5: {  	_ = 	snop  }
0x6: {  	_ = 	snop  }
0x7: {  	_ = 	snop  }
__scs_overlays_trampoline_lowered:
0x8: {  	[smem:$0x3FAD] =	sst s0  }
0x9: {  	[smem:$0x3FAE] =	sst s1  }
0xa: {  	[smem:$0x3FAF] =	sst s2  }
0xb: {  	[smem:$0x3FB0] =	sst s3  }
0xc: {  	[smem:$0x3FB1] =	sst s4  }
0xd: {  	[smem:$0x3FB2] =	sst s5  }
0xe: {  	[smem:$0x3FB3] =	sst s6  }
0xf: {  	[smem:$0x3FB4] =	sst s7  }
0x10: {  	[smem:$0x3FB5] =	sst s8  }
0x11: {  	[smem:$0x3FB6] =	sst s9;
	s0 =	simm.s32 @!p0 $0x0  }
0x12: {  	s1 =	sld [smem:$0x3F9C];
	s0 =	simm.s32 @p0 $0x1  }
0x13: {  	[smem:$0x3FB7] =	sst s0;
	s0 =	simm.s32 @!p1 $0x0  }
0x14: {  	s2 =	sld [smem:$0x3F9B];
	s0 =	simm.s32 @p1 $0x1  }
0x15: {  	[smem:$0x3FB8] =	sst s0;
	s0 =	simm.s32 @!p2 $0x0  }
0x16: {  	s3 =	sld [smem:$0x3FDB];
	s0 =	simm.s32 @p2 $0x1  }
0x17: {  	s4 =	simm.s32 $0x1BF5;
	[smem:$0x3FBA] =	sst s0  }
0x18: {  	s0 =	sld [smem:$0x3F9D];
	_ =	swait.ge [sflag:s4], $0x0  }
0x19: {  	s7 =	sld [smem:$0x3F9E]  }
0x1a: {  	s8 =	sadd.s32 $0xFFFFE003, lr  }
0x1b: {  	s9 =	sadd.s32 $0xFFFFFEF7, lr;
	s5 =	simm.s32 $0xFFFFFFFF;
	p2 =	slt.u32 s8, $0xFFFFF086  }
0x1c: {  	p1 =	slt.u32 s9, $0xF7A;
	s5 =	simm.s32 @!p2 $0x0  }
0x1d: {  	s5 =	simm.s32 @p1 $0x1;
	p0 =	seq.s32 s7, s2  }
0x1e: {  	s7 =	smul.u32 @!p0 $0xF7A, s2;
	p2 =	seq.s32 @!p0 s5, $0x0  }
0x1f: {  	s9 =	smul.u32 $0xF7A, s1;
	s8 =	simm.s32 @!p0 $0x1BF5;
	p2 =	por !p2, p0  }
0x20: {  	[sflag:s8] =	ssyncset.s32 @!p0 $0xFFFFF086;
	s6 =	sadd.s32 @!p0 s3, s7;
	s7 =	simm.s32 @!p0 $0x108  }
0x21: {  	s3 =	sadd.s32 s3, s9;
	s6 =	sadd.s32 @!p0 $0x88, s6;
	s7 =	simm.s32 @p2 $0x1082  }
0x22: {  	[simem:s7], [sflag:s8] =	dma.local @!p0 [hbm:s6], $0xF7A  }
0x23: {  	s9 =	sor.u32 $0xD0000000, s2;
	s6 =	simm.s32 $0x108;
	_ =	swait.ge @!p0 [sflag:s8], $0x0  }
0x24: {  	s3 =	sadd.s32 $0x88, s3;
	s6 =	simm.s32 @!p1 $0x1082;
	[sflag:s4] =	ssyncset.s32 $0xFFFFF086  }
0x25: {  	[simem:s6], [sflag:s4] =	dma.local [hbm:s3], $0xF7A  }
0x26: {  	[smem:$0x3F9E] =	sst s1;
	(tag) =	ssettag s2;
	_ =	strace s9  }
0x27: {  	s1 =	sld [smem:$0x3FAE]  }
0x28: {  	s2 =	sld [smem:$0x3FAF]  }
0x29: {  	s4 =	sld [smem:$0x3FB1]  }
0x2a: {  	p0 =	seq.s32 s5, $0x0;
	s5 =	sld [smem:$0x3FB2]  }
0x2b: {  	s6 =	sld [smem:$0x3FB3]  }
0x2c: {  	s7 =	sld [smem:$0x3FB4]  }
0x2d: {  	s3 =	simm.s32 $0x108;
	s8 =	sld [smem:$0x3FB5]  }
0x2e: {  	s3 =	simm.s32 @!p0 $0x1082;
	s9 =	sld [smem:$0x3FB6]  }
0x2f: {  	lr =	sadd.s32 s0, s3;
	s0 =	sld [smem:$0x3FAD]  }
0x30: {  	s3 =	sld [smem:$0x3FB0]  }
0x31: {  	[smem:$0x3FB9] =	sst s10  }
0x32: {  	s10 =	sld [smem:$0x3FB7];
	_ =	sdelay $0x3  }
0x33: {  	p0 =	seq.s32 s10, $0x1;
	s10 =	sld [smem:$0x3FB9];
	_ =	sdelay $0x3  }
0x34: {  	[smem:$0x3FB9] =	sst s10  }
0x35: {  	s10 =	sld [smem:$0x3FB8];
	_ =	sdelay $0x3  }
0x36: {  	p1 =	seq.s32 s10, $0x1;
	s10 =	sld [smem:$0x3FB9];
	_ =	sdelay $0x3  }
0x37: {  	[smem:$0x3FB9] =	sst s10  }
0x38: {  	s10 =	sld [smem:$0x3FBA]  }
0x39: {  	_ = 	snop;
	(pc) =	sbr.ind lr, $3  }
0x3a: {  	_ = 	snop  }
0x3b: {  	_ = 	snop  }
0x3c: {  	p2 =	seq.s32 s10, $0x1;
	s10 =	sld [smem:$0x3FB9]  }
0x3d: {  	_ =	shalt  }
0x3e: {  	_ =	shalt  }
0x3f: {  	_ =	shalt  }
0x40: {  	_ =	shalt  }
0x41: {  	_ =	shalt  }
0x42: {  	_ =	shalt  }
0x43: {  	_ =	shalt  }
0x44: {  	_ =	shalt  }
0x45: {  	_ =	shalt  }
0x46: {  	_ =	shalt  }
0x47: {  	_ =	shalt  }
0x48: {  	_ =	shalt  }
0x49: {  	_ =	shalt  }
0x4a: {  	_ =	shalt  }
0x4b: {  	_ =	shalt  }
0x4c: {  	_ =	shalt  }
0x4d: {  	_ =	shalt  }
0x4e: {  	_ =	shalt  }
0x4f: {  	_ =	shalt  }
0x50: {  	_ =	shalt  }
0x51: {  	_ =	shalt  }
0x52: {  	_ =	shalt  }
0x53: {  	_ =	shalt  }
0x54: {  	_ =	shalt  }
0x55: {  	_ =	shalt  }
0x56: {  	_ =	shalt  }
0x57: {  	_ =	shalt  }
0x58: {  	_ =	shalt  }
0x59: {  	_ =	shalt  }
0x5a: {  	_ =	shalt  }
0x5b: {  	_ =	shalt  }
0x5c: {  	_ =	shalt  }
0x5d: {  	_ =	shalt  }
0x5e: {  	_ =	shalt  }
0x5f: {  	_ =	shalt  }
0x60: {  	_ =	shalt  }
0x61: {  	_ =	shalt  }
0x62: {  	_ =	shalt  }
0x63: {  	_ =	shalt  }
0x64: {  	_ =	shalt  }
0x65: {  	_ =	shalt  }
0x66: {  	_ =	shalt  }
0x67: {  	_ =	shalt  }
0x68: {  	_ =	shalt  }
0x69: {  	_ =	shalt  }
0x6a: {  	_ =	shalt  }
0x6b: {  	_ =	shalt  }
0x6c: {  	_ =	shalt  }
0x6d: {  	_ =	shalt  }
0x6e: {  	_ =	shalt  }
0x6f: {  	_ =	shalt  }
0x70: {  	_ =	shalt  }
0x71: {  	_ =	shalt  }
0x72: {  	_ =	shalt  }
0x73: {  	_ =	shalt  }
0x74: {  	_ =	shalt  }
0x75: {  	_ =	shalt  }
0x76: {  	_ =	shalt  }
0x77: {  	_ =	shalt  }
0x78: {  	_ =	shalt  }
0x79: {  	_ =	shalt  }
0x7a: {  	_ =	shalt  }
0x7b: {  	_ =	shalt  }
0x7c: {  	_ =	shalt  }
0x7d: {  	_ =	shalt  }
0x7e: {  	_ =	shalt  }
0x7f: {  	_ =	shalt  }
0x80: {  	_ =	shalt  }
0x81: {  	_ =	shalt  }
0x82: {  	_ =	shalt  }
0x83: {  	_ =	shalt  }
0x84: {  	_ =	shalt  }
0x85: {  	_ =	shalt  }
0x86: {  	_ =	shalt  }
0x87: {  	_ =	shalt  }
.Lfunc_end0:
.L_simem_size_0:
called_computation_lowered:
.L_overlay_start_0:
0x88: {  	s2 =	sld [smem:$0x3FD9]  }
0x89: {  	s3 =	sld [smem:$0x3FFE];
	_ =	sdelay $0x1  }
0x8a: {  	s1 =	srdreg.scid  }
0x8b: {  	s0 =	sand.u32 $0x1, s1  }
0x8c: {  	s17 =	sshll.u32 s0, $0xA;
	s2 =	sadd.s32 s3, s2  }
0x8d: {  	s2 =	sadd.s32 s2, s17  }
0x8e: {  	[smem:$0x3FC5] =	sst s2  }
0x8f: {  	_ = 	snop  }
0x90: {  	s2 =	sld [smem:$0x3FC9]  }
0x91: {  	s18 =	sld [smem:$0x3FC7]  }
0x92: {  	s4 =	sld [smem:$0x3FD0];
	(tm) =	ssettm $0x1  }
0x93: {  	s5 =	sld [smem:$0x3FFB];
	_ =	sdelay $0x3  }
0x94: {  	_ =	strace s5  }
0x95: {  	s5 =	sld [smem:$0x3FFC];
	_ =	sdelay $0x3  }
0x96: {  	_ =	strace s5  }
0x97: {  	s5 =	sld [smem:$0x3FFD];
	_ =	sdelay $0x3  }
0x98: {  	_ =	strace s5  }
0x99: {  	_ =	strace $0x8FFFFFFF  }
0x9a: {  	s19 =	sld [smem:$0x3FDB];
	_ =	sdelay $0x1  }
0x9b: {  	s6 =	simm.s32 $_scs_section_size  }
0x9c: {  	s7 =	simm.s32 $_size__tile_overlayer_lowered;
	s8 =	simm.s32 $_tile_overlayer_lowered  }
0x9d: {  	s22 =	simm.s32 $0x1BFF;
	s21 =	sshll.u32 s8, $0x1;
	s5 =	sadd.s32 s6, s19  }
0x9e: {  	s9 =	simm.s32 $0x0;
	s20 =	sshll.u32 s7, $0x1;
	s7 =	sadd.s32 s21, s5  }
0x9f: {  	[timem:s9], [sflag:s22] =	dma.local [hbm:s7], s20  }
0xa0: {  	_ =	swait.ge [sflag:s22], s20  }
0xa1: {  	s6 =	ssub.s32 $0x0, s20;
	[sflag:s22] =	ssyncset.done $0x0  }
0xa2: {  	[sflag:s22] =	ssyncadd.s32 s6;
	_ =	sdelay $0x1  }
0xa3: {  	s23 =	simm.s32 $0x1B8B  }
0xa4: {  	_ =	swait.ge [sflag:s23], $0x1  }
0xa5: {  	[sflag:s23] =	ssyncset.done $0x0  }
0xa6: {  	s25 =	simm.s32 $0x1B8E;
	s24 =	sld [smem:$0x3FFE];
	[sflag:s23] =	ssyncadd.s32 $0xFFFFFFFF  }
0xa7: {  	s26 =	simm.s32 $execute0_lowered;
	[smem:$0x3FD2] =	sst s25  }
0xa8: {  	s7 =	sshll.u32 s26, $0x1;
	_ =	strace $0x80000046;
	[dreg:$0x1] =	wrdreg $0xFFFFFFFF  }
0xa9: {  	s28 =	simm.s32 $_size_execute0_lowered;
	s5 =	sadd.s32 s5, s7;
	[dreg:$0x0] =	wrdreg $0x0  }
0xaa: {  	s7 =	sshll.u32 s28, $0x1;
	[dreg:$0x2] =	wrdreg s5  }
0xab: {  	[dreg:$0x3] =	wrdreg s7  }
0xac: {  	[dreg:$0x4] =	wrdreg $0xC0  }
0xad: {  	_ =	task [dreg:s9], $0x5FFFF  }
0xae: {  	[dreg:$0x1] =	wrdreg $0xFFFFFFFF  }
0xaf: {  	[dreg:$0x0] =	wrdreg $0x60  }
0xb0: {  	[dreg:$0x2] =	wrdreg s2  }
0xb1: {  	[dreg:$0x3] =	wrdreg s24  }
0xb2: {  	[dreg:$0x4] =	wrdreg s18  }
0xb3: {  	[dreg:$0x5] =	wrdreg s4  }
0xb4: {  	[dreg:$0x6] =	wrdreg $0x9  }
0xb5: {  	_ =	task.clear_ibuf [dreg:s9], $0x7FFFF;
	_ =	strace $0x90000046  }
0xb6: {  	s29 =	simm.s32 $0x9;
	_ =	strace $0x80000048  }
0xb7: {  	_ =	swait.ge [sflag:s29], $0x1  }
0xb8: {  	[sflag:s29] =	ssyncadd.s32 $0xFFFFFFFF  }
0xb9: {  	_ =	strace $0x90000048  }
0xba: {  	_ =	sfence  }
0xbb: {  	s30 =	sld [smem:$0x0];
	_ =	sdelay $0x2  }
0xbc: {  	s31 =	sshll.u32 s1, $0xD;
	s1 =	sshrl.u32 s1, $0x2  }
0xbd: {  	s3 =	sand.u32 $0x4000, s31;
	s1 =	sadd.s32 s1, s30  }
0xbe: {  	s0 =	sor.u32 s3, s0;
	s1 =	sshll.u32 s1, $0x11  }
0xbf: {  	s0 =	sor.u32 s1, s0  }
0xc0: {  	s0 =	sadd.s32 $0x8F2B, s0  }
0xc1: {  	[sflag:s0] =	ssyncadd.remote.s32 $0x1  }
0xc2: {  	_ =	sfence.sel $0xFFFF  }
0xc3: {  	[dreg:$0x0] =	wrdreg $0xFFFFFFFF;
	(pc) =	sbr.abs _section_cstart, $3  }
0xc4: {  	[dreg:$0x1] =	wrdreg $0xFFFFFFFF  }
0xc5: {  	_ =	task.clear_ibuf [dreg:s9], $0x2FFFF;
	_ =	strace $0x9FFFFFFF  }
0xc6: {  	(tm) =	ssettm $0x7FFFFFFF  }
0xc7: {  	_ =	shalt  }
tec
execute0_lowered:
.L_overlay_start_1:
0x0: {  	(tag) =	ssettag $0x1  }
0x1: {  	s1 =	rddreg [dreg:$0x0]  }
0x2: {  	s2 =	srdreg.scid;
	s3 =	stileid.u32  }
0x3: {  	s0 =	rddreg [dreg:$0x1];
	s2 =	sand.u32 $0x1, s2;
	s3 =	sshll.u32 s3, $0x1  }
0x4: {  	s4 =	rddreg [dreg:$0x3];
	s3 =	sor.u32 s2, s3  }
0x5: {  	s5 =	simm.s32 $0x0;
	s22 =	simm.s32 $0x14000;
	s6 =	smul.u32 $0x380, s3  }
0x6: {  	s30 =	simm.s32 $0x80;
	s2 =	ssub.s32 $0x2, s2;
	s7 =	smul.u32 $0x1900, s3  }
.Ltmp0:
0x7: {  	[smem:$0x7FF] =	sst s5;
	s29 =	sshrl.u32 s2, $0x1;
	(pc) =	sbr.rel .LBB2_1-.Ltmp0, $4  }
0x8: {  	s23 =	simm.s32 $0x5;
	_ =	strace $0x80000047;
	s2 =	ssub.s32 s2, s29  }
0x9: {  	s0 =	sadd.s32 s6, s0;
	[dreg:$0x5] =	wrdreg s7;
	s31 =	smax.u32 s2, $0x1  }
0xa: {  	s28 =	simm.s32 $0x9;
	s0 =	sadd.s32 $0x400, s0;
	[dreg:$0x7] =	wrdreg s31  }
0xb: {  	s8 =	smul.u32 $0xC8000, s3;
	s3 =	simm.s32 $0x0;
	[dreg:$0x6] =	wrdreg s0  }
.LBB2_14:
0xc: {  	s0 =	simm.s32 $0x6  }
0xd: {  	_ =	swait.ge [sflag:s0], $0x4000  }
0xe: {  	[sflag:s0] =	ssyncset.done $0x0  }
0xf: {  	s26 =	simm.s32 $0x7;
	[sflag:s0] =	ssyncadd.s32 $0xFFFFC000  }
0x10: {  	_ =	swait.ge [sflag:s26], $0x4000  }
0x11: {  	[sflag:s26] =	ssyncset.done $0x0  }
0x12: {  	s29 =	simm.s32 $0x8;
	[sflag:s26] =	ssyncadd.s32 $0xFFFFC000  }
0x13: {  	_ =	swait.ge [sflag:s29], $0x4000  }
0x14: {  	[sflag:s29] =	ssyncset.done $0x0  }
0x15: {  	[sflag:s29] =	ssyncadd.s32 $0xFFFFC000  }
0x16: {  	_ =	swait.ge [sflag:s28], $0x4000  }
0x17: {  	[sflag:s28] =	ssyncset.done $0x0  }
0x18: {  	s2 =	simm.s32 $0xA;
	[sflag:s28] =	ssyncadd.s32 $0xFFFFC000  }
0x19: {  	_ =	swait.ge [sflag:s2], $0x4000  }
0x1a: {  	s3 =	rddreg [dreg:$0x8]  }
0x1b: {  	s31 =	rddreg [dreg:$0x7];
	s3 =	sadd.s32 $0x1, s3  }
0x1c: {  	p0 =	sne.s32 s3, s31  }
.Ltmp1:
0x1d: {  	_ = 	snop;
	(pc) =	sbr.rel @!p0 .LBB2_15-.Ltmp1, $3  }
0x1e: {  	_ =	sdelay $0x1  }
0x1f: {  	[sflag:s2] =	ssyncset.done $0x0  }
0x20: {  	[sflag:s2] =	ssyncadd.s32 $0xFFFFC000  }
.LBB2_1:
0x21: {  	[dreg:$0x8] =	wrdreg s3  }
0x22: {  	s0 =	rddreg [dreg:$0x6];
	s21 =	simm.s32 $0xC  }
0x23: {  	[tilespmem:s5], [sflag:$0xC] =	stream.linear.gather [hbm4b:s0+s5], $0x1900, $0x38;
	[tilespmem:$0x1C000] =	vst v63  }
0x24: {  	_ =	swait.ge [sflag:s21], $0x1900  }
0x25: {  	[sflag:s21] =	ssyncset.done $0x0  }
0x26: {  	[sflag:s21] =	ssyncadd.s32 $0xFFFFE700  }
0x27: {  	s2 =	simm.s32 $0x1C00;
	s0 =	rddreg [dreg:$0x2]  }
0x28: {  	[tilespmem:s2], [sflag:$0xB] =	stream.linear.gather [hbm4b:s0+s5], $0x6400, $0x38;
	[tilespmem:$0x1C000] =	vst v63  }
0x29: {  	s24 =	simm.s32 $0x8000  }
0x2a: {  	[tilespmem:s24], [sflag:$0x1] =	stream.indirect.gather [hbm4b:s1+s30], $0x80, s5, s30, $0xb8;
	[tilespmem:$0x1C000] =	vst v63  }
0x2b: {  	s25 =	simm.s32 $0xC000;
	s31 =	simm.s32 $0x100  }
0x2c: {  	[tilespmem:s25], [sflag:$0x2] =	stream.indirect.gather [hbm4b:s1+s30], $0x80, s30, s30, $0xb8;
	[tilespmem:$0x1C000] =	vst v63  }
0x2d: {  	s26 =	simm.s32 $0x10000;
	s29 =	simm.s32 $0xB;
	s3 =	simm.s32 $0x5C00  }
0x2e: {  	[tilespmem:s26], [sflag:$0x3] =	stream.indirect.gather [hbm4b:s1+s30], $0x80, s31, s30, $0xb8;
	[tilespmem:$0x1C000] =	vst v63  }
0x2f: {  	s11 =	simm.s32 $0x9C00;
	s7 =	simm.s32 $0xDC00;
	s2 =	simm.s32 $0x180  }
0x30: {  	[tilespmem:s22], [sflag:$0x4] =	stream.indirect.gather [hbm4b:s1+s30], $0x80, s2, s30, $0xb8;
	[tilespmem:$0x1C000] =	vst v63  }
0x31: {  	s9 =	simm.s32 $0x11C00;
	s10 =	simm.s32 $0x200;
	_ =	swait.ge [sflag:s29], $0x6400  }
0x32: {  	s16 =	simm.s32 $0x80;
	s0 =	simm.s32 $0x1C80;
	[sflag:s29] =	ssyncset.done $0x0  }
0x33: {  	s24 =	simm.s32 $0x0;
	s25 =	simm.s32 $0x0;
	[sflag:s29] =	ssyncadd.s32 $0xFFFF9C00  }
.LBB2_2:
0x34: {  	s6 =	smulhi.u32 $0x51EB851F, s24  }
0x35: {  	s12 =	simm.s32 $0x1  }
0x36: {  	_ =	swait.ge [sflag:s12], $0x4000;
	s6 =	sshrl.u32 s6, $0x6  }
0x37: {  	[sflag:s12] =	ssyncset.done $0x0;
	s6 =	smul.u32 $0xFFFE7000, s6  }
0x38: {  	[sflag:s12] =	ssyncadd.s32 $0xFFFFC000;
	s12 =	simm.s32 $0x8080  }
0x39: {  	v0 =	vld [tilespmem:s12+$0x0];
	s6 =	sshra.s32 s6, $0x2  }
0x3a: {  	v2 =	vld [tilespmem:s12+$0xFFFFFF80];
	s13 =	sadd.s32 s6, s0  }
0x3b: {  	v1 =	vld [tilespmem:s13+$0x0];
	_ =	sdelay $0x1  }
0x3c: {  	v3 =	vld [tilespmem:s13+$0xFFFFFF80]  }
0x3d: {  	v0 =	vmul.f32 $1.131370830e+01, v0;
	_ =	sdelay $0x1  }
0x3e: {  	v2 =	vmul.f32 $1.131370830e+01, v2;
	v0 =	vadd.f32 v1, v0  }
0x3f: {  	v1 =	vld [tilespmem:s12+$0x10]  }
0x40: {  	v4 =	vld [tilespmem:s12+$0xFFFFFF90];
	v2 =	vadd.f32 v3, v2;
	[tilespmem:s12+$0x0] =	vst v0  }
0x41: {  	v0 =	vld [tilespmem:s13+$0x10]  }
0x42: {  	[tilespmem:s12+$0xFFFFFF80] =	vst v2  }
0x43: {  	v2 =	vld [tilespmem:s13+$0xFFFFFF90]  }
0x44: {  	v1 =	vmul.f32 $1.131370830e+01, v1;
	_ =	sdelay $0x1  }
0x45: {  	s15 =	sadd.s32 $0x2, s24;
	v4 =	vmul.f32 $1.131370830e+01, v4;
	v0 =	vadd.f32 v0, v1  }
0x46: {  	s26 =	smulhi.u32 $0x51EB851F, s15;
	s20 =	sadd.s32 $0x2, s15;
	v1 =	vld [tilespmem:s12+$0x20]  }
0x47: {  	s15 =	smulhi.u32 $0x51EB851F, s20;
	v5 =	vld [tilespmem:s12+$0xFFFFFFA0];
	v2 =	vadd.f32 v2, v4;
	[tilespmem:s12+$0x10] =	vst v0  }
0x48: {  	v0 =	vld [tilespmem:s13+$0x20]  }
0x49: {  	v6 =	vld [tilespmem:s12+$0xFFFFFFC0];
	s15 =	sshrl.u32 s15, $0x6;
	[tilespmem:s12+$0xFFFFFF90] =	vst v2  }
0x4a: {  	s17 =	smul.u32 $0xFFFE7000, s15;
	s15 =	simm.s32 $0x8280;
	v2 =	vld [tilespmem:s13+$0xFFFFFFA0]  }
0x4b: {  	v16 =	vld [tilespmem:s15+$0xFFFFFF80];
	v1 =	vmul.f32 $1.131370830e+01, v1  }
0x4c: {  	s6 =	sshrl.u32 s26, $0x6;
	v18 =	vld [tilespmem:s15+$0xFFFFFF90]  }
0x4d: {  	v60 =	vld [tilespmem:s15+$0xFFFFFFB0];
	s6 =	smul.u32 $0xFFFE7000, s6;
	v5 =	vmul.f32 $1.131370830e+01, v5;
	v0 =	vadd.f32 v0, v1  }
0x4e: {  	s26 =	simm.s32 $0x8180;
	v1 =	vld [tilespmem:s12+$0x30]  }
0x4f: {  	s14 =	sadd.s32 $0x100, s0;
	s6 =	sshra.s32 s6, $0x2;
	v2 =	vadd.f32 v2, v5;
	v5 =	vld [tilespmem:s26+$0x0];
	[tilespmem:s12+$0x20] =	vst v0  }
0x50: {  	s6 =	sadd.s32 s6, s14;
	v7 =	vld [tilespmem:s13+$0x30]  }
0x51: {  	[tilespmem:s12+$0xFFFFFFA0] =	vst v2;
	v2 =	vld [tilespmem:s6+$0x0]  }
0x52: {  	v19 =	vld [tilespmem:s15+$0xFFFFFFD0]  }
0x53: {  	v9 =	vld [tilespmem:s26+$0xFFFFFF80];
	v8 =	vmul.f32 $1.131370830e+01, v1  }
0x54: {  	v11 =	vld [tilespmem:s6+$0xFFFFFF80];
	v5 =	vmul.f32 $1.131370830e+01, v5  }
0x55: {  	v3 =	vld [tilespmem:s12+$0xFFFFFFB0];
	v7 =	vadd.f32 v7, v8  }
0x56: {  	v2 =	vadd.f32 v2, v5;
	v5 =	vld [tilespmem:s26+$0x10]  }
0x57: {  	[tilespmem:s12+$0x30] =	vst v7;
	v7 =	vld [tilespmem:s12+$0x40]  }
0x58: {  	v8 =	vld [tilespmem:s13+$0xFFFFFFB0]  }
0x59: {  	v10 =	vld [tilespmem:s13+$0x40]  }
0x5a: {  	v12 =	vld [tilespmem:s26+$0xFFFFFF90];
	[tilespmem:s26+$0x0] =	vst v2  }
0x5b: {  	s19 =	sadd.s32 $0x100, s14;
	s17 =	sshra.s32 s17, $0x2;
	v2 =	vmul.f32 $1.131370830e+01, v9;
	v9 =	vld [tilespmem:s6+$0x10]  }
0x5c: {  	v13 =	vld [tilespmem:s26+$0xFFFFFFA0];
	s14 =	sadd.s32 s17, s19;
	v3 =	vmul.f32 $1.131370830e+01, v3;
	v7 =	vmul.f32 $1.131370830e+01, v7  }
0x5d: {  	v14 =	vld [tilespmem:s14+$0x0];
	v2 =	vadd.f32 v11, v2  }
0x5e: {  	v5 =	vmul.f32 $1.131370830e+01, v5;
	v3 =	vadd.f32 v8, v3;
	v8 =	vld [tilespmem:s26+$0x20];
	v7 =	vadd.f32 v10, v7  }
0x5f: {  	[tilespmem:s26+$0xFFFFFF80] =	vst v2;
	v10 =	vld [tilespmem:s12+$0x50]  }
0x60: {  	v2 =	vld [tilespmem:s6+$0xFFFFFF90];
	v5 =	vadd.f32 v9, v5;
	[tilespmem:s12+$0x40] =	vst v7  }
0x61: {  	v11 =	vld [tilespmem:s13+$0x50]  }
0x62: {  	v17 =	vld [tilespmem:s14+$0xFFFFFF80];
	[tilespmem:s26+$0x10] =	vst v5  }
0x63: {  	[tilespmem:s12+$0xFFFFFFB0] =	vst v3;
	v3 =	vmul.f32 $1.131370830e+01, v12;
	v5 =	vld [tilespmem:s6+$0x20]  }
0x64: {  	v4 =	vld [tilespmem:s12+$0xFFFFFFD0];
	v10 =	vmul.f32 $1.131370830e+01, v10  }
0x65: {  	v12 =	vld [tilespmem:s13+$0xFFFFFFC0];
	v2 =	vadd.f32 v2, v3  }
0x66: {  	v8 =	vmul.f32 $1.131370830e+01, v8;
	v10 =	vadd.f32 v11, v10;
	v11 =	vld [tilespmem:s12+$0x60]  }
0x67: {  	v0 =	vld [tilespmem:s12+$0xFFFFFFE0];
	[tilespmem:s26+$0xFFFFFF90] =	vst v2  }
0x68: {  	v2 =	vmul.f32 $1.131370830e+01, v6;
	v6 =	vld [tilespmem:s6+$0xFFFFFFA0];
	v5 =	vadd.f32 v5, v8  }
0x69: {  	v8 =	vld [tilespmem:s26+$0x30]  }
0x6a: {  	v1 =	vld [tilespmem:s12+$0xFFFFFFF0];
	[tilespmem:s26+$0x20] =	vst v5  }
0x6b: {  	v2 =	vadd.f32 v12, v2;
	v5 =	vmul.f32 $1.131370830e+01, v11;
	v11 =	vld [tilespmem:s6+$0x30]  }
0x6c: {  	v9 =	vld [tilespmem:s26+$0xFFFFFFC0];
	v12 =	vmul.f32 $1.131370830e+01, v13  }
0x6d: {  	v7 =	vld [tilespmem:s26+$0xFFFFFFB0];
	[tilespmem:s12+$0xFFFFFFC0] =	vst v2  }
0x6e: {  	v2 =	vld [tilespmem:s13+$0xFFFFFFD0];
	v6 =	vadd.f32 v6, v12;
	v8 =	vmul.f32 $1.131370830e+01, v8  }
0x6f: {  	v3 =	vld [tilespmem:s26+$0xFFFFFFD0];
	[tilespmem:s12+$0x50] =	vst v10  }
0x70: {  	v10 =	vld [tilespmem:s13+$0x60];
	[tilespmem:s26+$0xFFFFFFA0] =	vst v6;
	v6 =	vadd.f32 v11, v8  }
0x71: {  	v4 =	vmul.f32 $1.131370830e+01, v4;
	v11 =	vld [tilespmem:s15+$0x0]  }
0x72: {  	[tilespmem:s26+$0x30] =	vst v6;
	v6 =	vld [tilespmem:s26+$0x40]  }
0x73: {  	v13 =	vld [tilespmem:s26+$0xFFFFFFE0];
	v2 =	vadd.f32 v2, v4  }
0x74: {  	v15 =	vld [tilespmem:s6+$0x40]  }
0x75: {  	v5 =	vadd.f32 v10, v5;
	v10 =	vld [tilespmem:s12+$0x70];
	[tilespmem:s12+$0xFFFFFFD0] =	vst v2  }
0x76: {  	v2 =	vld [tilespmem:s13+$0xFFFFFFE0];
	v11 =	vmul.f32 $1.131370830e+01, v11  }
0x77: {  	[tilespmem:s12+$0x60] =	vst v5;
	v5 =	vld [tilespmem:s26+$0xFFFFFFF0];
	v6 =	vmul.f32 $1.131370830e+01, v6  }
0x78: {  	v8 =	vld [tilespmem:s6+$0xFFFFFFB0];
	v11 =	vadd.f32 v14, v11  }
0x79: {  	v6 =	vadd.f32 v15, v6;
	v15 =	vld [tilespmem:s15+$0x10]  }
0x7a: {  	v16 =	vmul.f32 $1.131370830e+01, v16;
	[tilespmem:s15+$0x0] =	vst v11;
	v11 =	vld [tilespmem:s26+$0x50]  }
0x7b: {  	v4 =	vld [tilespmem:s14+$0x10];
	[tilespmem:s26+$0x40] =	vst v6;
	v6 =	vmul.f32 $1.131370830e+01, v7  }
0x7c: {  	v7 =	vadd.f32 v17, v16;
	v59 =	vld [tilespmem:s6+$0x50]  }
0x7d: {  	v12 =	vld [tilespmem:s13+$0x70];
	v6 =	vadd.f32 v8, v6  }
0x7e: {  	v14 =	vld [tilespmem:s15+$0xFFFFFFA0];
	[tilespmem:s15+$0xFFFFFF80] =	vst v7;
	v8 =	vmul.f32 $1.131370830e+01, v15  }
0x7f: {  	v11 =	vmul.f32 $1.131370830e+01, v11;
	[tilespmem:s26+$0xFFFFFFB0] =	vst v6;
	v6 =	vld [tilespmem:s14+$0xFFFFFF90]  }
0x80: {  	v4 =	vadd.f32 v4, v8;
	v8 =	vld [tilespmem:s6+$0xFFFFFFC0]  }
0x81: {  	v15 =	vld [tilespmem:s15+$0x20];
	v11 =	vadd.f32 v59, v11  }
0x82: {  	v61 =	vmul.f32 $1.131370830e+01, v18;
	[tilespmem:s15+$0x10] =	vst v4;
	v4 =	vld [tilespmem:s26+$0x60]  }
0x83: {  	v9 =	vmul.f32 $1.131370830e+01, v9;
	v62 =	vld [tilespmem:s14+$0x20];
	[tilespmem:s26+$0x50] =	vst v11  }
0x84: {  	v10 =	vmul.f32 $1.131370830e+01, v10;
	v6 =	vadd.f32 v6, v61;
	v63 =	vld [tilespmem:s6+$0x60]  }
0x85: {  	v0 =	vmul.f32 $1.131370830e+01, v0;
	v7 =	vld [tilespmem:s15+$0xFFFFFFC0];
	v8 =	vadd.f32 v8, v9  }
0x86: {  	v20 =	vld [tilespmem:s15+$0xFFFFFFE0];
	v9 =	vmul.f32 $1.131370830e+01, v15;
	[tilespmem:s15+$0xFFFFFF90] =	vst v6;
	v6 =	vadd.f32 v12, v10  }
0x87: {  	v3 =	vmul.f32 $1.131370830e+01, v3;
	v10 =	vadd.f32 v2, v0;
	[tilespmem:s26+$0xFFFFFFC0] =	vst v8;
	v11 =	vld [tilespmem:s14+$0xFFFFFFA0];
	v4 =	vmul.f32 $1.131370830e+01, v4  }
0x88: {  	v0 =	vmul.f32 $1.131370830e+01, v1;
	v2 =	vmul.f32 $1.131370830e+01, v13;
	[tilespmem:s12+$0x70] =	vst v6;
	v6 =	vadd.f32 v62, v9;
	v9 =	vld [tilespmem:s6+$0xFFFFFFD0]  }
0x89: {  	v1 =	vmul.f32 $1.131370830e+01, v5;
	v12 =	vld [tilespmem:s15+$0x30];
	v8 =	vmul.f32 $1.131370830e+01, v14;
	[tilespmem:s12+$0xFFFFFFE0] =	vst v10;
	v14 =	vadd.f32 v63, v4  }
0x8a: {  	s18 =	smul.u32 $0x280, s25;
	v5 =	vmul.f32 $1.131370830e+01, v60;
	v4 =	vmul.f32 $1.131370830e+01, v7;
	v7 =	vld [tilespmem:s26+$0x70];
	[tilespmem:s15+$0x20] =	vst v6  }
0x8b: {  	s29 =	simm.s32 $0x8280;
	s20 =	sadd.s32 $0x2, s20;
	s17 =	simm.s32 $0x4;
	v10 =	vmul.f32 $1.131370830e+01, v19;
	v6 =	vmul.f32 $1.131370830e+01, v20;
	v13 =	vld [tilespmem:s14+$0x30];
	[tilespmem:s26+$0x60] =	vst v14  }
.LBB2_3:
0x8c: {  	s21 =	smulhi.u32 $0x51EB851F, s20;
	v8 =	vadd.f32 v11, v8;
	v11 =	vld [tilespmem:s6+$0x70]  }
0x8d: {  	s17 =	sadd.s32 $0x2, s17;
	v14 =	vld [tilespmem:s15+$0xFFFFFFF0];
	v9 =	vadd.f32 v9, v3;
	v3 =	vmov v10  }
0x8e: {  	p0 =	slt.u32 s17, $0x7E;
	s21 =	sshrl.u32 s21, $0x6;
	[tilespmem:s15+$0xFFFFFFA0] =	vst v8;
	v8 =	vmul.f32 $1.131370830e+01, v12;
	v10 =	vld [tilespmem:s13+$0xFFFFFFF0];
	s13 =	smov.u32 s6  }
0x8f: {  	s6 =	smov.u32 s14;
	s21 =	smul.u32 $0xFFFE7000, s21;
	v12 =	vld [tilespmem:s14+$0xFFFFFFB0];
	[tilespmem:s26+$0xFFFFFFD0] =	vst v9;
	v7 =	vmul.f32 $1.131370830e+01, v7  }
0x90: {  	s15 =	sadd.s32 $0x100, s15;
	v8 =	vadd.f32 v13, v8;
	v9 =	vld [tilespmem:s13+$0xFFFFFFE0]  }
0x91: {  	s19 =	sadd.s32 $0x100, s19;
	s14 =	sshra.s32 s21, $0x2;
	v13 =	vld [tilespmem:s15+$0x0];
	v7 =	vadd.f32 v11, v7  }
0x92: {  	s14 =	sadd.s32 s14, s19;
	v11 =	vmul.f32 $1.131370830e+01, v14;
	[tilespmem:s29+$0x30] =	vst v8;
	v8 =	vld [tilespmem:s29+$0x40]  }
0x93: {  	v14 =	vld [tilespmem:s14+$0x0];
	[tilespmem:s26+$0x70] =	vst v7;
	v7 =	vadd.f32 v10, v0;
	v0 =	vmov v1  }
0x94: {  	v5 =	vadd.f32 v12, v5;
	v10 =	vld [tilespmem:s6+$0x40];
	v1 =	vmov v11  }
0x95: {  	v11 =	vld [tilespmem:s15+$0xFFFFFF80];
	v9 =	vadd.f32 v9, v2;
	[tilespmem:s12+$0xFFFFFFF0] =	vst v7;
	v2 =	vmov v6;
	s12 =	smov.u32 s26;
	s26 =	smov.u32 s29;
	s29 =	smov.u32 s15  }
0x96: {  	v6 =	vld [tilespmem:s14+$0xFFFFFF80];
	v7 =	vmul.f32 $1.131370830e+01, v13;
	[tilespmem:s26+$0xFFFFFFB0] =	vst v5  }
0x97: {  	v5 =	vld [tilespmem:s15+$0xFFFFFF90];
	v8 =	vmul.f32 $1.131370830e+01, v8;
	[tilespmem:s12+$0xFFFFFFE0] =	vst v9  }
0x98: {  	v9 =	vld [tilespmem:s15+$0xFFFFFFA0];
	v7 =	vadd.f32 v14, v7  }
0x99: {  	v12 =	vld [tilespmem:s15+$0x10];
	v8 =	vadd.f32 v10, v8  }
0x9a: {  	v10 =	vmul.f32 $1.131370830e+01, v11;
	[tilespmem:s15+$0x0] =	vst v7;
	v7 =	vld [tilespmem:s26+$0x50]  }
0x9b: {  	v11 =	vld [tilespmem:s14+$0x10];
	[tilespmem:s26+$0x40] =	vst v8  }
0x9c: {  	v6 =	vadd.f32 v6, v10;
	v10 =	vmul.f32 $1.131370830e+01, v5;
	v5 =	vld [tilespmem:s6+$0x50]  }
0x9d: {  	v8 =	vmul.f32 $1.131370830e+01, v9;
	v9 =	vld [tilespmem:s15+$0xFFFFFFB0]  }
0x9e: {  	[tilespmem:s15+$0xFFFFFF80] =	vst v6;
	v6 =	vld [tilespmem:s15+$0xFFFFFFC0];
	v12 =	vmul.f32 $1.131370830e+01, v12  }
0x9f: {  	v13 =	vld [tilespmem:s14+$0xFFFFFF90];
	v7 =	vmul.f32 $1.131370830e+01, v7  }
0xa0: {  	v11 =	vadd.f32 v11, v12;
	v12 =	vld [tilespmem:s6+$0xFFFFFFC0]  }
0xa1: {  	v14 =	vld [tilespmem:s15+$0x20];
	v7 =	vadd.f32 v5, v7  }
0xa2: {  	v5 =	vmul.f32 $1.131370830e+01, v9;
	[tilespmem:s15+$0x10] =	vst v11;
	v9 =	vld [tilespmem:s26+$0x60]  }
0xa3: {  	v6 =	vmul.f32 $1.131370830e+01, v6;
	v15 =	vld [tilespmem:s14+$0x20];
	[tilespmem:s26+$0x50] =	vst v7  }
0xa4: {  	v7 =	vadd.f32 v13, v10;
	v10 =	vld [tilespmem:s6+$0x60]  }
0xa5: {  	v13 =	vld [tilespmem:s15+$0xFFFFFFD0];
	v12 =	vadd.f32 v12, v4;
	v4 =	vmov v6  }
0xa6: {  	[tilespmem:s15+$0xFFFFFF90] =	vst v7;
	v6 =	vld [tilespmem:s15+$0xFFFFFFE0];
	v7 =	vmul.f32 $1.131370830e+01, v14  }
.Ltmp2:
0xa7: {  	v11 =	vld [tilespmem:s14+$0xFFFFFFA0];
	[tilespmem:s26+$0xFFFFFFC0] =	vst v12;
	v14 =	vmul.f32 $1.131370830e+01, v9;
	(pc) =	sbr.rel @p0 .LBB2_3-.Ltmp2, $4  }
0xa8: {  	v7 =	vadd.f32 v15, v7;
	v9 =	vld [tilespmem:s6+$0xFFFFFFD0]  }
0xa9: {  	v12 =	vld [tilespmem:s15+$0x30];
	v14 =	vadd.f32 v10, v14  }
0xaa: {  	v10 =	vmul.f32 $1.131370830e+01, v13;
	[tilespmem:s15+$0x20] =	vst v7;
	v7 =	vld [tilespmem:s26+$0x70]  }
0xab: {  	s20 =	sadd.s32 $0x2, s20;
	v6 =	vmul.f32 $1.131370830e+01, v6;
	v13 =	vld [tilespmem:s14+$0x30];
	[tilespmem:s26+$0x60] =	vst v14  }
0xac: {  	v8 =	vadd.f32 v11, v8;
	_ =	sdelay $0x1  }
0xad: {  	[tilespmem:s15+$0xFFFFFFA0] =	vst v8;
	v8 =	vmul.f32 $1.131370830e+01, v12  }
0xae: {  	v12 =	vld [tilespmem:s14+$0xFFFFFFB0]  }
0xaf: {  	v8 =	vadd.f32 v13, v8;
	_ =	sdelay $0x1  }
0xb0: {  	[tilespmem:s29+$0x30] =	vst v8;
	v8 =	vld [tilespmem:s29+$0x40];
	_ =	sdelay $0x1  }
0xb1: {  	v5 =	vadd.f32 v12, v5;
	v12 =	vld [tilespmem:s14+$0x40];
	_ =	sdelay $0x1  }
0xb2: {  	v11 =	vld [tilespmem:s15+$0xFFFFFFF0];
	[tilespmem:s29+$0xFFFFFFB0] =	vst v5  }
0xb3: {  	v5 =	vld [tilespmem:s14+$0xFFFFFFC0];
	v8 =	vmul.f32 $1.131370830e+01, v8;
	_ =	sdelay $0x1  }
0xb4: {  	v8 =	vadd.f32 v12, v8  }
0xb5: {  	v12 =	vld [tilespmem:s29+$0x50]  }
0xb6: {  	[tilespmem:s29+$0x40] =	vst v8  }
0xb7: {  	v4 =	vadd.f32 v5, v4;
	v5 =	vld [tilespmem:s14+$0x50];
	_ =	sdelay $0x2  }
0xb8: {  	[tilespmem:s29+$0xFFFFFFC0] =	vst v4;
	v8 =	vmul.f32 $1.131370830e+01, v12  }
0xb9: {  	v4 =	vld [tilespmem:s14+$0xFFFFFFD0]  }
0xba: {  	v5 =	vadd.f32 v5, v8  }
0xbb: {  	v3 =	vadd.f32 v9, v3;
	v8 =	vld [tilespmem:s29+$0x60]  }
0xbc: {  	[tilespmem:s29+$0x50] =	vst v5  }
0xbd: {  	[tilespmem:s26+$0xFFFFFFD0] =	vst v3;
	v3 =	vld [tilespmem:s14+$0x60]  }
0xbe: {  	v5 =	vld [tilespmem:s6+$0xFFFFFFE0];
	v4 =	vadd.f32 v4, v10;
	_ =	sdelay $0x1  }
0xbf: {  	[tilespmem:s29+$0xFFFFFFD0] =	vst v4;
	v8 =	vmul.f32 $1.131370830e+01, v8  }
0xc0: {  	v4 =	vld [tilespmem:s14+$0xFFFFFFE0]  }
0xc1: {  	v9 =	vld [tilespmem:s6+$0x70];
	v3 =	vadd.f32 v3, v8  }
0xc2: {  	v2 =	vadd.f32 v5, v2;
	v5 =	vld [tilespmem:s29+$0x70]  }
0xc3: {  	v8 =	vld [tilespmem:s13+$0xFFFFFFF0];
	[tilespmem:s29+$0x60] =	vst v3  }
0xc4: {  	[tilespmem:s26+$0xFFFFFFE0] =	vst v2;
	v2 =	vld [tilespmem:s14+$0x70]  }
0xc5: {  	v3 =	vadd.f32 v4, v6;
	v4 =	vmul.f32 $1.131370830e+01, v7;
	_ =	sdelay $0x1  }
0xc6: {  	v6 =	vld [tilespmem:s6+$0xFFFFFFF0];
	v5 =	vmul.f32 $1.131370830e+01, v5;
	[tilespmem:s29+$0xFFFFFFE0] =	vst v3;
	v4 =	vadd.f32 v9, v4  }
0xc7: {  	v0 =	vadd.f32 v8, v0;
	v3 =	vld [tilespmem:s14+$0xFFFFFFF0]  }
0xc8: {  	[tilespmem:s26+$0x70] =	vst v4;
	v2 =	vadd.f32 v2, v5  }
0xc9: {  	[tilespmem:s12+$0xFFFFFFF0] =	vst v0  }
0xca: {  	v7 =	vmul.f32 $1.131370830e+01, v11;
	[tilespmem:s29+$0x70] =	vst v2  }
0xcb: {  	v0 =	vadd.f32 v6, v1;
	s13 =	rddreg [dreg:$0x5]  }
0xcc: {  	v1 =	vadd.f32 v3, v7;
	s6 =	sadd.s32 s13, s18  }
0xcd: {  	p0 =	seq.s32 s25, $0x0;
	[tilespmem:s26+$0xFFFFFFF0] =	vst v0;
	s6 =	sshll.u32 s6, $0x4  }
0xce: {  	s14 =	simm.s32 $0x8000;
	[tilespmem:s29+$0xFFFFFFF0] =	vst v1;
	s29 =	smul.u32 $0x5, s25;
	s6 =	sadd.s32 s4, s6  }
0xcf: {  	[hbm4b:s6+s5] =	stream.linear.scatter [tilespmem:s14], [sflag:$0x6], $0x4000, $0x38;
	[tilespmem:$0x1C000] =	vst v63  }
0xd0: {  	s17 =	simm.s32 $0x18000;
	s26 =	sadd.s32 $0x4, s29;
	s6 =	simm.s32 @!p0 $0xA  }
0xd1: {  	s15 =	smulhi.u32 $0x51EB851F, s16;
	_ =	swait.ge @!p0 [sflag:s6], $0x4000;
	s12 =	sshll.u32 @!p0 s26, $0x7  }
0xd2: {  	s18 =	simm.s32 $0x2;
	[sflag:s6] =	ssyncset.done @!p0 $0x0;
	s12 =	sand.u32 @!p0 $0x3FFFFF80, s12  }
0xd3: {  	[sflag:s6] =	ssyncadd.s32 @!p0 $0xFFFFC000;
	s12 =	simm.s32 @p0 $0x200;
	s6 =	sshrl.u32 s15, $0x6  }
0xd4: {  	[tilespmem:s17], [sflag:$0x5] =	stream.indirect.gather [hbm4b:s1+s30], $0x80, s12, s30, $0xb8;
	[tilespmem:$0x1C000] =	vst v63  }
0xd5: {  	s6 =	smul.u32 $0xFFFE7000, s6;
	_ =	swait.ge [sflag:s18], $0x4000  }
0xd6: {  	[sflag:s18] =	ssyncset.done $0x0  }
0xd7: {  	s30 =	simm.s32 $0x0;
	s6 =	sshra.s32 s6, $0x2;
	[sflag:s18] =	ssyncadd.s32 $0xFFFFC000  }
0xd8: {  	s6 =	sadd.s32 s6, s3;
	v0 =	vld [tilespmem:s30+$0xC080]  }
0xd9: {  	s12 =	sadd.s32 $0x0, s6  }
0xda: {  	v1 =	vld [tilespmem:s12+$0x80];
	_ =	sdelay $0x2  }
0xdb: {  	v2 =	vld [tilespmem:s30+$0xC000];
	v0 =	vmul.f32 $1.131370830e+01, v0;
	_ =	sdelay $0x1  }
0xdc: {  	v3 =	vld [tilespmem:s12+$0x0];
	v0 =	vadd.f32 v1, v0  }
0xdd: {  	v1 =	vld [tilespmem:s30+$0xC090]  }
0xde: {  	[tilespmem:s30+$0xC080] =	vst v0  }
0xdf: {  	v0 =	vmul.f32 $1.131370830e+01, v2;
	v2 =	vld [tilespmem:s12+$0x90];
	_ =	sdelay $0x1  }
0xe0: {  	v0 =	vadd.f32 v3, v0  }
0xe1: {  	v4 =	vld [tilespmem:s30+$0xC010];
	v1 =	vmul.f32 $1.131370830e+01, v1  }
0xe2: {  	[tilespmem:s30+$0xC000] =	vst v0  }
0xe3: {  	v0 =	vld [tilespmem:s12+$0x10];
	v1 =	vadd.f32 v2, v1  }
0xe4: {  	v2 =	vld [tilespmem:s30+$0xC0A0]  }
0xe5: {  	[tilespmem:s30+$0xC090] =	vst v1  }
0xe6: {  	v1 =	vmul.f32 $1.131370830e+01, v4;
	v4 =	vld [tilespmem:s12+$0xA0];
	_ =	sdelay $0x1  }
0xe7: {  	v0 =	vadd.f32 v0, v1  }
0xe8: {  	s19 =	sadd.s32 $0x2, s16;
	v1 =	vmul.f32 $1.131370830e+01, v2  }
0xe9: {  	s20 =	smulhi.u32 $0x51EB851F, s19;
	v5 =	vld [tilespmem:s30+$0xC020];
	[tilespmem:s30+$0xC010] =	vst v0  }
0xea: {  	v2 =	vld [tilespmem:s12+$0x20];
	v0 =	vadd.f32 v4, v1  }
0xeb: {  	s13 =	sshrl.u32 s20, $0x6;
	v1 =	vld [tilespmem:s30+$0xC0B0]  }
0xec: {  	s13 =	smul.u32 $0xFFFE7000, s13;
	v6 =	vld [tilespmem:s30+$0xC040];
	[tilespmem:s30+$0xC0A0] =	vst v0  }
0xed: {  	v4 =	vld [tilespmem:s12+$0xB0]  }
0xee: {  	s21 =	sshra.s32 s13, $0x2;
	v7 =	vld [tilespmem:s30+$0xC050];
	v5 =	vmul.f32 $1.131370830e+01, v5  }
0xef: {  	s13 =	simm.s32 $0x100;
	s14 =	sadd.s32 s21, s3;
	v8 =	vld [tilespmem:s30+$0xC0C0]  }
0xf0: {  	s14 =	sadd.s32 $0x100, s14;
	v9 =	vld [tilespmem:s13+$0xC000];
	v2 =	vadd.f32 v2, v5;
	v5 =	vmul.f32 $1.131370830e+01, v1  }
0xf1: {  	v11 =	vld [tilespmem:s14+$0x0]  }
0xf2: {  	[tilespmem:s30+$0xC020] =	vst v2;
	v2 =	vadd.f32 v4, v5;
	v4 =	vld [tilespmem:s13+$0xC080]  }
0xf3: {  	v12 =	vld [tilespmem:s13+$0xC010]  }
0xf4: {  	s20 =	sadd.s32 $0x2, s19;
	[tilespmem:s30+$0xC0B0] =	vst v2;
	v2 =	vld [tilespmem:s14+$0x80]  }
0xf5: {  	v13 =	vld [tilespmem:s13+$0xC020];
	s6 =	smulhi.u32 $0x51EB851F, s20  }
0xf6: {  	v3 =	vld [tilespmem:s30+$0xC030]  }
0xf7: {  	s6 =	sshrl.u32 s6, $0x6;
	v10 =	vld [tilespmem:s12+$0xC0];
	v4 =	vmul.f32 $1.131370830e+01, v4  }
0xf8: {  	v19 =	vld [tilespmem:s13+$0xC0E0];
	s6 =	smul.u32 $0xFFFE7000, s6  }
0xf9: {  	v5 =	vld [tilespmem:s12+$0x30];
	v2 =	vadd.f32 v2, v4  }
0xfa: {  	s22 =	sshra.s32 s6, $0x2;
	s6 =	simm.s32 $0x200;
	v4 =	vmul.f32 $1.131370830e+01, v8;
	v8 =	vld [tilespmem:s13+$0xC090]  }
0xfb: {  	v9 =	vmul.f32 $1.131370830e+01, v9;
	v14 =	vld [tilespmem:s6+$0xC000];
	[tilespmem:s13+$0xC080] =	vst v2  }
0xfc: {  	v2 =	vmul.f32 $1.131370830e+01, v3;
	v3 =	vadd.f32 v10, v4;
	v4 =	vld [tilespmem:s14+$0x90]  }
0xfd: {  	s15 =	sadd.s32 s22, s3;
	v9 =	vadd.f32 v11, v9;
	v10 =	vld [tilespmem:s30+$0xC0D0]  }
0xfe: {  	v17 =	vld [tilespmem:s6+$0xC010];
	s15 =	sadd.s32 $0x200, s15;
	v2 =	vadd.f32 v5, v2  }
0xff: {  	v16 =	vld [tilespmem:s15+$0x0];
	[tilespmem:s13+$0xC000] =	vst v9;
	v8 =	vmul.f32 $1.131370830e+01, v8  }
0x100: {  	[tilespmem:s30+$0xC030] =	vst v2;
	v2 =	vld [tilespmem:s14+$0x10]  }
0x101: {  	v4 =	vadd.f32 v4, v8;
	v8 =	vld [tilespmem:s12+$0x40]  }
0x102: {  	v14 =	vmul.f32 $1.131370830e+01, v14;
	v9 =	vmul.f32 $1.131370830e+01, v10;
	v10 =	vld [tilespmem:s13+$0xC0A0]  }
0x103: {  	v18 =	vld [tilespmem:s6+$0xC020];
	v11 =	vmul.f32 $1.131370830e+01, v12;
	[tilespmem:s13+$0xC090] =	vst v4  }
0x104: {  	v14 =	vadd.f32 v16, v14;
	v4 =	vmul.f32 $1.131370830e+01, v6;
	v6 =	vld [tilespmem:s14+$0xA0]  }
0x105: {  	v62 =	vld [tilespmem:s6+$0xC040];
	v2 =	vadd.f32 v2, v11  }
0x106: {  	v63 =	vld [tilespmem:s6+$0xC0A0];
	[tilespmem:s6+$0xC000] =	vst v14;
	v4 =	vadd.f32 v8, v4  }
0x107: {  	v12 =	vld [tilespmem:s13+$0xC040];
	[tilespmem:s13+$0xC010] =	vst v2;
	v2 =	vmul.f32 $1.131370830e+01, v10  }
0x108: {  	v14 =	vld [tilespmem:s15+$0x10];
	[tilespmem:s30+$0xC040] =	vst v4  }
0x109: {  	v2 =	vadd.f32 v6, v2;
	v4 =	vld [tilespmem:s12+$0x50]  }
0x10a: {  	[tilespmem:s30+$0xC0C0] =	vst v3;
	v6 =	vld [tilespmem:s13+$0xC0B0]  }
0x10b: {  	v5 =	vld [tilespmem:s12+$0xD0];
	[tilespmem:s13+$0xC0A0] =	vst v2  }
0x10c: {  	v11 =	vld [tilespmem:s14+$0xB0]  }
0x10d: {  	v7 =	vmul.f32 $1.131370830e+01, v7;
	v0 =	vld [tilespmem:s30+$0xC060]  }
0x10e: {  	v1 =	vld [tilespmem:s30+$0xC070]  }
0x10f: {  	v3 =	vld [tilespmem:s13+$0xC030];
	v4 =	vadd.f32 v4, v7;
	v6 =	vmul.f32 $1.131370830e+01, v6  }
0x110: {  	v10 =	vld [tilespmem:s14+$0x20]  }
0x111: {  	v5 =	vadd.f32 v5, v9;
	v9 =	vld [tilespmem:s30+$0xC0E0];
	[tilespmem:s30+$0xC050] =	vst v4;
	v4 =	vadd.f32 v11, v6  }
0x112: {  	v6 =	vld [tilespmem:s6+$0xC080]  }
0x113: {  	v2 =	vmul.f32 $1.131370830e+01, v13;
	[tilespmem:s13+$0xC0B0] =	vst v4;
	v4 =	vld [tilespmem:s13+$0xC0C0]  }
0x114: {  	v11 =	vld [tilespmem:s15+$0x80]  }
0x115: {  	v2 =	vadd.f32 v10, v2;
	v15 =	vld [tilespmem:s14+$0xC0]  }
0x116: {  	[tilespmem:s30+$0xC0D0] =	vst v5;
	v5 =	vld [tilespmem:s13+$0xC050]  }
0x117: {  	v8 =	vld [tilespmem:s12+$0xE0];
	[tilespmem:s13+$0xC020] =	vst v2;
	v6 =	vmul.f32 $1.131370830e+01, v6  }
0x118: {  	v2 =	vld [tilespmem:s14+$0x30];
	v4 =	vmul.f32 $1.131370830e+01, v4  }
0x119: {  	v13 =	vld [tilespmem:s13+$0xC060];
	v6 =	vadd.f32 v11, v6  }
0x11a: {  	v11 =	vld [tilespmem:s6+$0xC090];
	v4 =	vadd.f32 v15, v4  }
0x11b: {  	v3 =	vmul.f32 $1.131370830e+01, v3;
	v9 =	vmul.f32 $1.131370830e+01, v9;
	[tilespmem:s6+$0xC080] =	vst v6;
	v6 =	vld [tilespmem:s13+$0xC0D0]  }
0x11c: {  	v15 =	vld [tilespmem:s15+$0x90];
	[tilespmem:s13+$0xC0C0] =	vst v4  }
0x11d: {  	v8 =	vadd.f32 v8, v9;
	v2 =	vadd.f32 v2, v3;
	v3 =	vld [tilespmem:s14+$0xD0]  }
0x11e: {  	v9 =	vld [tilespmem:s30+$0xC0F0]  }
0x11f: {  	[tilespmem:s30+$0xC0E0] =	vst v8;
	v8 =	vld [tilespmem:s13+$0xC070];
	v11 =	vmul.f32 $1.131370830e+01, v11  }
0x120: {  	v7 =	vld [tilespmem:s12+$0xF0];
	[tilespmem:s13+$0xC030] =	vst v2;
	v2 =	vmul.f32 $1.131370830e+01, v6  }
0x121: {  	v6 =	vadd.f32 v15, v11;
	v11 =	vld [tilespmem:s14+$0x40]  }
0x122: {  	v10 =	vld [tilespmem:s12+$0x60];
	v15 =	vmul.f32 $1.131370830e+01, v17;
	v2 =	vadd.f32 v3, v2  }
0x123: {  	v4 =	vld [tilespmem:s6+$0xC030];
	[tilespmem:s6+$0xC090] =	vst v6  }
0x124: {  	v3 =	vmul.f32 $1.131370830e+01, v12;
	v6 =	vadd.f32 v14, v15;
	v14 =	vld [tilespmem:s15+$0xA0];
	[tilespmem:s13+$0xC0D0] =	vst v2  }
0x125: {  	v9 =	vmul.f32 $1.131370830e+01, v9;
	v20 =	vld [tilespmem:s14+$0xE0]  }
0x126: {  	v15 =	vld [tilespmem:s6+$0xC050];
	v2 =	vmul.f32 $1.131370830e+01, v0;
	v11 =	vadd.f32 v11, v3  }
0x127: {  	[tilespmem:s6+$0xC010] =	vst v6;
	v0 =	vmul.f32 $1.131370830e+01, v1;
	v1 =	vadd.f32 v7, v9;
	v6 =	vld [tilespmem:s6+$0xC060];
	v7 =	vmul.f32 $1.131370830e+01, v63  }
0x128: {  	v3 =	vmul.f32 $1.131370830e+01, v5;
	v12 =	vld [tilespmem:s15+$0x20];
	v10 =	vadd.f32 v10, v2;
	[tilespmem:s13+$0xC040] =	vst v11;
	v11 =	vmul.f32 $1.131370830e+01, v19  }
0x129: {  	v5 =	vmul.f32 $1.131370830e+01, v4;
	v4 =	vmul.f32 $1.131370830e+01, v62;
	[tilespmem:s30+$0xC0F0] =	vst v1;
	v7 =	vadd.f32 v14, v7;
	v9 =	vld [tilespmem:s14+$0x50]  }
0x12a: {  	s19 =	sadd.s32 $0x1, s29;
	v2 =	vmul.f32 $1.131370830e+01, v13;
	v1 =	vmul.f32 $1.131370830e+01, v8;
	v13 =	vld [tilespmem:s6+$0xC0B0];
	[tilespmem:s30+$0xC060] =	vst v10;
	v10 =	vadd.f32 v20, v11  }
0x12b: {  	s17 =	simm.s32 $0x800;
	s18 =	simm.s32 $0x4;
	s20 =	sadd.s32 $0x2, s20;
	v8 =	vmul.f32 $1.131370830e+01, v18;
	v11 =	vmul.f32 $1.131370830e+01, v15;
	[tilespmem:s6+$0xC0A0] =	vst v7;
	v7 =	vld [tilespmem:s13+$0xC0F0]  }
.LBB2_5:
0x12c: {  	s21 =	smulhi.u32 $0x51EB851F, s20;
	v6 =	vmul.f32 $1.131370830e+01, v6;
	v14 =	vld [tilespmem:s15+$0xB0];
	[tilespmem:s13+$0xC0E0] =	vst v10  }
0x12d: {  	s18 =	sadd.s32 $0x2, s18;
	v8 =	vadd.f32 v12, v8;
	v10 =	vld [tilespmem:s14+$0xF0]  }
0x12e: {  	p0 =	slt.u32 s18, $0x7E;
	s21 =	sshrl.u32 s21, $0x6;
	v12 =	vld [tilespmem:s6+$0xC070];
	v9 =	vadd.f32 v9, v3;
	v3 =	vmov v11  }
0x12f: {  	s21 =	smul.u32 $0xFFFE7000, s21;
	[tilespmem:s6+$0xC020] =	vst v8;
	v8 =	vmul.f32 $1.131370830e+01, v13;
	v11 =	vld [tilespmem:s12+$0x70];
	s12 =	smov.u32 s14;
	s14 =	smov.u32 s15  }
0x130: {  	s17 =	sadd.s32 $0x400, s17;
	v13 =	vld [tilespmem:s14+$0x30];
	[tilespmem:s13+$0xC050] =	vst v9;
	v7 =	vmul.f32 $1.131370830e+01, v7  }
0x131: {  	s15 =	sshra.s32 s21, $0x2;
	s21 =	sshra.s32 s17, $0x2;
	v8 =	vadd.f32 v14, v8;
	v9 =	vld [tilespmem:s12+$0x60]  }
0x132: {  	s15 =	sadd.s32 s15, s3;
	v14 =	vld [tilespmem:s21+$0xC080];
	v7 =	vadd.f32 v10, v7  }
0x133: {  	s15 =	sadd.s32 s21, s15;
	v10 =	vmul.f32 $1.131370830e+01, v12;
	[tilespmem:s6+$0xC0B0] =	vst v8;
	v8 =	vld [tilespmem:s6+$0xC0C0]  }
0x134: {  	v12 =	vld [tilespmem:s15+$0x80];
	[tilespmem:s13+$0xC0F0] =	vst v7;
	v7 =	vadd.f32 v11, v0;
	v0 =	vmov v1  }
0x135: {  	v5 =	vadd.f32 v13, v5;
	v11 =	vld [tilespmem:s14+$0xC0];
	v1 =	vmov v10  }
0x136: {  	v10 =	vld [tilespmem:s21+$0xC000];
	v9 =	vadd.f32 v9, v2;
	[tilespmem:s30+$0xC070] =	vst v7;
	v2 =	vmov v6;
	s30 =	smov.u32 s13;
	s13 =	smov.u32 s6;
	s6 =	smov.u32 s21  }
0x137: {  	v6 =	vld [tilespmem:s15+$0x0];
	v7 =	vmul.f32 $1.131370830e+01, v14;
	[tilespmem:s13+$0xC030] =	vst v5  }
0x138: {  	v5 =	vld [tilespmem:s6+$0xC010];
	v8 =	vmul.f32 $1.131370830e+01, v8;
	[tilespmem:s30+$0xC060] =	vst v9  }
0x139: {  	v9 =	vld [tilespmem:s6+$0xC020];
	v7 =	vadd.f32 v12, v7  }
0x13a: {  	v12 =	vld [tilespmem:s6+$0xC090];
	v8 =	vadd.f32 v11, v8  }
0x13b: {  	v10 =	vmul.f32 $1.131370830e+01, v10;
	[tilespmem:s6+$0xC080] =	vst v7;
	v7 =	vld [tilespmem:s13+$0xC0D0]  }
0x13c: {  	v11 =	vld [tilespmem:s15+$0x90];
	[tilespmem:s13+$0xC0C0] =	vst v8  }
0x13d: {  	v6 =	vadd.f32 v6, v10;
	v10 =	vmul.f32 $1.131370830e+01, v5;
	v5 =	vld [tilespmem:s14+$0xD0]  }
0x13e: {  	v8 =	vmul.f32 $1.131370830e+01, v9;
	v9 =	vld [tilespmem:s6+$0xC030]  }
0x13f: {  	[tilespmem:s6+$0xC000] =	vst v6;
	v6 =	vld [tilespmem:s6+$0xC040];
	v12 =	vmul.f32 $1.131370830e+01, v12  }
0x140: {  	v13 =	vld [tilespmem:s15+$0x10];
	v7 =	vmul.f32 $1.131370830e+01, v7  }
0x141: {  	v11 =	vadd.f32 v11, v12;
	v12 =	vld [tilespmem:s14+$0x40]  }
0x142: {  	v14 =	vld [tilespmem:s6+$0xC0A0];
	v7 =	vadd.f32 v5, v7  }
0x143: {  	v5 =	vmul.f32 $1.131370830e+01, v9;
	[tilespmem:s6+$0xC090] =	vst v11;
	v9 =	vld [tilespmem:s13+$0xC0E0]  }
0x144: {  	v6 =	vmul.f32 $1.131370830e+01, v6;
	v11 =	vld [tilespmem:s15+$0xA0];
	[tilespmem:s13+$0xC0D0] =	vst v7  }
0x145: {  	v7 =	vadd.f32 v13, v10;
	v10 =	vld [tilespmem:s14+$0xE0]  }
0x146: {  	v15 =	vld [tilespmem:s6+$0xC050];
	v13 =	vadd.f32 v12, v4;
	v4 =	vmov v6  }
.Ltmp3:
0x147: {  	[tilespmem:s6+$0xC010] =	vst v7;
	v6 =	vld [tilespmem:s6+$0xC060];
	v7 =	vmul.f32 $1.131370830e+01, v14;
	(pc) =	sbr.rel @p0 .LBB2_5-.Ltmp3, $4  }
0x148: {  	v12 =	vld [tilespmem:s15+$0x20];
	[tilespmem:s13+$0xC040] =	vst v13;
	v14 =	vmul.f32 $1.131370830e+01, v9  }
0x149: {  	v7 =	vadd.f32 v11, v7;
	v9 =	vld [tilespmem:s14+$0x50]  }
0x14a: {  	v13 =	vld [tilespmem:s6+$0xC0B0];
	v10 =	vadd.f32 v10, v14  }
0x14b: {  	s20 =	sadd.s32 $0x2, s20;
	v11 =	vmul.f32 $1.131370830e+01, v15;
	[tilespmem:s6+$0xC0A0] =	vst v7;
	v7 =	vld [tilespmem:s13+$0xC0F0]  }
0x14c: {  	_ = 	snop  }
0x14d: {  	v14 =	vld [tilespmem:s15+$0xB0];
	v8 =	vadd.f32 v12, v8;
	_ =	sdelay $0x1  }
0x14e: {  	[tilespmem:s6+$0xC020] =	vst v8  }
0x14f: {  	v8 =	vmul.f32 $1.131370830e+01, v13;
	v13 =	vld [tilespmem:s15+$0x30];
	_ =	sdelay $0x1  }
0x150: {  	v8 =	vadd.f32 v14, v8;
	_ =	sdelay $0x1  }
0x151: {  	[tilespmem:s6+$0xC0B0] =	vst v8;
	v8 =	vld [tilespmem:s6+$0xC0C0]  }
0x152: {  	v5 =	vadd.f32 v13, v5  }
0x153: {  	v13 =	vld [tilespmem:s15+$0xC0]  }
0x154: {  	[tilespmem:s6+$0xC030] =	vst v5  }
0x155: {  	v5 =	vld [tilespmem:s15+$0x40]  }
0x156: {  	v8 =	vmul.f32 $1.131370830e+01, v8;
	_ =	sdelay $0x1  }
0x157: {  	v8 =	vadd.f32 v13, v8  }
0x158: {  	v13 =	vld [tilespmem:s6+$0xC0D0]  }
0x159: {  	[tilespmem:s6+$0xC0C0] =	vst v8;
	v4 =	vadd.f32 v5, v4  }
0x15a: {  	v5 =	vld [tilespmem:s15+$0xD0]  }
0x15b: {  	[tilespmem:s6+$0xC040] =	vst v4  }
0x15c: {  	v4 =	vld [tilespmem:s15+$0x50]  }
0x15d: {  	v8 =	vmul.f32 $1.131370830e+01, v13;
	_ =	sdelay $0x1  }
0x15e: {  	v5 =	vadd.f32 v5, v8  }
0x15f: {  	v3 =	vadd.f32 v9, v3;
	v8 =	vld [tilespmem:s6+$0xC0E0]  }
0x160: {  	[tilespmem:s6+$0xC0D0] =	vst v5;
	v4 =	vadd.f32 v4, v11  }
0x161: {  	[tilespmem:s13+$0xC050] =	vst v3;
	v3 =	vld [tilespmem:s15+$0xE0]  }
0x162: {  	v5 =	vld [tilespmem:s14+$0x60];
	[tilespmem:s6+$0xC050] =	vst v4  }
0x163: {  	v4 =	vld [tilespmem:s15+$0x60]  }
0x164: {  	v8 =	vmul.f32 $1.131370830e+01, v8  }
0x165: {  	[tilespmem:s13+$0xC0E0] =	vst v10;
	v12 =	vld [tilespmem:s6+$0xC070]  }
0x166: {  	v6 =	vmul.f32 $1.131370830e+01, v6;
	v9 =	vld [tilespmem:s14+$0xF0];
	v3 =	vadd.f32 v3, v8  }
0x167: {  	v2 =	vadd.f32 v5, v2;
	v5 =	vld [tilespmem:s6+$0xC0F0]  }
0x168: {  	v8 =	vld [tilespmem:s12+$0x70];
	[tilespmem:s6+$0xC0E0] =	vst v3;
	v3 =	vadd.f32 v4, v6  }
0x169: {  	[tilespmem:s13+$0xC060] =	vst v2;
	v2 =	vld [tilespmem:s15+$0xF0]  }
0x16a: {  	v4 =	vmul.f32 $1.131370830e+01, v7;
	v6 =	vld [tilespmem:s14+$0x70];
	[tilespmem:s6+$0xC060] =	vst v3  }
0x16b: {  	v3 =	vld [tilespmem:s15+$0x70]  }
0x16c: {  	v5 =	vmul.f32 $1.131370830e+01, v5;
	v4 =	vadd.f32 v9, v4  }
0x16d: {  	v0 =	vadd.f32 v8, v0  }
0x16e: {  	v7 =	vmul.f32 $1.131370830e+01, v12;
	[tilespmem:s13+$0xC0F0] =	vst v4;
	v2 =	vadd.f32 v2, v5  }
0x16f: {  	s14 =	sshll.u32 s19, $0xE;
	[tilespmem:s30+$0xC070] =	vst v0;
	v0 =	vadd.f32 v6, v1  }
0x170: {  	s17 =	simm.s32 $0xC000;
	s12 =	sadd.s32 s8, s14;
	[tilespmem:s6+$0xC0F0] =	vst v2;
	v1 =	vadd.f32 v3, v7  }
0x171: {  	p0 =	seq.s32 s25, $0x9;
	s18 =	smulhi.u32 $0x51EB851F, s31;
	s12 =	sshrl.u32 s12, $0x3;
	[tilespmem:s13+$0xC070] =	vst v0  }
0x172: {  	s15 =	sadd.s32 s4, s12;
	s12 =	smul.u32 @!p0 $0xA00, s25;
	[tilespmem:s6+$0xC070] =	vst v1;
	s6 =	simm.s32 @!p0 $0x6  }
0x173: {  	[hbm4b:s15+s5] =	stream.linear.scatter [tilespmem:s17], [sflag:$0x7], $0x4000, $0x38;
	[tilespmem:$0x1C000] =	vst v63  }
0x174: {  	s20 =	simm.s32 $0x3;
	s19 =	sshrl.u32 s18, $0x6;
	_ =	swait.ge @!p0 [sflag:s6], $0x4000  }
0x175: {  	s30 =	sshra.s32 @!p0 s12, $0x2;
	s12 =	simm.s32 @!p0 $0x80;
	[sflag:s6] =	ssyncset.done @!p0 $0x0  }
0x176: {  	s13 =	simm.s32 @!p0 $0x8000;
	[sflag:s6] =	ssyncadd.s32 @!p0 $0xFFFFC000;
	s6 =	sadd.s32 @!p0 $0x280, s30  }
0x177: {  	[tilespmem:s13], [sflag:$0x1] =	stream.indirect.gather @!p0 [hbm4b:s1+s12], $0x80, s6, s12, $0xb8;
	[tilespmem:$0x1C000] =	vst v63  }
0x178: {  	s6 =	smul.u32 $0xFFFE7000, s19;
	_ =	swait.ge [sflag:s20], $0x4000  }
0x179: {  	[sflag:s20] =	ssyncset.done $0x0  }
0x17a: {  	s12 =	simm.s32 $0x0;
	s6 =	sshra.s32 s6, $0x2;
	[sflag:s20] =	ssyncadd.s32 $0xFFFFC000  }
0x17b: {  	s6 =	sadd.s32 s6, s11;
	v0 =	vld [tilespmem:s12+$0x10080]  }
0x17c: {  	s13 =	sadd.s32 $0x0, s6  }
0x17d: {  	v1 =	vld [tilespmem:s13+$0x80];
	_ =	sdelay $0x2  }
0x17e: {  	v2 =	vld [tilespmem:s12+$0x10000];
	v0 =	vmul.f32 $1.131370830e+01, v0;
	_ =	sdelay $0x1  }
0x17f: {  	v3 =	vld [tilespmem:s13+$0x0];
	v0 =	vadd.f32 v1, v0  }
0x180: {  	v1 =	vld [tilespmem:s12+$0x10090]  }
0x181: {  	[tilespmem:s12+$0x10080] =	vst v0  }
0x182: {  	v0 =	vmul.f32 $1.131370830e+01, v2;
	v2 =	vld [tilespmem:s13+$0x90];
	_ =	sdelay $0x1  }
0x183: {  	v0 =	vadd.f32 v3, v0  }
0x184: {  	v4 =	vld [tilespmem:s12+$0x10010];
	v1 =	vmul.f32 $1.131370830e+01, v1  }
0x185: {  	[tilespmem:s12+$0x10000] =	vst v0  }
0x186: {  	v0 =	vld [tilespmem:s13+$0x10];
	v1 =	vadd.f32 v2, v1  }
0x187: {  	v2 =	vld [tilespmem:s12+$0x100A0]  }
0x188: {  	[tilespmem:s12+$0x10090] =	vst v1  }
0x189: {  	v1 =	vmul.f32 $1.131370830e+01, v4;
	v4 =	vld [tilespmem:s13+$0xA0];
	_ =	sdelay $0x1  }
0x18a: {  	v0 =	vadd.f32 v0, v1  }
0x18b: {  	v1 =	vmul.f32 $1.131370830e+01, v2  }
0x18c: {  	v5 =	vld [tilespmem:s12+$0x10020];
	[tilespmem:s12+$0x10010] =	vst v0  }
0x18d: {  	v2 =	vld [tilespmem:s13+$0x20];
	v0 =	vadd.f32 v4, v1  }
0x18e: {  	s21 =	sadd.s32 $0x2, s31;
	v1 =	vld [tilespmem:s12+$0x100B0]  }
0x18f: {  	s22 =	smulhi.u32 $0x51EB851F, s21;
	v6 =	vld [tilespmem:s12+$0x10040];
	[tilespmem:s12+$0x100A0] =	vst v0  }
0x190: {  	s21 =	sadd.s32 $0x2, s21;
	v4 =	vld [tilespmem:s13+$0xB0]  }
0x191: {  	s15 =	smulhi.u32 $0x51EB851F, s21;
	v7 =	vld [tilespmem:s12+$0x10050];
	s6 =	sshrl.u32 s22, $0x6;
	v5 =	vmul.f32 $1.131370830e+01, v5  }
0x192: {  	s14 =	simm.s32 $0x100;
	v8 =	vld [tilespmem:s12+$0x100C0];
	s6 =	smul.u32 $0xFFFE7000, s6  }
0x193: {  	v9 =	vld [tilespmem:s14+$0x10000];
	v2 =	vadd.f32 v2, v5;
	v5 =	vmul.f32 $1.131370830e+01, v1  }
0x194: {  	s15 =	sshrl.u32 s15, $0x6;
	v12 =	vld [tilespmem:s14+$0x10010];
	s6 =	sshra.s32 s6, $0x2  }
0x195: {  	s15 =	smul.u32 $0xFFFE7000, s15;
	s6 =	sadd.s32 s6, s11;
	[tilespmem:s12+$0x10020] =	vst v2;
	v2 =	vadd.f32 v4, v5;
	v4 =	vld [tilespmem:s14+$0x10080]  }
0x196: {  	v13 =	vld [tilespmem:s14+$0x10020];
	s6 =	sadd.s32 $0x100, s6  }
0x197: {  	s17 =	sshra.s32 s15, $0x2;
	s15 =	simm.s32 $0x200;
	[tilespmem:s12+$0x100B0] =	vst v2;
	v2 =	vld [tilespmem:s6+$0x80]  }
0x198: {  	v14 =	vld [tilespmem:s15+$0x10000]  }
0x199: {  	v3 =	vld [tilespmem:s12+$0x10030]  }
0x19a: {  	v10 =	vld [tilespmem:s13+$0xC0];
	v4 =	vmul.f32 $1.131370830e+01, v4  }
0x19b: {  	v11 =	vld [tilespmem:s6+$0x0]  }
0x19c: {  	s17 =	sadd.s32 s17, s11;
	v5 =	vld [tilespmem:s13+$0x30];
	v2 =	vadd.f32 v2, v4  }
0x19d: {  	s19 =	sadd.s32 $0x200, s17;
	v4 =	vmul.f32 $1.131370830e+01, v8;
	v8 =	vld [tilespmem:s14+$0x10090]  }
0x19e: {  	v16 =	vld [tilespmem:s19+$0x0];
	v9 =	vmul.f32 $1.131370830e+01, v9;
	[tilespmem:s14+$0x10080] =	vst v2  }
0x19f: {  	v2 =	vmul.f32 $1.131370830e+01, v3;
	v3 =	vadd.f32 v10, v4;
	v4 =	vld [tilespmem:s6+$0x90]  }
0x1a0: {  	v9 =	vadd.f32 v11, v9;
	v10 =	vld [tilespmem:s12+$0x100D0]  }
0x1a1: {  	v17 =	vld [tilespmem:s15+$0x10010];
	v2 =	vadd.f32 v5, v2  }
0x1a2: {  	v18 =	vld [tilespmem:s15+$0x10020];
	[tilespmem:s14+$0x10000] =	vst v9;
	v8 =	vmul.f32 $1.131370830e+01, v8  }
0x1a3: {  	[tilespmem:s12+$0x10030] =	vst v2;
	v2 =	vld [tilespmem:s6+$0x10]  }
0x1a4: {  	v4 =	vadd.f32 v4, v8;
	v8 =	vld [tilespmem:s13+$0x40]  }
0x1a5: {  	v14 =	vmul.f32 $1.131370830e+01, v14;
	v9 =	vmul.f32 $1.131370830e+01, v10;
	v10 =	vld [tilespmem:s14+$0x100A0]  }
0x1a6: {  	v62 =	vld [tilespmem:s15+$0x10040];
	v11 =	vmul.f32 $1.131370830e+01, v12;
	[tilespmem:s14+$0x10090] =	vst v4  }
0x1a7: {  	v14 =	vadd.f32 v16, v14;
	v4 =	vmul.f32 $1.131370830e+01, v6;
	v6 =	vld [tilespmem:s6+$0xA0]  }
0x1a8: {  	v63 =	vld [tilespmem:s15+$0x100A0];
	v2 =	vadd.f32 v2, v11  }
0x1a9: {  	v19 =	vld [tilespmem:s14+$0x100E0];
	[tilespmem:s15+$0x10000] =	vst v14;
	v4 =	vadd.f32 v8, v4  }
0x1aa: {  	v14 =	vld [tilespmem:s19+$0x10];
	[tilespmem:s14+$0x10010] =	vst v2;
	v2 =	vmul.f32 $1.131370830e+01, v10  }
0x1ab: {  	v12 =	vld [tilespmem:s14+$0x10040];
	[tilespmem:s12+$0x10040] =	vst v4  }
0x1ac: {  	v2 =	vadd.f32 v6, v2;
	v4 =	vld [tilespmem:s13+$0x50]  }
0x1ad: {  	[tilespmem:s12+$0x100C0] =	vst v3;
	v6 =	vld [tilespmem:s14+$0x100B0]  }
0x1ae: {  	v5 =	vld [tilespmem:s13+$0xD0];
	[tilespmem:s14+$0x100A0] =	vst v2  }
0x1af: {  	v11 =	vld [tilespmem:s6+$0xB0]  }
0x1b0: {  	v7 =	vmul.f32 $1.131370830e+01, v7;
	v0 =	vld [tilespmem:s12+$0x10060]  }
0x1b1: {  	v1 =	vld [tilespmem:s12+$0x10070]  }
0x1b2: {  	v3 =	vld [tilespmem:s14+$0x10030];
	v4 =	vadd.f32 v4, v7;
	v6 =	vmul.f32 $1.131370830e+01, v6  }
0x1b3: {  	v10 =	vld [tilespmem:s6+$0x20]  }
0x1b4: {  	v5 =	vadd.f32 v5, v9;
	v9 =	vld [tilespmem:s12+$0x100E0];
	[tilespmem:s12+$0x10050] =	vst v4;
	v4 =	vadd.f32 v11, v6  }
0x1b5: {  	v6 =	vld [tilespmem:s15+$0x10080]  }
0x1b6: {  	v2 =	vmul.f32 $1.131370830e+01, v13;
	[tilespmem:s14+$0x100B0] =	vst v4;
	v4 =	vld [tilespmem:s14+$0x100C0]  }
0x1b7: {  	v11 =	vld [tilespmem:s19+$0x80]  }
0x1b8: {  	v2 =	vadd.f32 v10, v2;
	v15 =	vld [tilespmem:s6+$0xC0]  }
0x1b9: {  	[tilespmem:s12+$0x100D0] =	vst v5;
	v5 =	vld [tilespmem:s14+$0x10050]  }
0x1ba: {  	v8 =	vld [tilespmem:s13+$0xE0];
	[tilespmem:s14+$0x10020] =	vst v2;
	v6 =	vmul.f32 $1.131370830e+01, v6  }
0x1bb: {  	v2 =	vld [tilespmem:s6+$0x30];
	v4 =	vmul.f32 $1.131370830e+01, v4  }
0x1bc: {  	v13 =	vld [tilespmem:s14+$0x10060];
	v6 =	vadd.f32 v11, v6  }
0x1bd: {  	v11 =	vld [tilespmem:s15+$0x10090];
	v4 =	vadd.f32 v15, v4  }
0x1be: {  	v3 =	vmul.f32 $1.131370830e+01, v3;
	v9 =	vmul.f32 $1.131370830e+01, v9;
	[tilespmem:s15+$0x10080] =	vst v6;
	v6 =	vld [tilespmem:s14+$0x100D0]  }
0x1bf: {  	v15 =	vld [tilespmem:s19+$0x90];
	[tilespmem:s14+$0x100C0] =	vst v4  }
0x1c0: {  	v8 =	vadd.f32 v8, v9;
	v2 =	vadd.f32 v2, v3;
	v3 =	vld [tilespmem:s6+$0xD0]  }
0x1c1: {  	v9 =	vld [tilespmem:s12+$0x100F0]  }
0x1c2: {  	[tilespmem:s12+$0x100E0] =	vst v8;
	v8 =	vld [tilespmem:s14+$0x10070];
	v11 =	vmul.f32 $1.131370830e+01, v11  }
0x1c3: {  	v7 =	vld [tilespmem:s13+$0xF0];
	[tilespmem:s14+$0x10030] =	vst v2;
	v2 =	vmul.f32 $1.131370830e+01, v6  }
0x1c4: {  	v6 =	vadd.f32 v15, v11;
	v11 =	vld [tilespmem:s6+$0x40]  }
0x1c5: {  	v10 =	vld [tilespmem:s13+$0x60];
	v15 =	vmul.f32 $1.131370830e+01, v17;
	v2 =	vadd.f32 v3, v2  }
0x1c6: {  	v4 =	vld [tilespmem:s15+$0x10030];
	[tilespmem:s15+$0x10090] =	vst v6  }
0x1c7: {  	v3 =	vmul.f32 $1.131370830e+01, v12;
	v6 =	vadd.f32 v14, v15;
	v14 =	vld [tilespmem:s19+$0xA0];
	[tilespmem:s14+$0x100D0] =	vst v2  }
0x1c8: {  	v9 =	vmul.f32 $1.131370830e+01, v9;
	v20 =	vld [tilespmem:s6+$0xE0]  }
0x1c9: {  	v15 =	vld [tilespmem:s15+$0x10050];
	v2 =	vmul.f32 $1.131370830e+01, v0;
	v11 =	vadd.f32 v11, v3  }
0x1ca: {  	[tilespmem:s15+$0x10010] =	vst v6;
	v0 =	vmul.f32 $1.131370830e+01, v1;
	v1 =	vadd.f32 v7, v9;
	v6 =	vld [tilespmem:s15+$0x10060];
	v7 =	vmul.f32 $1.131370830e+01, v63  }
0x1cb: {  	v3 =	vmul.f32 $1.131370830e+01, v5;
	v12 =	vld [tilespmem:s19+$0x20];
	v10 =	vadd.f32 v10, v2;
	[tilespmem:s14+$0x10040] =	vst v11;
	v11 =	vmul.f32 $1.131370830e+01, v19  }
0x1cc: {  	v5 =	vmul.f32 $1.131370830e+01, v4;
	v4 =	vmul.f32 $1.131370830e+01, v62;
	[tilespmem:s12+$0x100F0] =	vst v1;
	v7 =	vadd.f32 v14, v7;
	v9 =	vld [tilespmem:s6+$0x50]  }
0x1cd: {  	s18 =	sadd.s32 $0x2, s29;
	v2 =	vmul.f32 $1.131370830e+01, v13;
	v1 =	vmul.f32 $1.131370830e+01, v8;
	v13 =	vld [tilespmem:s15+$0x100B0];
	[tilespmem:s12+$0x10060] =	vst v10;
	v10 =	vadd.f32 v20, v11  }
0x1ce: {  	s21 =	sadd.s32 $0x2, s21;
	s17 =	simm.s32 $0x4;
	s20 =	simm.s32 $0x800;
	v8 =	vmul.f32 $1.131370830e+01, v18;
	v11 =	vmul.f32 $1.131370830e+01, v15;
	[tilespmem:s15+$0x100A0] =	vst v7;
	v7 =	vld [tilespmem:s14+$0x100F0]  }
.LBB2_7:
0x1cf: {  	s22 =	smulhi.u32 $0x51EB851F, s21;
	v6 =	vmul.f32 $1.131370830e+01, v6;
	v14 =	vld [tilespmem:s19+$0xB0];
	[tilespmem:s14+$0x100E0] =	vst v10  }
0x1d0: {  	s17 =	sadd.s32 $0x2, s17;
	v8 =	vadd.f32 v12, v8;
	v10 =	vld [tilespmem:s6+$0xF0]  }
0x1d1: {  	p1 =	slt.u32 s17, $0x7E;
	s22 =	sshrl.u32 s22, $0x6;
	v12 =	vld [tilespmem:s15+$0x10070];
	v9 =	vadd.f32 v9, v3;
	v3 =	vmov v11  }
0x1d2: {  	s22 =	smul.u32 $0xFFFE7000, s22;
	[tilespmem:s15+$0x10020] =	vst v8;
	v8 =	vmul.f32 $1.131370830e+01, v13;
	v11 =	vld [tilespmem:s13+$0x70];
	s13 =	smov.u32 s6;
	s6 =	smov.u32 s19  }
0x1d3: {  	s20 =	sadd.s32 $0x400, s20;
	v13 =	vld [tilespmem:s6+$0x30];
	[tilespmem:s14+$0x10050] =	vst v9;
	v7 =	vmul.f32 $1.131370830e+01, v7  }
0x1d4: {  	s19 =	sshra.s32 s22, $0x2;
	s22 =	sshra.s32 s20, $0x2;
	v8 =	vadd.f32 v14, v8;
	v9 =	vld [tilespmem:s13+$0x60]  }
0x1d5: {  	s19 =	sadd.s32 s19, s11;
	v14 =	vld [tilespmem:s22+$0x10080];
	v7 =	vadd.f32 v10, v7  }
0x1d6: {  	s19 =	sadd.s32 s22, s19;
	v10 =	vmul.f32 $1.131370830e+01, v12;
	[tilespmem:s15+$0x100B0] =	vst v8;
	v8 =	vld [tilespmem:s15+$0x100C0]  }
0x1d7: {  	v12 =	vld [tilespmem:s19+$0x80];
	[tilespmem:s14+$0x100F0] =	vst v7;
	v7 =	vadd.f32 v11, v0;
	v0 =	vmov v1  }
0x1d8: {  	v5 =	vadd.f32 v13, v5;
	v11 =	vld [tilespmem:s6+$0xC0];
	v1 =	vmov v10  }
0x1d9: {  	v10 =	vld [tilespmem:s22+$0x10000];
	v9 =	vadd.f32 v9, v2;
	[tilespmem:s12+$0x10070] =	vst v7;
	v2 =	vmov v6;
	s12 =	smov.u32 s14;
	s14 =	smov.u32 s15;
	s15 =	smov.u32 s22  }
0x1da: {  	v6 =	vld [tilespmem:s19+$0x0];
	v7 =	vmul.f32 $1.131370830e+01, v14;
	[tilespmem:s14+$0x10030] =	vst v5  }
0x1db: {  	v5 =	vld [tilespmem:s15+$0x10010];
	v8 =	vmul.f32 $1.131370830e+01, v8;
	[tilespmem:s12+$0x10060] =	vst v9  }
0x1dc: {  	v9 =	vld [tilespmem:s15+$0x10020];
	v7 =	vadd.f32 v12, v7  }
0x1dd: {  	v12 =	vld [tilespmem:s15+$0x10090];
	v8 =	vadd.f32 v11, v8  }
0x1de: {  	v10 =	vmul.f32 $1.131370830e+01, v10;
	[tilespmem:s15+$0x10080] =	vst v7;
	v7 =	vld [tilespmem:s14+$0x100D0]  }
0x1df: {  	v11 =	vld [tilespmem:s19+$0x90];
	[tilespmem:s14+$0x100C0] =	vst v8  }
0x1e0: {  	v6 =	vadd.f32 v6, v10;
	v10 =	vmul.f32 $1.131370830e+01, v5;
	v5 =	vld [tilespmem:s6+$0xD0]  }
0x1e1: {  	v8 =	vmul.f32 $1.131370830e+01, v9;
	v9 =	vld [tilespmem:s15+$0x10030]  }
0x1e2: {  	[tilespmem:s15+$0x10000] =	vst v6;
	v6 =	vld [tilespmem:s15+$0x10040];
	v12 =	vmul.f32 $1.131370830e+01, v12  }
0x1e3: {  	v13 =	vld [tilespmem:s19+$0x10];
	v7 =	vmul.f32 $1.131370830e+01, v7  }
0x1e4: {  	v11 =	vadd.f32 v11, v12;
	v12 =	vld [tilespmem:s6+$0x40]  }
0x1e5: {  	v14 =	vld [tilespmem:s15+$0x100A0];
	v7 =	vadd.f32 v5, v7  }
0x1e6: {  	v5 =	vmul.f32 $1.131370830e+01, v9;
	[tilespmem:s15+$0x10090] =	vst v11;
	v9 =	vld [tilespmem:s14+$0x100E0]  }
0x1e7: {  	v6 =	vmul.f32 $1.131370830e+01, v6;
	v11 =	vld [tilespmem:s19+$0xA0];
	[tilespmem:s14+$0x100D0] =	vst v7  }
0x1e8: {  	v7 =	vadd.f32 v13, v10;
	v10 =	vld [tilespmem:s6+$0xE0]  }
0x1e9: {  	v15 =	vld [tilespmem:s15+$0x10050];
	v13 =	vadd.f32 v12, v4;
	v4 =	vmov v6  }
.Ltmp4:
0x1ea: {  	[tilespmem:s15+$0x10010] =	vst v7;
	v6 =	vld [tilespmem:s15+$0x10060];
	v7 =	vmul.f32 $1.131370830e+01, v14;
	(pc) =	sbr.rel @p1 .LBB2_7-.Ltmp4, $4  }
0x1eb: {  	v12 =	vld [tilespmem:s19+$0x20];
	[tilespmem:s14+$0x10040] =	vst v13;
	v14 =	vmul.f32 $1.131370830e+01, v9  }
0x1ec: {  	v7 =	vadd.f32 v11, v7;
	v9 =	vld [tilespmem:s6+$0x50]  }
0x1ed: {  	v13 =	vld [tilespmem:s15+$0x100B0];
	v10 =	vadd.f32 v10, v14  }
0x1ee: {  	s21 =	sadd.s32 $0x2, s21;
	v11 =	vmul.f32 $1.131370830e+01, v15;
	[tilespmem:s15+$0x100A0] =	vst v7;
	v7 =	vld [tilespmem:s14+$0x100F0]  }
0x1ef: {  	_ = 	snop  }
0x1f0: {  	v14 =	vld [tilespmem:s19+$0xB0];
	v8 =	vadd.f32 v12, v8;
	_ =	sdelay $0x1  }
0x1f1: {  	[tilespmem:s15+$0x10020] =	vst v8  }
0x1f2: {  	v8 =	vmul.f32 $1.131370830e+01, v13;
	v13 =	vld [tilespmem:s19+$0x30];
	_ =	sdelay $0x1  }
0x1f3: {  	v8 =	vadd.f32 v14, v8;
	_ =	sdelay $0x1  }
0x1f4: {  	[tilespmem:s15+$0x100B0] =	vst v8;
	v8 =	vld [tilespmem:s15+$0x100C0]  }
0x1f5: {  	v5 =	vadd.f32 v13, v5  }
0x1f6: {  	v13 =	vld [tilespmem:s19+$0xC0]  }
0x1f7: {  	[tilespmem:s15+$0x10030] =	vst v5  }
0x1f8: {  	v5 =	vld [tilespmem:s19+$0x40]  }
0x1f9: {  	v8 =	vmul.f32 $1.131370830e+01, v8;
	_ =	sdelay $0x1  }
0x1fa: {  	v8 =	vadd.f32 v13, v8  }
0x1fb: {  	v13 =	vld [tilespmem:s15+$0x100D0]  }
0x1fc: {  	[tilespmem:s15+$0x100C0] =	vst v8;
	v4 =	vadd.f32 v5, v4  }
0x1fd: {  	v5 =	vld [tilespmem:s19+$0xD0]  }
0x1fe: {  	[tilespmem:s15+$0x10040] =	vst v4  }
0x1ff: {  	v4 =	vld [tilespmem:s19+$0x50]  }
0x200: {  	v8 =	vmul.f32 $1.131370830e+01, v13;
	_ =	sdelay $0x1  }
0x201: {  	v5 =	vadd.f32 v5, v8  }
0x202: {  	v3 =	vadd.f32 v9, v3;
	v8 =	vld [tilespmem:s15+$0x100E0]  }
0x203: {  	[tilespmem:s15+$0x100D0] =	vst v5;
	v4 =	vadd.f32 v4, v11  }
0x204: {  	[tilespmem:s14+$0x10050] =	vst v3;
	v3 =	vld [tilespmem:s19+$0xE0]  }
0x205: {  	v5 =	vld [tilespmem:s6+$0x60];
	[tilespmem:s15+$0x10050] =	vst v4  }
0x206: {  	v4 =	vld [tilespmem:s19+$0x60]  }
0x207: {  	v8 =	vmul.f32 $1.131370830e+01, v8  }
0x208: {  	[tilespmem:s14+$0x100E0] =	vst v10;
	v12 =	vld [tilespmem:s15+$0x10070]  }
0x209: {  	v6 =	vmul.f32 $1.131370830e+01, v6;
	v9 =	vld [tilespmem:s6+$0xF0];
	v3 =	vadd.f32 v3, v8  }
0x20a: {  	v2 =	vadd.f32 v5, v2;
	v5 =	vld [tilespmem:s15+$0x100F0]  }
0x20b: {  	v8 =	vld [tilespmem:s13+$0x70];
	[tilespmem:s15+$0x100E0] =	vst v3;
	v3 =	vadd.f32 v4, v6  }
0x20c: {  	[tilespmem:s14+$0x10060] =	vst v2;
	v2 =	vld [tilespmem:s19+$0xF0]  }
0x20d: {  	v4 =	vmul.f32 $1.131370830e+01, v7;
	v6 =	vld [tilespmem:s6+$0x70];
	[tilespmem:s15+$0x10060] =	vst v3  }
0x20e: {  	v3 =	vld [tilespmem:s19+$0x70]  }
0x20f: {  	v5 =	vmul.f32 $1.131370830e+01, v5;
	v4 =	vadd.f32 v9, v4  }
0x210: {  	v0 =	vadd.f32 v8, v0  }
0x211: {  	v7 =	vmul.f32 $1.131370830e+01, v12;
	[tilespmem:s14+$0x100F0] =	vst v4;
	v2 =	vadd.f32 v2, v5  }
0x212: {  	s13 =	sshll.u32 s18, $0xE;
	[tilespmem:s12+$0x10070] =	vst v0;
	v0 =	vadd.f32 v6, v1  }
0x213: {  	s6 =	sadd.s32 s8, s13;
	[tilespmem:s15+$0x100F0] =	vst v2;
	v1 =	vadd.f32 v3, v7  }
0x214: {  	s6 =	sshrl.u32 s6, $0x3;
	[tilespmem:s14+$0x10070] =	vst v0  }
0x215: {  	s17 =	simm.s32 $0x10000;
	s6 =	sadd.s32 s4, s6;
	[tilespmem:s15+$0x10070] =	vst v1  }
0x216: {  	[hbm4b:s6+s5] =	stream.linear.scatter [tilespmem:s17], [sflag:$0x8], $0x4000, $0x38;
	[tilespmem:$0x1C000] =	vst v63  }
0x217: {  	s18 =	smulhi.u32 $0x51EB851F, s2;
	s6 =	simm.s32 @!p0 $0x7  }
0x218: {  	s20 =	simm.s32 $0x4;
	_ =	swait.ge @!p0 [sflag:s6], $0x4000  }
0x219: {  	s13 =	simm.s32 @!p0 $0xC000;
	s19 =	sshrl.u32 s18, $0x6;
	[sflag:s6] =	ssyncset.done @!p0 $0x0  }
0x21a: {  	s12 =	simm.s32 @!p0 $0x80;
	[sflag:s6] =	ssyncadd.s32 @!p0 $0xFFFFC000;
	s6 =	sadd.s32 @!p0 $0x300, s30  }
0x21b: {  	[tilespmem:s13], [sflag:$0x2] =	stream.indirect.gather @!p0 [hbm4b:s1+s12], $0x80, s6, s12, $0xb8;
	[tilespmem:$0x1C000] =	vst v63  }
0x21c: {  	s6 =	smul.u32 $0xFFFE7000, s19;
	_ =	swait.ge [sflag:s20], $0x4000  }
0x21d: {  	[sflag:s20] =	ssyncset.done $0x0  }
0x21e: {  	s12 =	simm.s32 $0x0;
	s6 =	sshra.s32 s6, $0x2;
	[sflag:s20] =	ssyncadd.s32 $0xFFFFC000  }
0x21f: {  	s6 =	sadd.s32 s6, s7;
	v0 =	vld [tilespmem:s12+$0x14080]  }
0x220: {  	s13 =	sadd.s32 $0x0, s6  }
0x221: {  	v1 =	vld [tilespmem:s13+$0x80];
	_ =	sdelay $0x2  }
0x222: {  	v2 =	vld [tilespmem:s12+$0x14000];
	v0 =	vmul.f32 $1.131370830e+01, v0;
	_ =	sdelay $0x1  }
0x223: {  	v3 =	vld [tilespmem:s13+$0x0];
	v0 =	vadd.f32 v1, v0  }
0x224: {  	v1 =	vld [tilespmem:s12+$0x14090]  }
0x225: {  	[tilespmem:s12+$0x14080] =	vst v0  }
0x226: {  	v0 =	vmul.f32 $1.131370830e+01, v2;
	v2 =	vld [tilespmem:s13+$0x90];
	_ =	sdelay $0x1  }
0x227: {  	v0 =	vadd.f32 v3, v0  }
0x228: {  	v4 =	vld [tilespmem:s12+$0x14010];
	v1 =	vmul.f32 $1.131370830e+01, v1  }
0x229: {  	[tilespmem:s12+$0x14000] =	vst v0  }
0x22a: {  	v0 =	vld [tilespmem:s13+$0x10];
	v1 =	vadd.f32 v2, v1  }
0x22b: {  	v2 =	vld [tilespmem:s12+$0x140A0]  }
0x22c: {  	[tilespmem:s12+$0x14090] =	vst v1  }
0x22d: {  	v1 =	vmul.f32 $1.131370830e+01, v4;
	v4 =	vld [tilespmem:s13+$0xA0];
	_ =	sdelay $0x1  }
0x22e: {  	v0 =	vadd.f32 v0, v1  }
0x22f: {  	v1 =	vmul.f32 $1.131370830e+01, v2  }
0x230: {  	v5 =	vld [tilespmem:s12+$0x14020];
	[tilespmem:s12+$0x14010] =	vst v0  }
0x231: {  	v2 =	vld [tilespmem:s13+$0x20];
	v0 =	vadd.f32 v4, v1  }
0x232: {  	s21 =	sadd.s32 $0x2, s2;
	v1 =	vld [tilespmem:s12+$0x140B0]  }
0x233: {  	s22 =	smulhi.u32 $0x51EB851F, s21;
	v6 =	vld [tilespmem:s12+$0x14040];
	[tilespmem:s12+$0x140A0] =	vst v0  }
0x234: {  	s21 =	sadd.s32 $0x2, s21;
	v4 =	vld [tilespmem:s13+$0xB0]  }
0x235: {  	s15 =	smulhi.u32 $0x51EB851F, s21;
	v7 =	vld [tilespmem:s12+$0x14050];
	s6 =	sshrl.u32 s22, $0x6;
	v5 =	vmul.f32 $1.131370830e+01, v5  }
0x236: {  	s14 =	simm.s32 $0x100;
	v8 =	vld [tilespmem:s12+$0x140C0];
	s6 =	smul.u32 $0xFFFE7000, s6  }
0x237: {  	v9 =	vld [tilespmem:s14+$0x14000];
	v2 =	vadd.f32 v2, v5;
	v5 =	vmul.f32 $1.131370830e+01, v1  }
0x238: {  	s15 =	sshrl.u32 s15, $0x6;
	v12 =	vld [tilespmem:s14+$0x14010];
	s6 =	sshra.s32 s6, $0x2  }
0x239: {  	s15 =	smul.u32 $0xFFFE7000, s15;
	s6 =	sadd.s32 s6, s7;
	[tilespmem:s12+$0x14020] =	vst v2;
	v2 =	vadd.f32 v4, v5;
	v4 =	vld [tilespmem:s14+$0x14080]  }
0x23a: {  	v13 =	vld [tilespmem:s14+$0x14020];
	s6 =	sadd.s32 $0x100, s6  }
0x23b: {  	s17 =	sshra.s32 s15, $0x2;
	s15 =	simm.s32 $0x200;
	[tilespmem:s12+$0x140B0] =	vst v2;
	v2 =	vld [tilespmem:s6+$0x80]  }
0x23c: {  	v14 =	vld [tilespmem:s15+$0x14000]  }
0x23d: {  	v3 =	vld [tilespmem:s12+$0x14030]  }
0x23e: {  	v10 =	vld [tilespmem:s13+$0xC0];
	v4 =	vmul.f32 $1.131370830e+01, v4  }
0x23f: {  	v11 =	vld [tilespmem:s6+$0x0]  }
0x240: {  	s17 =	sadd.s32 s17, s7;
	v5 =	vld [tilespmem:s13+$0x30];
	v2 =	vadd.f32 v2, v4  }
0x241: {  	s19 =	sadd.s32 $0x200, s17;
	v4 =	vmul.f32 $1.131370830e+01, v8;
	v8 =	vld [tilespmem:s14+$0x14090]  }
0x242: {  	v16 =	vld [tilespmem:s19+$0x0];
	v9 =	vmul.f32 $1.131370830e+01, v9;
	[tilespmem:s14+$0x14080] =	vst v2  }
0x243: {  	v2 =	vmul.f32 $1.131370830e+01, v3;
	v3 =	vadd.f32 v10, v4;
	v4 =	vld [tilespmem:s6+$0x90]  }
0x244: {  	v9 =	vadd.f32 v11, v9;
	v10 =	vld [tilespmem:s12+$0x140D0]  }
0x245: {  	v17 =	vld [tilespmem:s15+$0x14010];
	v2 =	vadd.f32 v5, v2  }
0x246: {  	v18 =	vld [tilespmem:s15+$0x14020];
	[tilespmem:s14+$0x14000] =	vst v9;
	v8 =	vmul.f32 $1.131370830e+01, v8  }
0x247: {  	[tilespmem:s12+$0x14030] =	vst v2;
	v2 =	vld [tilespmem:s6+$0x10]  }
0x248: {  	v4 =	vadd.f32 v4, v8;
	v8 =	vld [tilespmem:s13+$0x40]  }
0x249: {  	v14 =	vmul.f32 $1.131370830e+01, v14;
	v9 =	vmul.f32 $1.131370830e+01, v10;
	v10 =	vld [tilespmem:s14+$0x140A0]  }
0x24a: {  	v62 =	vld [tilespmem:s15+$0x14040];
	v11 =	vmul.f32 $1.131370830e+01, v12;
	[tilespmem:s14+$0x14090] =	vst v4  }
0x24b: {  	v14 =	vadd.f32 v16, v14;
	v4 =	vmul.f32 $1.131370830e+01, v6;
	v6 =	vld [tilespmem:s6+$0xA0]  }
0x24c: {  	v63 =	vld [tilespmem:s15+$0x140A0];
	v2 =	vadd.f32 v2, v11  }
0x24d: {  	v19 =	vld [tilespmem:s14+$0x140E0];
	[tilespmem:s15+$0x14000] =	vst v14;
	v4 =	vadd.f32 v8, v4  }
0x24e: {  	v14 =	vld [tilespmem:s19+$0x10];
	[tilespmem:s14+$0x14010] =	vst v2;
	v2 =	vmul.f32 $1.131370830e+01, v10  }
0x24f: {  	v12 =	vld [tilespmem:s14+$0x14040];
	[tilespmem:s12+$0x14040] =	vst v4  }
0x250: {  	v2 =	vadd.f32 v6, v2;
	v4 =	vld [tilespmem:s13+$0x50]  }
0x251: {  	[tilespmem:s12+$0x140C0] =	vst v3;
	v6 =	vld [tilespmem:s14+$0x140B0]  }
0x252: {  	v5 =	vld [tilespmem:s13+$0xD0];
	[tilespmem:s14+$0x140A0] =	vst v2  }
0x253: {  	v11 =	vld [tilespmem:s6+$0xB0]  }
0x254: {  	v7 =	vmul.f32 $1.131370830e+01, v7;
	v0 =	vld [tilespmem:s12+$0x14060]  }
0x255: {  	v1 =	vld [tilespmem:s12+$0x14070]  }
0x256: {  	v3 =	vld [tilespmem:s14+$0x14030];
	v4 =	vadd.f32 v4, v7;
	v6 =	vmul.f32 $1.131370830e+01, v6  }
0x257: {  	v10 =	vld [tilespmem:s6+$0x20]  }
0x258: {  	v5 =	vadd.f32 v5, v9;
	v9 =	vld [tilespmem:s12+$0x140E0];
	[tilespmem:s12+$0x14050] =	vst v4;
	v4 =	vadd.f32 v11, v6  }
0x259: {  	v6 =	vld [tilespmem:s15+$0x14080]  }
0x25a: {  	v2 =	vmul.f32 $1.131370830e+01, v13;
	[tilespmem:s14+$0x140B0] =	vst v4;
	v4 =	vld [tilespmem:s14+$0x140C0]  }
0x25b: {  	v11 =	vld [tilespmem:s19+$0x80]  }
0x25c: {  	v2 =	vadd.f32 v10, v2;
	v15 =	vld [tilespmem:s6+$0xC0]  }
0x25d: {  	[tilespmem:s12+$0x140D0] =	vst v5;
	v5 =	vld [tilespmem:s14+$0x14050]  }
0x25e: {  	v8 =	vld [tilespmem:s13+$0xE0];
	[tilespmem:s14+$0x14020] =	vst v2;
	v6 =	vmul.f32 $1.131370830e+01, v6  }
0x25f: {  	v2 =	vld [tilespmem:s6+$0x30];
	v4 =	vmul.f32 $1.131370830e+01, v4  }
0x260: {  	v13 =	vld [tilespmem:s14+$0x14060];
	v6 =	vadd.f32 v11, v6  }
0x261: {  	v11 =	vld [tilespmem:s15+$0x14090];
	v4 =	vadd.f32 v15, v4  }
0x262: {  	v3 =	vmul.f32 $1.131370830e+01, v3;
	v9 =	vmul.f32 $1.131370830e+01, v9;
	[tilespmem:s15+$0x14080] =	vst v6;
	v6 =	vld [tilespmem:s14+$0x140D0]  }
0x263: {  	v15 =	vld [tilespmem:s19+$0x90];
	[tilespmem:s14+$0x140C0] =	vst v4  }
0x264: {  	v8 =	vadd.f32 v8, v9;
	v2 =	vadd.f32 v2, v3;
	v3 =	vld [tilespmem:s6+$0xD0]  }
0x265: {  	v9 =	vld [tilespmem:s12+$0x140F0]  }
0x266: {  	[tilespmem:s12+$0x140E0] =	vst v8;
	v8 =	vld [tilespmem:s14+$0x14070];
	v11 =	vmul.f32 $1.131370830e+01, v11  }
0x267: {  	v7 =	vld [tilespmem:s13+$0xF0];
	[tilespmem:s14+$0x14030] =	vst v2;
	v2 =	vmul.f32 $1.131370830e+01, v6  }
0x268: {  	v6 =	vadd.f32 v15, v11;
	v11 =	vld [tilespmem:s6+$0x40]  }
0x269: {  	v10 =	vld [tilespmem:s13+$0x60];
	v15 =	vmul.f32 $1.131370830e+01, v17;
	v2 =	vadd.f32 v3, v2  }
0x26a: {  	v4 =	vld [tilespmem:s15+$0x14030];
	[tilespmem:s15+$0x14090] =	vst v6  }
0x26b: {  	v3 =	vmul.f32 $1.131370830e+01, v12;
	v6 =	vadd.f32 v14, v15;
	v14 =	vld [tilespmem:s19+$0xA0];
	[tilespmem:s14+$0x140D0] =	vst v2  }
0x26c: {  	v9 =	vmul.f32 $1.131370830e+01, v9;
	v20 =	vld [tilespmem:s6+$0xE0]  }
0x26d: {  	v15 =	vld [tilespmem:s15+$0x14050];
	v2 =	vmul.f32 $1.131370830e+01, v0;
	v11 =	vadd.f32 v11, v3  }
0x26e: {  	[tilespmem:s15+$0x14010] =	vst v6;
	v0 =	vmul.f32 $1.131370830e+01, v1;
	v1 =	vadd.f32 v7, v9;
	v6 =	vld [tilespmem:s15+$0x14060];
	v7 =	vmul.f32 $1.131370830e+01, v63  }
0x26f: {  	v3 =	vmul.f32 $1.131370830e+01, v5;
	v12 =	vld [tilespmem:s19+$0x20];
	v10 =	vadd.f32 v10, v2;
	[tilespmem:s14+$0x14040] =	vst v11;
	v11 =	vmul.f32 $1.131370830e+01, v19  }
0x270: {  	v5 =	vmul.f32 $1.131370830e+01, v4;
	v4 =	vmul.f32 $1.131370830e+01, v62;
	[tilespmem:s12+$0x140F0] =	vst v1;
	v7 =	vadd.f32 v14, v7;
	v9 =	vld [tilespmem:s6+$0x50]  }
0x271: {  	s18 =	sadd.s32 $0x3, s29;
	v2 =	vmul.f32 $1.131370830e+01, v13;
	v1 =	vmul.f32 $1.131370830e+01, v8;
	v13 =	vld [tilespmem:s15+$0x140B0];
	[tilespmem:s12+$0x14060] =	vst v10;
	v10 =	vadd.f32 v20, v11  }
0x272: {  	s21 =	sadd.s32 $0x2, s21;
	s17 =	simm.s32 $0x4;
	s20 =	simm.s32 $0x800;
	v8 =	vmul.f32 $1.131370830e+01, v18;
	v11 =	vmul.f32 $1.131370830e+01, v15;
	[tilespmem:s15+$0x140A0] =	vst v7;
	v7 =	vld [tilespmem:s14+$0x140F0]  }
.LBB2_9:
0x273: {  	s22 =	smulhi.u32 $0x51EB851F, s21;
	v6 =	vmul.f32 $1.131370830e+01, v6;
	v14 =	vld [tilespmem:s19+$0xB0];
	[tilespmem:s14+$0x140E0] =	vst v10  }
0x274: {  	s17 =	sadd.s32 $0x2, s17;
	v8 =	vadd.f32 v12, v8;
	v10 =	vld [tilespmem:s6+$0xF0]  }
0x275: {  	p1 =	slt.u32 s17, $0x7E;
	s22 =	sshrl.u32 s22, $0x6;
	v12 =	vld [tilespmem:s15+$0x14070];
	v9 =	vadd.f32 v9, v3;
	v3 =	vmov v11  }
0x276: {  	s22 =	smul.u32 $0xFFFE7000, s22;
	[tilespmem:s15+$0x14020] =	vst v8;
	v8 =	vmul.f32 $1.131370830e+01, v13;
	v11 =	vld [tilespmem:s13+$0x70];
	s13 =	smov.u32 s6;
	s6 =	smov.u32 s19  }
0x277: {  	s20 =	sadd.s32 $0x400, s20;
	v13 =	vld [tilespmem:s6+$0x30];
	[tilespmem:s14+$0x14050] =	vst v9;
	v7 =	vmul.f32 $1.131370830e+01, v7  }
0x278: {  	s19 =	sshra.s32 s22, $0x2;
	s22 =	sshra.s32 s20, $0x2;
	v8 =	vadd.f32 v14, v8;
	v9 =	vld [tilespmem:s13+$0x60]  }
0x279: {  	s19 =	sadd.s32 s19, s7;
	v14 =	vld [tilespmem:s22+$0x14080];
	v7 =	vadd.f32 v10, v7  }
0x27a: {  	s19 =	sadd.s32 s22, s19;
	v10 =	vmul.f32 $1.131370830e+01, v12;
	[tilespmem:s15+$0x140B0] =	vst v8;
	v8 =	vld [tilespmem:s15+$0x140C0]  }
0x27b: {  	v12 =	vld [tilespmem:s19+$0x80];
	[tilespmem:s14+$0x140F0] =	vst v7;
	v7 =	vadd.f32 v11, v0;
	v0 =	vmov v1  }
0x27c: {  	v5 =	vadd.f32 v13, v5;
	v11 =	vld [tilespmem:s6+$0xC0];
	v1 =	vmov v10  }
0x27d: {  	v10 =	vld [tilespmem:s22+$0x14000];
	v9 =	vadd.f32 v9, v2;
	[tilespmem:s12+$0x14070] =	vst v7;
	v2 =	vmov v6;
	s12 =	smov.u32 s14;
	s14 =	smov.u32 s15;
	s15 =	smov.u32 s22  }
0x27e: {  	v6 =	vld [tilespmem:s19+$0x0];
	v7 =	vmul.f32 $1.131370830e+01, v14;
	[tilespmem:s14+$0x14030] =	vst v5  }
0x27f: {  	v5 =	vld [tilespmem:s15+$0x14010];
	v8 =	vmul.f32 $1.131370830e+01, v8;
	[tilespmem:s12+$0x14060] =	vst v9  }
0x280: {  	v9 =	vld [tilespmem:s15+$0x14020];
	v7 =	vadd.f32 v12, v7  }
0x281: {  	v12 =	vld [tilespmem:s15+$0x14090];
	v8 =	vadd.f32 v11, v8  }
0x282: {  	v10 =	vmul.f32 $1.131370830e+01, v10;
	[tilespmem:s15+$0x14080] =	vst v7;
	v7 =	vld [tilespmem:s14+$0x140D0]  }
0x283: {  	v11 =	vld [tilespmem:s19+$0x90];
	[tilespmem:s14+$0x140C0] =	vst v8  }
0x284: {  	v6 =	vadd.f32 v6, v10;
	v10 =	vmul.f32 $1.131370830e+01, v5;
	v5 =	vld [tilespmem:s6+$0xD0]  }
0x285: {  	v8 =	vmul.f32 $1.131370830e+01, v9;
	v9 =	vld [tilespmem:s15+$0x14030]  }
0x286: {  	[tilespmem:s15+$0x14000] =	vst v6;
	v6 =	vld [tilespmem:s15+$0x14040];
	v12 =	vmul.f32 $1.131370830e+01, v12  }
0x287: {  	v13 =	vld [tilespmem:s19+$0x10];
	v7 =	vmul.f32 $1.131370830e+01, v7  }
0x288: {  	v11 =	vadd.f32 v11, v12;
	v12 =	vld [tilespmem:s6+$0x40]  }
0x289: {  	v14 =	vld [tilespmem:s15+$0x140A0];
	v7 =	vadd.f32 v5, v7  }
0x28a: {  	v5 =	vmul.f32 $1.131370830e+01, v9;
	[tilespmem:s15+$0x14090] =	vst v11;
	v9 =	vld [tilespmem:s14+$0x140E0]  }
0x28b: {  	v6 =	vmul.f32 $1.131370830e+01, v6;
	v11 =	vld [tilespmem:s19+$0xA0];
	[tilespmem:s14+$0x140D0] =	vst v7  }
0x28c: {  	v7 =	vadd.f32 v13, v10;
	v10 =	vld [tilespmem:s6+$0xE0]  }
0x28d: {  	v15 =	vld [tilespmem:s15+$0x14050];
	v13 =	vadd.f32 v12, v4;
	v4 =	vmov v6  }
.Ltmp5:
0x28e: {  	[tilespmem:s15+$0x14010] =	vst v7;
	v6 =	vld [tilespmem:s15+$0x14060];
	v7 =	vmul.f32 $1.131370830e+01, v14;
	(pc) =	sbr.rel @p1 .LBB2_9-.Ltmp5, $4  }
0x28f: {  	v12 =	vld [tilespmem:s19+$0x20];
	[tilespmem:s14+$0x14040] =	vst v13;
	v14 =	vmul.f32 $1.131370830e+01, v9  }
0x290: {  	v7 =	vadd.f32 v11, v7;
	v9 =	vld [tilespmem:s6+$0x50]  }
0x291: {  	v13 =	vld [tilespmem:s15+$0x140B0];
	v10 =	vadd.f32 v10, v14  }
0x292: {  	s21 =	sadd.s32 $0x2, s21;
	v11 =	vmul.f32 $1.131370830e+01, v15;
	[tilespmem:s15+$0x140A0] =	vst v7;
	v7 =	vld [tilespmem:s14+$0x140F0]  }
0x293: {  	_ = 	snop  }
0x294: {  	v14 =	vld [tilespmem:s19+$0xB0];
	v8 =	vadd.f32 v12, v8;
	_ =	sdelay $0x1  }
0x295: {  	[tilespmem:s15+$0x14020] =	vst v8  }
0x296: {  	v8 =	vmul.f32 $1.131370830e+01, v13;
	v13 =	vld [tilespmem:s19+$0x30];
	_ =	sdelay $0x1  }
0x297: {  	v8 =	vadd.f32 v14, v8;
	_ =	sdelay $0x1  }
0x298: {  	[tilespmem:s15+$0x140B0] =	vst v8;
	v8 =	vld [tilespmem:s15+$0x140C0]  }
0x299: {  	v5 =	vadd.f32 v13, v5  }
0x29a: {  	v13 =	vld [tilespmem:s19+$0xC0]  }
0x29b: {  	[tilespmem:s15+$0x14030] =	vst v5  }
0x29c: {  	v5 =	vld [tilespmem:s19+$0x40]  }
0x29d: {  	v8 =	vmul.f32 $1.131370830e+01, v8;
	_ =	sdelay $0x1  }
0x29e: {  	v8 =	vadd.f32 v13, v8  }
0x29f: {  	v13 =	vld [tilespmem:s15+$0x140D0]  }
0x2a0: {  	[tilespmem:s15+$0x140C0] =	vst v8;
	v4 =	vadd.f32 v5, v4  }
0x2a1: {  	v5 =	vld [tilespmem:s19+$0xD0]  }
0x2a2: {  	[tilespmem:s15+$0x14040] =	vst v4  }
0x2a3: {  	v4 =	vld [tilespmem:s19+$0x50]  }
0x2a4: {  	v8 =	vmul.f32 $1.131370830e+01, v13;
	_ =	sdelay $0x1  }
0x2a5: {  	v5 =	vadd.f32 v5, v8  }
0x2a6: {  	v3 =	vadd.f32 v9, v3;
	v8 =	vld [tilespmem:s15+$0x140E0]  }
0x2a7: {  	[tilespmem:s15+$0x140D0] =	vst v5;
	v4 =	vadd.f32 v4, v11  }
0x2a8: {  	[tilespmem:s14+$0x14050] =	vst v3;
	v3 =	vld [tilespmem:s19+$0xE0]  }
0x2a9: {  	v5 =	vld [tilespmem:s6+$0x60];
	[tilespmem:s15+$0x14050] =	vst v4  }
0x2aa: {  	v4 =	vld [tilespmem:s19+$0x60]  }
0x2ab: {  	v8 =	vmul.f32 $1.131370830e+01, v8  }
0x2ac: {  	[tilespmem:s14+$0x140E0] =	vst v10;
	v12 =	vld [tilespmem:s15+$0x14070]  }
0x2ad: {  	v6 =	vmul.f32 $1.131370830e+01, v6;
	v9 =	vld [tilespmem:s6+$0xF0];
	v3 =	vadd.f32 v3, v8  }
0x2ae: {  	v2 =	vadd.f32 v5, v2;
	v5 =	vld [tilespmem:s15+$0x140F0]  }
0x2af: {  	v8 =	vld [tilespmem:s13+$0x70];
	[tilespmem:s15+$0x140E0] =	vst v3;
	v3 =	vadd.f32 v4, v6  }
0x2b0: {  	[tilespmem:s14+$0x14060] =	vst v2;
	v2 =	vld [tilespmem:s19+$0xF0]  }
0x2b1: {  	v4 =	vmul.f32 $1.131370830e+01, v7;
	v6 =	vld [tilespmem:s6+$0x70];
	[tilespmem:s15+$0x14060] =	vst v3  }
0x2b2: {  	v3 =	vld [tilespmem:s19+$0x70]  }
0x2b3: {  	v5 =	vmul.f32 $1.131370830e+01, v5;
	v4 =	vadd.f32 v9, v4  }
0x2b4: {  	v0 =	vadd.f32 v8, v0  }
0x2b5: {  	v7 =	vmul.f32 $1.131370830e+01, v12;
	[tilespmem:s14+$0x140F0] =	vst v4;
	v2 =	vadd.f32 v2, v5  }
0x2b6: {  	s19 =	sshll.u32 s18, $0xE;
	[tilespmem:s12+$0x14070] =	vst v0;
	v0 =	vadd.f32 v6, v1  }
0x2b7: {  	s6 =	sadd.s32 s8, s19;
	[tilespmem:s15+$0x140F0] =	vst v2;
	v1 =	vadd.f32 v3, v7  }
0x2b8: {  	s6 =	sshrl.u32 s6, $0x3;
	[tilespmem:s14+$0x14070] =	vst v0  }
0x2b9: {  	s22 =	simm.s32 $0x14000;
	s6 =	sadd.s32 s4, s6;
	[tilespmem:s15+$0x14070] =	vst v1  }
0x2ba: {  	[hbm4b:s6+s5] =	stream.linear.scatter [tilespmem:s22], [sflag:$0x9], $0x4000, $0x38;
	[tilespmem:$0x1C000] =	vst v63  }
0x2bb: {  	s20 =	smulhi.u32 $0x51EB851F, s10;
	s6 =	simm.s32 @!p0 $0x8  }
0x2bc: {  	_ =	swait.ge @!p0 [sflag:s6], $0x4000  }
0x2bd: {  	s21 =	sshrl.u32 s20, $0x6;
	s13 =	simm.s32 @!p0 $0x10000;
	[sflag:s6] =	ssyncset.done @!p0 $0x0  }
0x2be: {  	s12 =	simm.s32 @!p0 $0x80;
	[sflag:s6] =	ssyncadd.s32 @!p0 $0xFFFFC000;
	s6 =	sadd.s32 @!p0 $0x380, s30  }
0x2bf: {  	[tilespmem:s13], [sflag:$0x3] =	stream.indirect.gather @!p0 [hbm4b:s1+s12], $0x80, s6, s12, $0xb8;
	[tilespmem:$0x1C000] =	vst v63  }
0x2c0: {  	s6 =	smul.u32 $0xFFFE7000, s21;
	_ =	swait.ge [sflag:s23], $0x4000  }
0x2c1: {  	[sflag:s23] =	ssyncset.done $0x0  }
0x2c2: {  	s12 =	simm.s32 $0x0;
	s6 =	sshra.s32 s6, $0x2;
	[sflag:s23] =	ssyncadd.s32 $0xFFFFC000  }
0x2c3: {  	s6 =	sadd.s32 s6, s9;
	v0 =	vld [tilespmem:s12+$0x18080]  }
0x2c4: {  	s13 =	sadd.s32 $0x0, s6  }
0x2c5: {  	v1 =	vld [tilespmem:s13+$0x80];
	_ =	sdelay $0x2  }
0x2c6: {  	v2 =	vld [tilespmem:s12+$0x18000];
	v0 =	vmul.f32 $1.131370830e+01, v0;
	_ =	sdelay $0x1  }
0x2c7: {  	v3 =	vld [tilespmem:s13+$0x0];
	v0 =	vadd.f32 v1, v0  }
0x2c8: {  	v1 =	vld [tilespmem:s12+$0x18090]  }
0x2c9: {  	[tilespmem:s12+$0x18080] =	vst v0  }
0x2ca: {  	v0 =	vmul.f32 $1.131370830e+01, v2;
	v2 =	vld [tilespmem:s13+$0x90];
	_ =	sdelay $0x1  }
0x2cb: {  	v0 =	vadd.f32 v3, v0  }
0x2cc: {  	v4 =	vld [tilespmem:s12+$0x18010];
	v1 =	vmul.f32 $1.131370830e+01, v1  }
0x2cd: {  	[tilespmem:s12+$0x18000] =	vst v0  }
0x2ce: {  	v0 =	vld [tilespmem:s13+$0x10];
	v1 =	vadd.f32 v2, v1  }
0x2cf: {  	v2 =	vld [tilespmem:s12+$0x180A0]  }
0x2d0: {  	[tilespmem:s12+$0x18090] =	vst v1  }
0x2d1: {  	v1 =	vmul.f32 $1.131370830e+01, v4;
	v4 =	vld [tilespmem:s13+$0xA0];
	_ =	sdelay $0x1  }
0x2d2: {  	v0 =	vadd.f32 v0, v1  }
0x2d3: {  	v1 =	vmul.f32 $1.131370830e+01, v2  }
0x2d4: {  	v5 =	vld [tilespmem:s12+$0x18020];
	[tilespmem:s12+$0x18010] =	vst v0  }
0x2d5: {  	v2 =	vld [tilespmem:s13+$0x20];
	v0 =	vadd.f32 v4, v1  }
0x2d6: {  	s29 =	sadd.s32 $0x2, s10;
	v1 =	vld [tilespmem:s12+$0x180B0]  }
0x2d7: {  	s30 =	smulhi.u32 $0x51EB851F, s29;
	v6 =	vld [tilespmem:s12+$0x18040];
	[tilespmem:s12+$0x180A0] =	vst v0  }
0x2d8: {  	s20 =	sadd.s32 $0x2, s29;
	v4 =	vld [tilespmem:s13+$0xB0]  }
0x2d9: {  	s15 =	smulhi.u32 $0x51EB851F, s20;
	v7 =	vld [tilespmem:s12+$0x18050];
	s6 =	sshrl.u32 s30, $0x6;
	v5 =	vmul.f32 $1.131370830e+01, v5  }
0x2da: {  	s14 =	simm.s32 $0x100;
	v8 =	vld [tilespmem:s12+$0x180C0];
	s6 =	smul.u32 $0xFFFE7000, s6  }
0x2db: {  	v9 =	vld [tilespmem:s14+$0x18000];
	v2 =	vadd.f32 v2, v5;
	v5 =	vmul.f32 $1.131370830e+01, v1  }
0x2dc: {  	s15 =	sshrl.u32 s15, $0x6;
	v12 =	vld [tilespmem:s14+$0x18010];
	s6 =	sshra.s32 s6, $0x2  }
0x2dd: {  	s15 =	smul.u32 $0xFFFE7000, s15;
	s6 =	sadd.s32 s6, s9;
	[tilespmem:s12+$0x18020] =	vst v2;
	v2 =	vadd.f32 v4, v5;
	v4 =	vld [tilespmem:s14+$0x18080]  }
0x2de: {  	v13 =	vld [tilespmem:s14+$0x18020];
	s6 =	sadd.s32 $0x100, s6  }
0x2df: {  	s17 =	sshra.s32 s15, $0x2;
	s15 =	simm.s32 $0x200;
	[tilespmem:s12+$0x180B0] =	vst v2;
	v2 =	vld [tilespmem:s6+$0x80]  }
0x2e0: {  	v14 =	vld [tilespmem:s15+$0x18000]  }
0x2e1: {  	v3 =	vld [tilespmem:s12+$0x18030]  }
0x2e2: {  	v10 =	vld [tilespmem:s13+$0xC0];
	v4 =	vmul.f32 $1.131370830e+01, v4  }
0x2e3: {  	v11 =	vld [tilespmem:s6+$0x0]  }
0x2e4: {  	s17 =	sadd.s32 s17, s9;
	v5 =	vld [tilespmem:s13+$0x30];
	v2 =	vadd.f32 v2, v4  }
0x2e5: {  	s19 =	sadd.s32 $0x200, s17;
	v4 =	vmul.f32 $1.131370830e+01, v8;
	v8 =	vld [tilespmem:s14+$0x18090]  }
0x2e6: {  	v16 =	vld [tilespmem:s19+$0x0];
	v9 =	vmul.f32 $1.131370830e+01, v9;
	[tilespmem:s14+$0x18080] =	vst v2  }
0x2e7: {  	v2 =	vmul.f32 $1.131370830e+01, v3;
	v3 =	vadd.f32 v10, v4;
	v4 =	vld [tilespmem:s6+$0x90]  }
0x2e8: {  	v9 =	vadd.f32 v11, v9;
	v10 =	vld [tilespmem:s12+$0x180D0]  }
0x2e9: {  	v17 =	vld [tilespmem:s15+$0x18010];
	v2 =	vadd.f32 v5, v2  }
0x2ea: {  	v18 =	vld [tilespmem:s15+$0x18020];
	[tilespmem:s14+$0x18000] =	vst v9;
	v8 =	vmul.f32 $1.131370830e+01, v8  }
0x2eb: {  	[tilespmem:s12+$0x18030] =	vst v2;
	v2 =	vld [tilespmem:s6+$0x10]  }
0x2ec: {  	v4 =	vadd.f32 v4, v8;
	v8 =	vld [tilespmem:s13+$0x40]  }
0x2ed: {  	v14 =	vmul.f32 $1.131370830e+01, v14;
	v9 =	vmul.f32 $1.131370830e+01, v10;
	v10 =	vld [tilespmem:s14+$0x180A0]  }
0x2ee: {  	v62 =	vld [tilespmem:s15+$0x18040];
	v11 =	vmul.f32 $1.131370830e+01, v12;
	[tilespmem:s14+$0x18090] =	vst v4  }
0x2ef: {  	v14 =	vadd.f32 v16, v14;
	v4 =	vmul.f32 $1.131370830e+01, v6;
	v6 =	vld [tilespmem:s6+$0xA0]  }
0x2f0: {  	v63 =	vld [tilespmem:s15+$0x180A0];
	v2 =	vadd.f32 v2, v11  }
0x2f1: {  	v19 =	vld [tilespmem:s14+$0x180E0];
	[tilespmem:s15+$0x18000] =	vst v14;
	v4 =	vadd.f32 v8, v4  }
0x2f2: {  	v14 =	vld [tilespmem:s19+$0x10];
	[tilespmem:s14+$0x18010] =	vst v2;
	v2 =	vmul.f32 $1.131370830e+01, v10  }
0x2f3: {  	v12 =	vld [tilespmem:s14+$0x18040];
	[tilespmem:s12+$0x18040] =	vst v4  }
0x2f4: {  	v2 =	vadd.f32 v6, v2;
	v4 =	vld [tilespmem:s13+$0x50]  }
0x2f5: {  	[tilespmem:s12+$0x180C0] =	vst v3;
	v6 =	vld [tilespmem:s14+$0x180B0]  }
0x2f6: {  	v5 =	vld [tilespmem:s13+$0xD0];
	[tilespmem:s14+$0x180A0] =	vst v2  }
0x2f7: {  	v11 =	vld [tilespmem:s6+$0xB0]  }
0x2f8: {  	v7 =	vmul.f32 $1.131370830e+01, v7;
	v0 =	vld [tilespmem:s12+$0x18060]  }
0x2f9: {  	v1 =	vld [tilespmem:s12+$0x18070]  }
0x2fa: {  	v3 =	vld [tilespmem:s14+$0x18030];
	v4 =	vadd.f32 v4, v7;
	v6 =	vmul.f32 $1.131370830e+01, v6  }
0x2fb: {  	v10 =	vld [tilespmem:s6+$0x20]  }
0x2fc: {  	v5 =	vadd.f32 v5, v9;
	v9 =	vld [tilespmem:s12+$0x180E0];
	[tilespmem:s12+$0x18050] =	vst v4;
	v4 =	vadd.f32 v11, v6  }
0x2fd: {  	v6 =	vld [tilespmem:s15+$0x18080]  }
0x2fe: {  	v2 =	vmul.f32 $1.131370830e+01, v13;
	[tilespmem:s14+$0x180B0] =	vst v4;
	v4 =	vld [tilespmem:s14+$0x180C0]  }
0x2ff: {  	v11 =	vld [tilespmem:s19+$0x80]  }
0x300: {  	v2 =	vadd.f32 v10, v2;
	v15 =	vld [tilespmem:s6+$0xC0]  }
0x301: {  	[tilespmem:s12+$0x180D0] =	vst v5;
	v5 =	vld [tilespmem:s14+$0x18050]  }
0x302: {  	v8 =	vld [tilespmem:s13+$0xE0];
	[tilespmem:s14+$0x18020] =	vst v2;
	v6 =	vmul.f32 $1.131370830e+01, v6  }
0x303: {  	v2 =	vld [tilespmem:s6+$0x30];
	v4 =	vmul.f32 $1.131370830e+01, v4  }
0x304: {  	v13 =	vld [tilespmem:s14+$0x18060];
	v6 =	vadd.f32 v11, v6  }
0x305: {  	v11 =	vld [tilespmem:s15+$0x18090];
	v4 =	vadd.f32 v15, v4  }
0x306: {  	v3 =	vmul.f32 $1.131370830e+01, v3;
	v9 =	vmul.f32 $1.131370830e+01, v9;
	[tilespmem:s15+$0x18080] =	vst v6;
	v6 =	vld [tilespmem:s14+$0x180D0]  }
0x307: {  	v15 =	vld [tilespmem:s19+$0x90];
	[tilespmem:s14+$0x180C0] =	vst v4  }
0x308: {  	v8 =	vadd.f32 v8, v9;
	v2 =	vadd.f32 v2, v3;
	v3 =	vld [tilespmem:s6+$0xD0]  }
0x309: {  	v9 =	vld [tilespmem:s12+$0x180F0]  }
0x30a: {  	[tilespmem:s12+$0x180E0] =	vst v8;
	v8 =	vld [tilespmem:s14+$0x18070];
	v11 =	vmul.f32 $1.131370830e+01, v11  }
0x30b: {  	v7 =	vld [tilespmem:s13+$0xF0];
	[tilespmem:s14+$0x18030] =	vst v2;
	v2 =	vmul.f32 $1.131370830e+01, v6  }
0x30c: {  	v6 =	vadd.f32 v15, v11;
	v11 =	vld [tilespmem:s6+$0x40]  }
0x30d: {  	v10 =	vld [tilespmem:s13+$0x60];
	v15 =	vmul.f32 $1.131370830e+01, v17;
	v2 =	vadd.f32 v3, v2  }
0x30e: {  	v4 =	vld [tilespmem:s15+$0x18030];
	[tilespmem:s15+$0x18090] =	vst v6  }
0x30f: {  	v3 =	vmul.f32 $1.131370830e+01, v12;
	v6 =	vadd.f32 v14, v15;
	v14 =	vld [tilespmem:s19+$0xA0];
	[tilespmem:s14+$0x180D0] =	vst v2  }
0x310: {  	v9 =	vmul.f32 $1.131370830e+01, v9;
	v20 =	vld [tilespmem:s6+$0xE0]  }
0x311: {  	v15 =	vld [tilespmem:s15+$0x18050];
	v2 =	vmul.f32 $1.131370830e+01, v0;
	v11 =	vadd.f32 v11, v3  }
0x312: {  	[tilespmem:s15+$0x18010] =	vst v6;
	v0 =	vmul.f32 $1.131370830e+01, v1;
	v1 =	vadd.f32 v7, v9;
	v6 =	vld [tilespmem:s15+$0x18060];
	v7 =	vmul.f32 $1.131370830e+01, v63  }
0x313: {  	v3 =	vmul.f32 $1.131370830e+01, v5;
	v12 =	vld [tilespmem:s19+$0x20];
	v10 =	vadd.f32 v10, v2;
	[tilespmem:s14+$0x18040] =	vst v11;
	v11 =	vmul.f32 $1.131370830e+01, v19  }
0x314: {  	v5 =	vmul.f32 $1.131370830e+01, v4;
	v4 =	vmul.f32 $1.131370830e+01, v62;
	[tilespmem:s12+$0x180F0] =	vst v1;
	v7 =	vadd.f32 v14, v7;
	v9 =	vld [tilespmem:s6+$0x50]  }
0x315: {  	v2 =	vmul.f32 $1.131370830e+01, v13;
	v1 =	vmul.f32 $1.131370830e+01, v8;
	v13 =	vld [tilespmem:s15+$0x180B0];
	[tilespmem:s12+$0x18060] =	vst v10;
	v10 =	vadd.f32 v20, v11  }
0x316: {  	s18 =	simm.s32 $0x800;
	s20 =	sadd.s32 $0x2, s20;
	s17 =	simm.s32 $0x4;
	v8 =	vmul.f32 $1.131370830e+01, v18;
	v11 =	vmul.f32 $1.131370830e+01, v15;
	[tilespmem:s15+$0x180A0] =	vst v7;
	v7 =	vld [tilespmem:s14+$0x180F0]  }
.LBB2_11:
0x317: {  	s21 =	smulhi.u32 $0x51EB851F, s20;
	v6 =	vmul.f32 $1.131370830e+01, v6;
	v14 =	vld [tilespmem:s19+$0xB0];
	[tilespmem:s14+$0x180E0] =	vst v10  }
0x318: {  	s17 =	sadd.s32 $0x2, s17;
	v8 =	vadd.f32 v12, v8;
	v10 =	vld [tilespmem:s6+$0xF0]  }
0x319: {  	p1 =	slt.u32 s17, $0x7E;
	s21 =	sshrl.u32 s21, $0x6;
	v12 =	vld [tilespmem:s15+$0x18070];
	v9 =	vadd.f32 v9, v3;
	v3 =	vmov v11  }
0x31a: {  	s21 =	smul.u32 $0xFFFE7000, s21;
	[tilespmem:s15+$0x18020] =	vst v8;
	v8 =	vmul.f32 $1.131370830e+01, v13;
	v11 =	vld [tilespmem:s13+$0x70];
	s13 =	smov.u32 s6;
	s6 =	smov.u32 s19  }
0x31b: {  	s18 =	sadd.s32 $0x400, s18;
	v13 =	vld [tilespmem:s6+$0x30];
	[tilespmem:s14+$0x18050] =	vst v9;
	v7 =	vmul.f32 $1.131370830e+01, v7  }
0x31c: {  	s19 =	sshra.s32 s21, $0x2;
	s21 =	sshra.s32 s18, $0x2;
	v8 =	vadd.f32 v14, v8;
	v9 =	vld [tilespmem:s13+$0x60]  }
0x31d: {  	s19 =	sadd.s32 s19, s9;
	v14 =	vld [tilespmem:s21+$0x18080];
	v7 =	vadd.f32 v10, v7  }
0x31e: {  	s19 =	sadd.s32 s21, s19;
	v10 =	vmul.f32 $1.131370830e+01, v12;
	[tilespmem:s15+$0x180B0] =	vst v8;
	v8 =	vld [tilespmem:s15+$0x180C0]  }
0x31f: {  	v12 =	vld [tilespmem:s19+$0x80];
	[tilespmem:s14+$0x180F0] =	vst v7;
	v7 =	vadd.f32 v11, v0;
	v0 =	vmov v1  }
0x320: {  	v5 =	vadd.f32 v13, v5;
	v11 =	vld [tilespmem:s6+$0xC0];
	v1 =	vmov v10  }
0x321: {  	v10 =	vld [tilespmem:s21+$0x18000];
	v9 =	vadd.f32 v9, v2;
	[tilespmem:s12+$0x18070] =	vst v7;
	v2 =	vmov v6;
	s12 =	smov.u32 s14;
	s14 =	smov.u32 s15;
	s15 =	smov.u32 s21  }
0x322: {  	v6 =	vld [tilespmem:s19+$0x0];
	v7 =	vmul.f32 $1.131370830e+01, v14;
	[tilespmem:s14+$0x18030] =	vst v5  }
0x323: {  	v5 =	vld [tilespmem:s15+$0x18010];
	v8 =	vmul.f32 $1.131370830e+01, v8;
	[tilespmem:s12+$0x18060] =	vst v9  }
0x324: {  	v9 =	vld [tilespmem:s15+$0x18020];
	v7 =	vadd.f32 v12, v7  }
0x325: {  	v12 =	vld [tilespmem:s15+$0x18090];
	v8 =	vadd.f32 v11, v8  }
0x326: {  	v10 =	vmul.f32 $1.131370830e+01, v10;
	[tilespmem:s15+$0x18080] =	vst v7;
	v7 =	vld [tilespmem:s14+$0x180D0]  }
0x327: {  	v11 =	vld [tilespmem:s19+$0x90];
	[tilespmem:s14+$0x180C0] =	vst v8  }
0x328: {  	v6 =	vadd.f32 v6, v10;
	v10 =	vmul.f32 $1.131370830e+01, v5;
	v5 =	vld [tilespmem:s6+$0xD0]  }
0x329: {  	v8 =	vmul.f32 $1.131370830e+01, v9;
	v9 =	vld [tilespmem:s15+$0x18030]  }
0x32a: {  	[tilespmem:s15+$0x18000] =	vst v6;
	v6 =	vld [tilespmem:s15+$0x18040];
	v12 =	vmul.f32 $1.131370830e+01, v12  }
0x32b: {  	v13 =	vld [tilespmem:s19+$0x10];
	v7 =	vmul.f32 $1.131370830e+01, v7  }
0x32c: {  	v11 =	vadd.f32 v11, v12;
	v12 =	vld [tilespmem:s6+$0x40]  }
0x32d: {  	v14 =	vld [tilespmem:s15+$0x180A0];
	v7 =	vadd.f32 v5, v7  }
0x32e: {  	v5 =	vmul.f32 $1.131370830e+01, v9;
	[tilespmem:s15+$0x18090] =	vst v11;
	v9 =	vld [tilespmem:s14+$0x180E0]  }
0x32f: {  	v6 =	vmul.f32 $1.131370830e+01, v6;
	v11 =	vld [tilespmem:s19+$0xA0];
	[tilespmem:s14+$0x180D0] =	vst v7  }
0x330: {  	v7 =	vadd.f32 v13, v10;
	v10 =	vld [tilespmem:s6+$0xE0]  }
0x331: {  	v15 =	vld [tilespmem:s15+$0x18050];
	v13 =	vadd.f32 v12, v4;
	v4 =	vmov v6  }
.Ltmp6:
0x332: {  	[tilespmem:s15+$0x18010] =	vst v7;
	v6 =	vld [tilespmem:s15+$0x18060];
	v7 =	vmul.f32 $1.131370830e+01, v14;
	(pc) =	sbr.rel @p1 .LBB2_11-.Ltmp6, $4  }
0x333: {  	v12 =	vld [tilespmem:s19+$0x20];
	[tilespmem:s14+$0x18040] =	vst v13;
	v14 =	vmul.f32 $1.131370830e+01, v9  }
0x334: {  	v7 =	vadd.f32 v11, v7;
	v9 =	vld [tilespmem:s6+$0x50]  }
0x335: {  	v13 =	vld [tilespmem:s15+$0x180B0];
	v10 =	vadd.f32 v10, v14  }
0x336: {  	s20 =	sadd.s32 $0x2, s20;
	v11 =	vmul.f32 $1.131370830e+01, v15;
	[tilespmem:s15+$0x180A0] =	vst v7;
	v7 =	vld [tilespmem:s14+$0x180F0]  }
0x337: {  	_ = 	snop  }
0x338: {  	v8 =	vadd.f32 v12, v8;
	_ =	sdelay $0x1  }
0x339: {  	v14 =	vld [tilespmem:s19+$0xB0];
	[tilespmem:s15+$0x18020] =	vst v8  }
0x33a: {  	v45 =	vld [tilespmem:s19+$0x30];
	_ =	sdelay $0x1  }
0x33b: {  	v44 =	vmul.f32 $1.131370830e+01, v13;
	_ =	sdelay $0x1  }
0x33c: {  	v8 =	vadd.f32 v14, v44  }
0x33d: {  	v46 =	vld [tilespmem:s15+$0x180C0];
	v5 =	vadd.f32 v45, v5  }
0x33e: {  	[tilespmem:s15+$0x180B0] =	vst v8  }
0x33f: {  	v47 =	vld [tilespmem:s19+$0xC0];
	[tilespmem:s15+$0x18030] =	vst v5  }
0x340: {  	v5 =	vld [tilespmem:s19+$0x40];
	_ =	sdelay $0x1  }
0x341: {  	v8 =	vmul.f32 $1.131370830e+01, v46;
	_ =	sdelay $0x1  }
0x342: {  	v8 =	vadd.f32 v47, v8  }
0x343: {  	v48 =	vld [tilespmem:s15+$0x180D0];
	v4 =	vadd.f32 v5, v4  }
0x344: {  	[tilespmem:s15+$0x180C0] =	vst v8  }
0x345: {  	v49 =	vld [tilespmem:s19+$0xD0];
	[tilespmem:s15+$0x18040] =	vst v4  }
0x346: {  	v4 =	vld [tilespmem:s19+$0x50];
	_ =	sdelay $0x1  }
0x347: {  	v3 =	vadd.f32 v9, v3;
	v50 =	vmul.f32 $1.131370830e+01, v48;
	_ =	sdelay $0x1  }
0x348: {  	v51 =	vld [tilespmem:s15+$0x180E0];
	[tilespmem:s14+$0x18050] =	vst v3;
	v5 =	vadd.f32 v49, v50  }
0x349: {  	v53 =	vld [tilespmem:s6+$0x60];
	v4 =	vadd.f32 v4, v11  }
0x34a: {  	[tilespmem:s15+$0x180D0] =	vst v5  }
0x34b: {  	v52 =	vld [tilespmem:s19+$0xE0];
	[tilespmem:s15+$0x18050] =	vst v4  }
0x34c: {  	v4 =	vld [tilespmem:s19+$0x60];
	_ =	sdelay $0x1  }
0x34d: {  	v43 =	vld [tilespmem:s15+$0x18070];
	v2 =	vadd.f32 v53, v2;
	v8 =	vmul.f32 $1.131370830e+01, v51  }
0x34e: {  	v6 =	vmul.f32 $1.131370830e+01, v6;
	v55 =	vld [tilespmem:s15+$0x180F0]  }
0x34f: {  	v56 =	vld [tilespmem:s13+$0x70];
	[tilespmem:s14+$0x18060] =	vst v2;
	v3 =	vadd.f32 v52, v8  }
0x350: {  	[tilespmem:s14+$0x180E0] =	vst v10;
	v60 =	vld [tilespmem:s6+$0x70];
	v57 =	vadd.f32 v4, v6  }
0x351: {  	v54 =	vld [tilespmem:s6+$0xF0];
	[tilespmem:s15+$0x180E0] =	vst v3  }
0x352: {  	v58 =	vld [tilespmem:s19+$0xF0];
	[tilespmem:s15+$0x18060] =	vst v57  }
0x353: {  	v3 =	vld [tilespmem:s19+$0x70]  }
0x354: {  	v59 =	vmul.f32 $1.131370830e+01, v7;
	v0 =	vadd.f32 v56, v0  }
0x355: {  	v62 =	vadd.f32 v60, v1;
	v5 =	vmul.f32 $1.131370830e+01, v55  }
0x356: {  	v61 =	vmul.f32 $1.131370830e+01, v43;
	[tilespmem:s12+$0x18070] =	vst v0;
	v4 =	vadd.f32 v54, v59  }
.Ltmp7:
0x357: {  	s26 =	sshll.u32 s26, $0xE;
	[tilespmem:s14+$0x18070] =	vst v62;
	v2 =	vadd.f32 v58, v5;
	(pc) =	sbr.rel @p0 .LBB2_14-.Ltmp7, $4  }
0x358: {  	s6 =	sadd.s32 s8, s26;
	[tilespmem:s14+$0x180F0] =	vst v4;
	v63 =	vadd.f32 v3, v61  }
0x359: {  	s6 =	sshrl.u32 s6, $0x3;
	[tilespmem:s15+$0x180F0] =	vst v2  }
0x35a: {  	s29 =	simm.s32 $0x18000;
	s30 =	simm.s32 $0x80;
	s6 =	sadd.s32 s4, s6;
	[tilespmem:s15+$0x18070] =	vst v63  }
0x35b: {  	[hbm4b:s6+s5] =	stream.linear.scatter [tilespmem:s29], [sflag:$0xA], $0x4000, $0x38;
	[tilespmem:$0x1C000] =	vst v63  }
0x35c: {  	s6 =	smul.u32 $0xA00, s25;
	_ =	swait.ge [sflag:s28], $0x4000;
	s25 =	sadd.s32 $0x1, s25  }
0x35d: {  	s0 =	sadd.s32 $0x14000, s0;
	s24 =	sadd.s32 $0x280, s24;
	s3 =	sadd.s32 $0x14000, s3  }
.Ltmp8:
0x35e: {  	s16 =	sadd.s32 $0x280, s16;
	s11 =	sadd.s32 $0x14000, s11;
	(pc) =	sbr.rel .LBB2_2-.Ltmp8, $4  }
0x35f: {  	s31 =	sadd.s32 $0x280, s31;
	s7 =	sadd.s32 $0x14000, s7;
	s2 =	sadd.s32 $0x280, s2  }
0x360: {  	s9 =	sadd.s32 $0x14000, s9;
	[sflag:s28] =	ssyncset.done $0x0;
	s6 =	sshra.s32 s6, $0x2  }
0x361: {  	s10 =	sadd.s32 $0x280, s10;
	[sflag:s28] =	ssyncadd.s32 $0xFFFFC000;
	s6 =	sadd.s32 $0x400, s6  }
0x362: {  	[tilespmem:s22], [sflag:$0x4] =	stream.indirect.gather [hbm4b:s1+s30], $0x80, s6, s30, $0xb8;
	[tilespmem:$0x1C000] =	vst v63  }
.LBB2_15:
0x363: {  	_ =	sfence.sel $0x180000  }
0x364: {  	[bflag:$0x0] =	sbarrier.arrive $0xFFFF  }
0x365: {  	_ =	strace $0x90000047  }
0x366: {  	s0 =	stileid.u32;
	[bflag:$0x2] =	sbarrier.arrive $0xFFFF  }
0x367: {  	p0 =	sne.s32 s0, $0x0;
	s0 =	rddreg [dreg:$0x4]  }
0x368: {  	s0 =	sadd.s32 @!p0 $0x100000, s0  }
0x369: {  	[sflag:s0] =	ssyncadd.tile.s32 @!p0 $0x1;
	_ =	shalt  }
.Lfunc_end2:
_tile_overlayer_lowered:
.L_overlay_start_2:
0x36a: {  	(tag) =	ssettag $0x2  }
0x36b: {  	s0 =	rddreg [dreg:$0x0];
	s2 =	stileid.u32  }
0x36c: {  	s1 =	rddreg [dreg:$0x1];
	p0 =	sne.s32 s2, $0x0  }
0x36d: {  	s3 =	rddreg [dreg:$0x2];
	[bflag:$0x3] =	sbarrier.arrive $0xFFFF;
	s2 =	simm.s32 @!p0 $0x1C0C  }
0x36e: {  	[timem:s3], [sflag:s2] =	dma.local @!p0 [hbm:s0], s1  }
0x36f: {  	s0 =	simm.s32 @!p0 $0xC  }
0x370: {  	_ =	swait.ge @!p0 [sflag:s0], s1  }
0x371: {  	s1 =	ssub.s32 @!p0 $0x0, s1;
	[sflag:s0] =	ssyncset.done @!p0 $0x0  }
0x372: {  	[sflag:s0] =	ssyncadd.s32 @!p0 s1  }
0x373: {  	[bflag:$0x3] =	sbarrier.arrive $0xFFFF  }
0x374: {  	_ =	shalt  }

</sc_bundles>
